<compile_context>
chip_gen: v7x
topology: tpu7x:2x2x1
jax: 0.10.2.dev20260603
libtpu: 0.0.44.dev20260713+nightly
codegen_flags: <defaults>
</compile_context>

<pallas_src>
import functools

import jax
import jax.numpy as jnp
from jax import lax
from jax.experimental import pallas as pl
from jax.experimental.pallas import tpu as pltpu
from jax.experimental.pallas import tpu_sc as plsc

NC = 2
NS = 16
NW = NC * NS
L = 16

D_MODEL = 128
MONTH_SIZE = 13
DAY_SIZE = 32
COMB = MONTH_SIZE * DAY_SIZE

BATCH = 4096
SEQ = 200
N_ROWS = BATCH * SEQ
ROWS_PER_TILE = N_ROWS // NW
GROUP = 128
NGROUPS = ROWS_PER_TILE // GROUP
NBUF = 4
NCHUNK = 4
CHUNK_ROWS = ROWS_PER_TILE // NCHUNK


def _sc_body(tf_hbm, month_hbm, day_hbm, out_hbm,
             month_v, day_v, chunk_v, comb_sp, tf_v, idx_v,
             rows0, rows1, rows2, rows3,
             sg0, sg1, sg2, sg3, sw0, sw1, sw2, sw3):
    rows_v = (rows0, rows1, rows2, rows3)
    sem_g = (sg0, sg1, sg2, sg3)
    sem_w = (sw0, sw1, sw2, sw3)
    cid = lax.axis_index("c")
    sid = lax.axis_index("s")
    wid = sid * NC + cid
    base = wid * ROWS_PER_TILE

    @pl.when(sid == 0)
    def _build():
        pltpu.sync_copy(month_hbm, month_v)
        pltpu.sync_copy(day_hbm, day_v)

        def mloop(m, carry):
            for ch in range(D_MODEL // L):
                sl = pl.ds(ch * L, L)
                mv = month_v[m, sl]
                for dd in range(DAY_SIZE):
                    chunk_v[dd, sl] = mv + day_v[dd, sl]
            pltpu.sync_copy(chunk_v, comb_sp.at[pl.ds(m * DAY_SIZE, DAY_SIZE)])
            return carry

        lax.fori_loop(0, MONTH_SIZE, mloop, 0)

    plsc.subcore_barrier()

    lanes = lax.iota(jnp.int32, L)

    def chunk_pass(c, carry):
        pltpu.sync_copy(
            tf_hbm.at[pl.ds((base + c * CHUNK_ROWS) * 3, CHUNK_ROWS * 3)],
            tf_v)

        def dloop(k, carry2):
            pos = lanes * 3 + k * (L * 3)
            m = plsc.load_gather(tf_v, [pos])
            d = plsc.load_gather(tf_v, [pos + 1])
            idx_v[pl.ds(c * CHUNK_ROWS + k * L, L)] = m * DAY_SIZE + d
            return carry2

        return lax.fori_loop(0, CHUNK_ROWS // L, dloop, carry)

    lax.fori_loop(0, NCHUNK, chunk_pass, 0)

    def g_copy(j, b):
        return pltpu.make_async_copy(
            comb_sp.at[idx_v.at[pl.ds(j * GROUP, GROUP)]], rows_v[b],
            sem_g[b])

    def w_copy(j, b):
        return pltpu.make_async_copy(
            rows_v[b], out_hbm.at[pl.ds(base + j * GROUP, GROUP)], sem_w[b])

    LOOKAHEAD = NBUF // 2
    for b in range(LOOKAHEAD):
        g_copy(b, b).start()

    def gloop(jj, carry):
        for b in range(NBUF):
            j = jj * NBUF + b
            g_copy(j, b).wait()
            w_copy(j, b).start()
            bn = (b + LOOKAHEAD) % NBUF

            @pl.when(j + LOOKAHEAD <= NGROUPS - 1)
            def _refill():
                @pl.when(j >= LOOKAHEAD)
                def _drain():
                    w_copy(j - LOOKAHEAD, bn).wait()

                g_copy(j + LOOKAHEAD, bn).start()
        return carry

    lax.fori_loop(0, NGROUPS // NBUF, gloop, 0)
    for b in range(NBUF):
        jt = NGROUPS - NBUF + b
        w_copy(jt, jt % NBUF).wait()


@functools.partial(
    pl.kernel,
    out_type=jax.ShapeDtypeStruct((N_ROWS, D_MODEL), jnp.float32),
    mesh=plsc.VectorSubcoreMesh(core_axis_name="c", subcore_axis_name="s"),
    compiler_params=pltpu.CompilerParams(needs_layout_passes=False),
    scratch_types=[
        pltpu.VMEM((MONTH_SIZE, D_MODEL), jnp.float32),
        pltpu.VMEM((DAY_SIZE, D_MODEL), jnp.float32),
        pltpu.VMEM((DAY_SIZE, D_MODEL), jnp.float32),
        pltpu.VMEM_SHARED((COMB, D_MODEL), jnp.float32),
        pltpu.VMEM((CHUNK_ROWS * 3,), jnp.int32),
        pltpu.VMEM((ROWS_PER_TILE,), jnp.int32),
        pltpu.VMEM((GROUP, D_MODEL), jnp.float32),
        pltpu.VMEM((GROUP, D_MODEL), jnp.float32),
        pltpu.VMEM((GROUP, D_MODEL), jnp.float32),
        pltpu.VMEM((GROUP, D_MODEL), jnp.float32),
        pltpu.SemaphoreType.DMA,
        pltpu.SemaphoreType.DMA,
        pltpu.SemaphoreType.DMA,
        pltpu.SemaphoreType.DMA,
        pltpu.SemaphoreType.DMA,
        pltpu.SemaphoreType.DMA,
        pltpu.SemaphoreType.DMA,
        pltpu.SemaphoreType.DMA,
    ],
)
def _sc_embed(tf_hbm, month_hbm, day_hbm, out_hbm, *scratch):
    _sc_body(tf_hbm, month_hbm, day_hbm, out_hbm, *scratch)


def kernel(time_features, month_table, day_table, weekday_table):
    tf = time_features.astype(jnp.int32).reshape(-1)
    out = _sc_embed(tf, month_table, day_table)
    return out.reshape(BATCH, SEQ, D_MODEL)

# --- scband reference (transcript-rebuilt; emitter-appended) ---
"""Pipeline reference for scband-temporal-embedding-90220083019785 (READ-ONLY COPY).

The authoritative reference and input builder live on the scoring server;
editing this copy changes nothing except your own understanding.
"""

import jax, jax.numpy as jnp
import numpy as np

D_MODEL = 128
MONTH_SIZE = 13
DAY_SIZE = 32
WEEKDAY_SIZE = 7
BATCH = 4096
SEQ = 200


def setup_inputs(seed: int = 0) -> dict:
    key = jax.random.key(seed)
    k1, k2, k3, k4 = jax.random.split(key, 4)
    time_features = jax.random.randint(k1, (BATCH, SEQ, 3), 0, 7, dtype=jnp.int64 if jax.config.jax_enable_x64 else jnp.int32)
    month_table = jax.random.normal(k2, (MONTH_SIZE, D_MODEL), dtype=jnp.float32)
    day_table = jax.random.normal(k3, (DAY_SIZE, D_MODEL), dtype=jnp.float32)
    weekday_table = jax.random.normal(k4, (WEEKDAY_SIZE, D_MODEL), dtype=jnp.float32)
    return {
        "time_features": time_features,
        "month_table": month_table,
        "day_table": day_table,
        "weekday_table": weekday_table,
    }


def reference(time_features, month_table, day_table, weekday_table):
    tf = time_features.astype(jnp.int32)
    month_emb = jnp.take(month_table, tf[:, :, 0], axis=0)
    day_emb = jnp.take(day_table, tf[:, :, 1], axis=0)
    weekday_emb = jnp.take(weekday_table, tf[:, :, 2], axis=0)  # computed but unused, faithful to original
    return month_emb + day_emb

if __name__ == "__main__":
    import jax
    _d = setup_inputs()
    print(jax.jit(kernel)(*tuple(_d.values())))

</pallas_src>

<mosaic_0001>
#map = affine_map<(d0, d1) -> (0)>
#map1 = affine_map<(d0, d1) -> (0, 0)>
module attributes {stable_mosaic.version = 14 : i64} {
  func.func @_sc_embed(%arg0: i32, %arg1: i32, %arg2: memref<2457600xi32, #tpu.memory_space<hbm>>, %arg3: memref<13x128xf32, #tpu.memory_space<hbm>>, %arg4: memref<32x128xf32, #tpu.memory_space<hbm>>, %arg5: memref<819200x128xf32, #tpu.memory_space<hbm>>, %arg6: memref<13x128xf32, #tpu.memory_space<vmem>>, %arg7: memref<32x128xf32, #tpu.memory_space<vmem>>, %arg8: memref<32x128xf32, #tpu.memory_space<vmem>>, %arg9: memref<416x128xf32, #tpu.memory_space<vmem_shared>>, %arg10: memref<19200xi32, #tpu.memory_space<vmem>>, %arg11: memref<25600xi32, #tpu.memory_space<vmem>>, %arg12: memref<128x128xf32, #tpu.memory_space<vmem>>, %arg13: memref<128x128xf32, #tpu.memory_space<vmem>>, %arg14: memref<128x128xf32, #tpu.memory_space<vmem>>, %arg15: memref<128x128xf32, #tpu.memory_space<vmem>>, %arg16: memref<!tpu.dma_semaphore, #tpu.memory_space<semaphore_mem>>, %arg17: memref<!tpu.dma_semaphore, #tpu.memory_space<semaphore_mem>>, %arg18: memref<!tpu.dma_semaphore, #tpu.memory_space<semaphore_mem>>, %arg19: memref<!tpu.dma_semaphore, #tpu.memory_space<semaphore_mem>>, %arg20: memref<!tpu.dma_semaphore, #tpu.memory_space<semaphore_mem>>, %arg21: memref<!tpu.dma_semaphore, #tpu.memory_space<semaphore_mem>>, %arg22: memref<!tpu.dma_semaphore, #tpu.memory_space<semaphore_mem>>, %arg23: memref<!tpu.dma_semaphore, #tpu.memory_space<semaphore_mem>>) attributes {dimension_semantics = [#tpu.dimension_semantics<core_parallel>, #tpu.dimension_semantics<subcore_parallel>], iteration_bounds = array<i64: 2, 16>, scalar_prefetch = 0 : i64, scratch_operands = 18 : i64, tpu.core_type = #tpu.core_type<sc_vector_subcore>, window_params = [{transform_indices = #map}, {transform_indices = #map1}, {transform_indices = #map1}, {transform_indices = #map1}]} {
    %mul3A = arith.constant 2 : i32
    %mul3A_0 = arith.muli %arg1, %mul3A : i32
    %add3A = arith.addi %mul3A_0, %arg0 : i32
    %mul3A_1 = arith.constant 25600 : i32
    %mul3A_2 = arith.muli %add3A, %mul3A_1 : i32
    %eq3A = arith.constant 0 : i32
    %eq3A_3 = arith.cmpi eq, %arg1, %eq3A : i32
    %convert_element_type3A = arith.extui %eq3A_3 : i1 to i32
    %cond3A = arith.constant 0 : i32
    %cond3A_4 = arith.cmpi ne, %convert_element_type3A, %cond3A : i32
    scf.if %cond3A_4 {
      "tpu.region"() ({
        %run_scoped3A = tpu.sem_alloc : memref<!tpu.dma_semaphore, #tpu.memory_space<semaphore_mem>>
        tpu.enqueue_dma source(%arg3 : memref<13x128xf32, #tpu.memory_space<hbm>>) target(%arg6 : memref<13x128xf32, #tpu.memory_space<vmem>>) target_semaphore(%run_scoped3A : memref<!tpu.dma_semaphore, #tpu.memory_space<semaphore_mem>>)
        tpu.wait_dma2 semaphore(%run_scoped3A : memref<!tpu.dma_semaphore, #tpu.memory_space<semaphore_mem>>) src(%arg3 : memref<13x128xf32, #tpu.memory_space<hbm>>) dst(%arg6 : memref<13x128xf32, #tpu.memory_space<vmem>>)
        tpu.yield
      }) : () -> ()
      "tpu.region"() ({
        %run_scoped3A = tpu.sem_alloc : memref<!tpu.dma_semaphore, #tpu.memory_space<semaphore_mem>>
        tpu.enqueue_dma source(%arg4 : memref<32x128xf32, #tpu.memory_space<hbm>>) target(%arg7 : memref<32x128xf32, #tpu.memory_space<vmem>>) target_semaphore(%run_scoped3A : memref<!tpu.dma_semaphore, #tpu.memory_space<semaphore_mem>>)
        tpu.wait_dma2 semaphore(%run_scoped3A : memref<!tpu.dma_semaphore, #tpu.memory_space<semaphore_mem>>) src(%arg4 : memref<32x128xf32, #tpu.memory_space<hbm>>) dst(%arg7 : memref<32x128xf32, #tpu.memory_space<vmem>>)
        tpu.yield
      }) : () -> ()
      %scan3A_48 = arith.constant 0 : i32
      %scan3A_49 = arith.constant 0 : i32
      %scan3A_50 = arith.constant 13 : i32
      %scan3A_51 = arith.addi %scan3A_49, %scan3A_50 : i32
      %scan3A_52 = arith.constant 1 : i32
      scf.for %scan3A_54 = %scan3A_49 to %scan3A_51 step %scan3A_52  : i32 {
        %get3A = arith.index_cast %scan3A_54 : i32 to index
        %get3A_55 = arith.constant 0 : index
        %get3A_56 = tpu.vector_load %arg6[%get3A, %get3A_55] {strides = array<i32>} : memref<13x128xf32, #tpu.memory_space<vmem>>, vector<16xf32>,
        %get3A_57 = arith.constant 0 : i32
        %get3A_58 = arith.index_cast %get3A_57 : i32 to index
        %get3A_59 = arith.constant 0 : index
        %get3A_60 = tpu.vector_load %arg7[%get3A_58, %get3A_59] {strides = array<i32>} : memref<32x128xf32, #tpu.memory_space<vmem>>, vector<16xf32>,
        %add3A_61 = arith.addf %get3A_56, %get3A_60 : vector<16xf32>
        %swap3A = arith.constant 0 : i32
        %swap3A_62 = arith.index_cast %swap3A : i32 to index
        %swap3A_63 = arith.constant 0 : index
        %swap3A_64 = tpu.vector_load %arg8[%swap3A_62, %swap3A_63] {strides = array<i32>} : memref<32x128xf32, #tpu.memory_space<vmem>>, vector<16xf32>,
        tpu.vector_store %arg8[%swap3A_62, %swap3A_63], %add3A_61 {strides = array<i32>} : memref<32x128xf32, #tpu.memory_space<vmem>>, vector<16xf32>,
        %get3A_65 = arith.constant 1 : i32
        %get3A_66 = arith.index_cast %get3A_65 : i32 to index
        %get3A_67 = arith.constant 0 : index
        %get3A_68 = tpu.vector_load %arg7[%get3A_66, %get3A_67] {strides = array<i32>} : memref<32x128xf32, #tpu.memory_space<vmem>>, vector<16xf32>,
        %add3A_69 = arith.addf %get3A_56, %get3A_68 : vector<16xf32>
        %swap3A_70 = arith.constant 1 : i32
        %swap3A_71 = arith.index_cast %swap3A_70 : i32 to index
        %swap3A_72 = arith.constant 0 : index
        %swap3A_73 = tpu.vector_load %arg8[%swap3A_71, %swap3A_72] {strides = array<i32>} : memref<32x128xf32, #tpu.memory_space<vmem>>, vector<16xf32>,
        tpu.vector_store %arg8[%swap3A_71, %swap3A_72], %add3A_69 {strides = array<i32>} : memref<32x128xf32, #tpu.memory_space<vmem>>, vector<16xf32>,
        %get3A_74 = arith.constant 2 : i32
        %get3A_75 = arith.index_cast %get3A_74 : i32 to index
        %get3A_76 = arith.constant 0 : index
        %get3A_77 = tpu.vector_load %arg7[%get3A_75, %get3A_76] {strides = array<i32>} : memref<32x128xf32, #tpu.memory_space<vmem>>, vector<16xf32>,
        %add3A_78 = arith.addf %get3A_56, %get3A_77 : vector<16xf32>
        %swap3A_79 = arith.constant 2 : i32
        %swap3A_80 = arith.index_cast %swap3A_79 : i32 to index
        %swap3A_81 = arith.constant 0 : index
        %swap3A_82 = tpu.vector_load %arg8[%swap3A_80, %swap3A_81] {strides = array<i32>} : memref<32x128xf32, #tpu.memory_space<vmem>>, vector<16xf32>,
        tpu.vector_store %arg8[%swap3A_80, %swap3A_81], %add3A_78 {strides = array<i32>} : memref<32x128xf32, #tpu.memory_space<vmem>>, vector<16xf32>,
        %get3A_83 = arith.constant 3 : i32
        %get3A_84 = arith.index_cast %get3A_83 : i32 to index
        %get3A_85 = arith.constant 0 : index
        %get3A_86 = tpu.vector_load %arg7[%get3A_84, %get3A_85] {strides = array<i32>} : memref<32x128xf32, #tpu.memory_space<vmem>>, vector<16xf32>,
        %add3A_87 = arith.addf %get3A_56, %get3A_86 : vector<16xf32>
        %swap3A_88 = arith.constant 3 : i32
        %swap3A_89 = arith.index_cast %swap3A_88 : i32 to index
        %swap3A_90 = arith.constant 0 : index
        %swap3A_91 = tpu.vector_load %arg8[%swap3A_89, %swap3A_90] {strides = array<i32>} : memref<32x128xf32, #tpu.memory_space<vmem>>, vector<16xf32>,
        tpu.vector_store %arg8[%swap3A_89, %swap3A_90], %add3A_87 {strides = array<i32>} : memref<32x128xf32, #tpu.memory_space<vmem>>, vector<16xf32>,
        %get3A_92 = arith.constant 4 : i32
        %get3A_93 = arith.index_cast %get3A_92 : i32 to index
        %get3A_94 = arith.constant 0 : index
        %get3A_95 = tpu.vector_load %arg7[%get3A_93, %get3A_94] {strides = array<i32>} : memref<32x128xf32, #tpu.memory_space<vmem>>, vector<16xf32>,
        %add3A_96 = arith.addf %get3A_56, %get3A_95 : vector<16xf32>
        %swap3A_97 = arith.constant 4 : i32
        %swap3A_98 = arith.index_cast %swap3A_97 : i32 to index
        %swap3A_99 = arith.constant 0 : index
        %swap3A_100 = tpu.vector_load %arg8[%swap3A_98, %swap3A_99] {strides = array<i32>} : memref<32x128xf32, #tpu.memory_space<vmem>>, vector<16xf32>,
        tpu.vector_store %arg8[%swap3A_98, %swap3A_99], %add3A_96 {strides = array<i32>} : memref<32x128xf32, #tpu.memory_space<vmem>>, vector<16xf32>,
        %get3A_101 = arith.constant 5 : i32
        %get3A_102 = arith.index_cast %get3A_101 : i32 to index
        %get3A_103 = arith.constant 0 : index
        %get3A_104 = tpu.vector_load %arg7[%get3A_102, %get3A_103] {strides = array<i32>} : memref<32x128xf32, #tpu.memory_space<vmem>>, vector<16xf32>,
        %add3A_105 = arith.addf %get3A_56, %get3A_104 : vector<16xf32>
        %swap3A_106 = arith.constant 5 : i32
        %swap3A_107 = arith.index_cast %swap3A_106 : i32 to index
        %swap3A_108 = arith.constant 0 : index
        %swap3A_109 = tpu.vector_load %arg8[%swap3A_107, %swap3A_108] {strides = array<i32>} : memref<32x128xf32, #tpu.memory_space<vmem>>, vector<16xf32>,
        tpu.vector_store %arg8[%swap3A_107, %swap3A_108], %add3A_105 {strides = array<i32>} : memref<32x128xf32, #tpu.memory_space<vmem>>, vector<16xf32>,
        %get3A_110 = arith.constant 6 : i32
        %get3A_111 = arith.index_cast %get3A_110 : i32 to index
        %get3A_112 = arith.constant 0 : index
        %get3A_113 = tpu.vector_load %arg7[%get3A_111, %get3A_112] {strides = array<i32>} : memref<32x128xf32, #tpu.memory_space<vmem>>, vector<16xf32>,
        %add3A_114 = arith.addf %get3A_56, %get3A_113 : vector<16xf32>
        %swap3A_115 = arith.constant 6 : i32
        %swap3A_116 = arith.index_cast %swap3A_115 : i32 to index
        %swap3A_117 = arith.constant 0 : index
        %swap3A_118 = tpu.vector_load %arg8[%swap3A_116, %swap3A_117] {strides = array<i32>} : memref<32x128xf32, #tpu.memory_space<vmem>>, vector<16xf32>,
        tpu.vector_store %arg8[%swap3A_116, %swap3A_117], %add3A_114 {strides = array<i32>} : memref<32x128xf32, #tpu.memory_space<vmem>>, vector<16xf32>,
        %get3A_119 = arith.constant 7 : i32
        %get3A_120 = arith.index_cast %get3A_119 : i32 to index
        %get3A_121 = arith.constant 0 : index
        %get3A_122 = tpu.vector_load %arg7[%get3A_120, %get3A_121] {strides = array<i32>} : memref<32x128xf32, #tpu.memory_space<vmem>>, vector<16xf32>,
        %add3A_123 = arith.addf %get3A_56, %get3A_122 : vector<16xf32>
        %swap3A_124 = arith.constant 7 : i32
        %swap3A_125 = arith.index_cast %swap3A_124 : i32 to index
        %swap3A_126 = arith.constant 0 : index
        %swap3A_127 = tpu.vector_load %arg8[%swap3A_125, %swap3A_126] {strides = array<i32>} : memref<32x128xf32, #tpu.memory_space<vmem>>, vector<16xf32>,
        tpu.vector_store %arg8[%swap3A_125, %swap3A_126], %add3A_123 {strides = array<i32>} : memref<32x128xf32, #tpu.memory_space<vmem>>, vector<16xf32>,
        %get3A_128 = arith.constant 8 : i32
        %get3A_129 = arith.index_cast %get3A_128 : i32 to index
        %get3A_130 = arith.constant 0 : index
        %get3A_131 = tpu.vector_load %arg7[%get3A_129, %get3A_130] {strides = array<i32>} : memref<32x128xf32, #tpu.memory_space<vmem>>, vector<16xf32>,
        %add3A_132 = arith.addf %get3A_56, %get3A_131 : vector<16xf32>
        %swap3A_133 = arith.constant 8 : i32
        %swap3A_134 = arith.index_cast %swap3A_133 : i32 to index
        %swap3A_135 = arith.constant 0 : index
        %swap3A_136 = tpu.vector_load %arg8[%swap3A_134, %swap3A_135] {strides = array<i32>} : memref<32x128xf32, #tpu.memory_space<vmem>>, vector<16xf32>,
        tpu.vector_store %arg8[%swap3A_134, %swap3A_135], %add3A_132 {strides = array<i32>} : memref<32x128xf32, #tpu.memory_space<vmem>>, vector<16xf32>,
        %get3A_137 = arith.constant 9 : i32
        %get3A_138 = arith.index_cast %get3A_137 : i32 to index
        %get3A_139 = arith.constant 0 : index
        %get3A_140 = tpu.vector_load %arg7[%get3A_138, %get3A_139] {strides = array<i32>} : memref<32x128xf32, #tpu.memory_space<vmem>>, vector<16xf32>,
        %add3A_141 = arith.addf %get3A_56, %get3A_140 : vector<16xf32>
        %swap3A_142 = arith.constant 9 : i32
        %swap3A_143 = arith.index_cast %swap3A_142 : i32 to index
        %swap3A_144 = arith.constant 0 : index
        %swap3A_145 = tpu.vector_load %arg8[%swap3A_143, %swap3A_144] {strides = array<i32>} : memref<32x128xf32, #tpu.memory_space<vmem>>, vector<16xf32>,
        tpu.vector_store %arg8[%swap3A_143, %swap3A_144], %add3A_141 {strides = array<i32>} : memref<32x128xf32, #tpu.memory_space<vmem>>, vector<16xf32>,
        %get3A_146 = arith.constant 10 : i32
        %get3A_147 = arith.index_cast %get3A_146 : i32 to index
        %get3A_148 = arith.constant 0 : index
        %get3A_149 = tpu.vector_load %arg7[%get3A_147, %get3A_148] {strides = array<i32>} : memref<32x128xf32, #tpu.memory_space<vmem>>, vector<16xf32>,
        %add3A_150 = arith.addf %get3A_56, %get3A_149 : vector<16xf32>
        %swap3A_151 = arith.constant 10 : i32
        %swap3A_152 = arith.index_cast %swap3A_151 : i32 to index
        %swap3A_153 = arith.constant 0 : index
        %swap3A_154 = tpu.vector_load %arg8[%swap3A_152, %swap3A_153] {strides = array<i32>} : memref<32x128xf32, #tpu.memory_space<vmem>>, vector<16xf32>,
        tpu.vector_store %arg8[%swap3A_152, %swap3A_153], %add3A_150 {strides = array<i32>} : memref<32x128xf32, #tpu.memory_space<vmem>>, vector<16xf32>,
        %get3A_155 = arith.constant 11 : i32
        %get3A_156 = arith.index_cast %get3A_155 : i32 to index
        %get3A_157 = arith.constant 0 : index
        %get3A_158 = tpu.vector_load %arg7[%get3A_156, %get3A_157] {strides = array<i32>} : memref<32x128xf32, #tpu.memory_space<vmem>>, vector<16xf32>,
        %add3A_159 = arith.addf %get3A_56, %get3A_158 : vector<16xf32>
        %swap3A_160 = arith.constant 11 : i32
        %swap3A_161 = arith.index_cast %swap3A_160 : i32 to index
        %swap3A_162 = arith.constant 0 : index
        %swap3A_163 = tpu.vector_load %arg8[%swap3A_161, %swap3A_162] {strides = array<i32>} : memref<32x128xf32, #tpu.memory_space<vmem>>, vector<16xf32>,
        tpu.vector_store %arg8[%swap3A_161, %swap3A_162], %add3A_159 {strides = array<i32>} : memref<32x128xf32, #tpu.memory_space<vmem>>, vector<16xf32>,
        %get3A_164 = arith.constant 12 : i32
        %get3A_165 = arith.index_cast %get3A_164 : i32 to index
        %get3A_166 = arith.constant 0 : index
        %get3A_167 = tpu.vector_load %arg7[%get3A_165, %get3A_166] {strides = array<i32>} : memref<32x128xf32, #tpu.memory_space<vmem>>, vector<16xf32>,
        %add3A_168 = arith.addf %get3A_56, %get3A_167 : vector<16xf32>
        %swap3A_169 = arith.constant 12 : i32
        %swap3A_170 = arith.index_cast %swap3A_169 : i32 to index
        %swap3A_171 = arith.constant 0 : index
        %swap3A_172 = tpu.vector_load %arg8[%swap3A_170, %swap3A_171] {strides = array<i32>} : memref<32x128xf32, #tpu.memory_space<vmem>>, vector<16xf32>,
        tpu.vector_store %arg8[%swap3A_170, %swap3A_171], %add3A_168 {strides = array<i32>} : memref<32x128xf32, #tpu.memory_space<vmem>>, vector<16xf32>,
        %get3A_173 = arith.constant 13 : i32
        %get3A_174 = arith.index_cast %get3A_173 : i32 to index
        %get3A_175 = arith.constant 0 : index
        %get3A_176 = tpu.vector_load %arg7[%get3A_174, %get3A_175] {strides = array<i32>} : memref<32x128xf32, #tpu.memory_space<vmem>>, vector<16xf32>,
        %add3A_177 = arith.addf %get3A_56, %get3A_176 : vector<16xf32>
        %swap3A_178 = arith.constant 13 : i32
        %swap3A_179 = arith.index_cast %swap3A_178 : i32 to index
        %swap3A_180 = arith.constant 0 : index
        %swap3A_181 = tpu.vector_load %arg8[%swap3A_179, %swap3A_180] {strides = array<i32>} : memref<32x128xf32, #tpu.memory_space<vmem>>, vector<16xf32>,
        tpu.vector_store %arg8[%swap3A_179, %swap3A_180], %add3A_177 {strides = array<i32>} : memref<32x128xf32, #tpu.memory_space<vmem>>, vector<16xf32>,
        %get3A_182 = arith.constant 14 : i32
        %get3A_183 = arith.index_cast %get3A_182 : i32 to index
        %get3A_184 = arith.constant 0 : index
        %get3A_185 = tpu.vector_load %arg7[%get3A_183, %get3A_184] {strides = array<i32>} : memref<32x128xf32, #tpu.memory_space<vmem>>, vector<16xf32>,
        %add3A_186 = arith.addf %get3A_56, %get3A_185 : vector<16xf32>
        %swap3A_187 = arith.constant 14 : i32
        %swap3A_188 = arith.index_cast %swap3A_187 : i32 to index
        %swap3A_189 = arith.constant 0 : index
        %swap3A_190 = tpu.vector_load %arg8[%swap3A_188, %swap3A_189] {strides = array<i32>} : memref<32x128xf32, #tpu.memory_space<vmem>>, vector<16xf32>,
        tpu.vector_store %arg8[%swap3A_188, %swap3A_189], %add3A_186 {strides = array<i32>} : memref<32x128xf32, #tpu.memory_space<vmem>>, vector<16xf32>,
        %get3A_191 = arith.constant 15 : i32
        %get3A_192 = arith.index_cast %get3A_191 : i32 to index
        %get3A_193 = arith.constant 0 : index
        %get3A_194 = tpu.vector_load %arg7[%get3A_192, %get3A_193] {strides = array<i32>} : memref<32x128xf32, #tpu.memory_space<vmem>>, vector<16xf32>,
        %add3A_195 = arith.addf %get3A_56, %get3A_194 : vector<16xf32>
        %swap3A_196 = arith.constant 15 : i32
        %swap3A_197 = arith.index_cast %swap3A_196 : i32 to index
        %swap3A_198 = arith.constant 0 : index
        %swap3A_199 = tpu.vector_load %arg8[%swap3A_197, %swap3A_198] {strides = array<i32>} : memref<32x128xf32, #tpu.memory_space<vmem>>, vector<16xf32>,
        tpu.vector_store %arg8[%swap3A_197, %swap3A_198], %add3A_195 {strides = array<i32>} : memref<32x128xf32, #tpu.memory_space<vmem>>, vector<16xf32>,
        %get3A_200 = arith.constant 16 : i32
        %get3A_201 = arith.index_cast %get3A_200 : i32 to index
        %get3A_202 = arith.constant 0 : index
        %get3A_203 = tpu.vector_load %arg7[%get3A_201, %get3A_202] {strides = array<i32>} : memref<32x128xf32, #tpu.memory_space<vmem>>, vector<16xf32>,
        %add3A_204 = arith.addf %get3A_56, %get3A_203 : vector<16xf32>
        %swap3A_205 = arith.constant 16 : i32
        %swap3A_206 = arith.index_cast %swap3A_205 : i32 to index
        %swap3A_207 = arith.constant 0 : index
        %swap3A_208 = tpu.vector_load %arg8[%swap3A_206, %swap3A_207] {strides = array<i32>} : memref<32x128xf32, #tpu.memory_space<vmem>>, vector<16xf32>,
        tpu.vector_store %arg8[%swap3A_206, %swap3A_207], %add3A_204 {strides = array<i32>} : memref<32x128xf32, #tpu.memory_space<vmem>>, vector<16xf32>,
        %get3A_209 = arith.constant 17 : i32
        %get3A_210 = arith.index_cast %get3A_209 : i32 to index
        %get3A_211 = arith.constant 0 : index
        %get3A_212 = tpu.vector_load %arg7[%get3A_210, %get3A_211] {strides = array<i32>} : memref<32x128xf32, #tpu.memory_space<vmem>>, vector<16xf32>,
        %add3A_213 = arith.addf %get3A_56, %get3A_212 : vector<16xf32>
        %swap3A_214 = arith.constant 17 : i32
        %swap3A_215 = arith.index_cast %swap3A_214 : i32 to index
        %swap3A_216 = arith.constant 0 : index
        %swap3A_217 = tpu.vector_load %arg8[%swap3A_215, %swap3A_216] {strides = array<i32>} : memref<32x128xf32, #tpu.memory_space<vmem>>, vector<16xf32>,
        tpu.vector_store %arg8[%swap3A_215, %swap3A_216], %add3A_213 {strides = array<i32>} : memref<32x128xf32, #tpu.memory_space<vmem>>, vector<16xf32>,
        %get3A_218 = arith.constant 18 : i32
        %get3A_219 = arith.index_cast %get3A_218 : i32 to index
        %get3A_220 = arith.constant 0 : index
        %get3A_221 = tpu.vector_load %arg7[%get3A_219, %get3A_220] {strides = array<i32>} : memref<32x128xf32, #tpu.memory_space<vmem>>, vector<16xf32>,
        %add3A_222 = arith.addf %get3A_56, %get3A_221 : vector<16xf32>
        %swap3A_223 = arith.constant 18 : i32
        %swap3A_224 = arith.index_cast %swap3A_223 : i32 to index
        %swap3A_225 = arith.constant 0 : index
        %swap3A_226 = tpu.vector_load %arg8[%swap3A_224, %swap3A_225] {strides = array<i32>} : memref<32x128xf32, #tpu.memory_space<vmem>>, vector<16xf32>,
        tpu.vector_store %arg8[%swap3A_224, %swap3A_225], %add3A_222 {strides = array<i32>} : memref<32x128xf32, #tpu.memory_space<vmem>>, vector<16xf32>,
        %get3A_227 = arith.constant 19 : i32
        %get3A_228 = arith.index_cast %get3A_227 : i32 to index
        %get3A_229 = arith.constant 0 : index
        %get3A_230 = tpu.vector_load %arg7[%get3A_228, %get3A_229] {strides = array<i32>} : memref<32x128xf32, #tpu.memory_space<vmem>>, vector<16xf32>,
        %add3A_231 = arith.addf %get3A_56, %get3A_230 : vector<16xf32>
        %swap3A_232 = arith.constant 19 : i32
        %swap3A_233 = arith.index_cast %swap3A_232 : i32 to index
        %swap3A_234 = arith.constant 0 : index
        %swap3A_235 = tpu.vector_load %arg8[%swap3A_233, %swap3A_234] {strides = array<i32>} : memref<32x128xf32, #tpu.memory_space<vmem>>, vector<16xf32>,
        tpu.vector_store %arg8[%swap3A_233, %swap3A_234], %add3A_231 {strides = array<i32>} : memref<32x128xf32, #tpu.memory_space<vmem>>, vector<16xf32>,
        %get3A_236 = arith.constant 20 : i32
        %get3A_237 = arith.index_cast %get3A_236 : i32 to index
        %get3A_238 = arith.constant 0 : index
        %get3A_239 = tpu.vector_load %arg7[%get3A_237, %get3A_238] {strides = array<i32>} : memref<32x128xf32, #tpu.memory_space<vmem>>, vector<16xf32>,
        %add3A_240 = arith.addf %get3A_56, %get3A_239 : vector<16xf32>
        %swap3A_241 = arith.constant 20 : i32
        %swap3A_242 = arith.index_cast %swap3A_241 : i32 to index
        %swap3A_243 = arith.constant 0 : index
        %swap3A_244 = tpu.vector_load %arg8[%swap3A_242, %swap3A_243] {strides = array<i32>} : memref<32x128xf32, #tpu.memory_space<vmem>>, vector<16xf32>,
        tpu.vector_store %arg8[%swap3A_242, %swap3A_243], %add3A_240 {strides = array<i32>} : memref<32x128xf32, #tpu.memory_space<vmem>>, vector<16xf32>,
        %get3A_245 = arith.constant 21 : i32
        %get3A_246 = arith.index_cast %get3A_245 : i32 to index
        %get3A_247 = arith.constant 0 : index
        %get3A_248 = tpu.vector_load %arg7[%get3A_246, %get3A_247] {strides = array<i32>} : memref<32x128xf32, #tpu.memory_space<vmem>>, vector<16xf32>,
        %add3A_249 = arith.addf %get3A_56, %get3A_248 : vector<16xf32>
        %swap3A_250 = arith.constant 21 : i32
        %swap3A_251 = arith.index_cast %swap3A_250 : i32 to index
        %swap3A_252 = arith.constant 0 : index
        %swap3A_253 = tpu.vector_load %arg8[%swap3A_251, %swap3A_252] {strides = array<i32>} : memref<32x128xf32, #tpu.memory_space<vmem>>, vector<16xf32>,
        tpu.vector_store %arg8[%swap3A_251, %swap3A_252], %add3A_249 {strides = array<i32>} : memref<32x128xf32, #tpu.memory_space<vmem>>, vector<16xf32>,
        %get3A_254 = arith.constant 22 : i32
        %get3A_255 = arith.index_cast %get3A_254 : i32 to index
        %get3A_256 = arith.constant 0 : index
        %get3A_257 = tpu.vector_load %arg7[%get3A_255, %get3A_256] {strides = array<i32>} : memref<32x128xf32, #tpu.memory_space<vmem>>, vector<16xf32>,
        %add3A_258 = arith.addf %get3A_56, %get3A_257 : vector<16xf32>
        %swap3A_259 = arith.constant 22 : i32
        %swap3A_260 = arith.index_cast %swap3A_259 : i32 to index
        %swap3A_261 = arith.constant 0 : index
        %swap3A_262 = tpu.vector_load %arg8[%swap3A_260, %swap3A_261] {strides = array<i32>} : memref<32x128xf32, #tpu.memory_space<vmem>>, vector<16xf32>,
        tpu.vector_store %arg8[%swap3A_260, %swap3A_261], %add3A_258 {strides = array<i32>} : memref<32x128xf32, #tpu.memory_space<vmem>>, vector<16xf32>,
        %get3A_263 = arith.constant 23 : i32
        %get3A_264 = arith.index_cast %get3A_263 : i32 to index
        %get3A_265 = arith.constant 0 : index
        %get3A_266 = tpu.vector_load %arg7[%get3A_264, %get3A_265] {strides = array<i32>} : memref<32x128xf32, #tpu.memory_space<vmem>>, vector<16xf32>,
        %add3A_267 = arith.addf %get3A_56, %get3A_266 : vector<16xf32>
        %swap3A_268 = arith.constant 23 : i32
        %swap3A_269 = arith.index_cast %swap3A_268 : i32 to index
        %swap3A_270 = arith.constant 0 : index
        %swap3A_271 = tpu.vector_load %arg8[%swap3A_269, %swap3A_270] {strides = array<i32>} : memref<32x128xf32, #tpu.memory_space<vmem>>, vector<16xf32>,
        tpu.vector_store %arg8[%swap3A_269, %swap3A_270], %add3A_267 {strides = array<i32>} : memref<32x128xf32, #tpu.memory_space<vmem>>, vector<16xf32>,
        %get3A_272 = arith.constant 24 : i32
        %get3A_273 = arith.index_cast %get3A_272 : i32 to index
        %get3A_274 = arith.constant 0 : index
        %get3A_275 = tpu.vector_load %arg7[%get3A_273, %get3A_274] {strides = array<i32>} : memref<32x128xf32, #tpu.memory_space<vmem>>, vector<16xf32>,
        %add3A_276 = arith.addf %get3A_56, %get3A_275 : vector<16xf32>
        %swap3A_277 = arith.constant 24 : i32
        %swap3A_278 = arith.index_cast %swap3A_277 : i32 to index
        %swap3A_279 = arith.constant 0 : index
        %swap3A_280 = tpu.vector_load %arg8[%swap3A_278, %swap3A_279] {strides = array<i32>} : memref<32x128xf32, #tpu.memory_space<vmem>>, vector<16xf32>,
        tpu.vector_store %arg8[%swap3A_278, %swap3A_279], %add3A_276 {strides = array<i32>} : memref<32x128xf32, #tpu.memory_space<vmem>>, vector<16xf32>,
        %get3A_281 = arith.constant 25 : i32
        %get3A_282 = arith.index_cast %get3A_281 : i32 to index
        %get3A_283 = arith.constant 0 : index
        %get3A_284 = tpu.vector_load %arg7[%get3A_282, %get3A_283] {strides = array<i32>} : memref<32x128xf32, #tpu.memory_space<vmem>>, vector<16xf32>,
        %add3A_285 = arith.addf %get3A_56, %get3A_284 : vector<16xf32>
        %swap3A_286 = arith.constant 25 : i32
        %swap3A_287 = arith.index_cast %swap3A_286 : i32 to index
        %swap3A_288 = arith.constant 0 : index
        %swap3A_289 = tpu.vector_load %arg8[%swap3A_287, %swap3A_288] {strides = array<i32>} : memref<32x128xf32, #tpu.memory_space<vmem>>, vector<16xf32>,
        tpu.vector_store %arg8[%swap3A_287, %swap3A_288], %add3A_285 {strides = array<i32>} : memref<32x128xf32, #tpu.memory_space<vmem>>, vector<16xf32>,
        %get3A_290 = arith.constant 26 : i32
        %get3A_291 = arith.index_cast %get3A_290 : i32 to index
        %get3A_292 = arith.constant 0 : index
        %get3A_293 = tpu.vector_load %arg7[%get3A_291, %get3A_292] {strides = array<i32>} : memref<32x128xf32, #tpu.memory_space<vmem>>, vector<16xf32>,
        %add3A_294 = arith.addf %get3A_56, %get3A_293 : vector<16xf32>
        %swap3A_295 = arith.constant 26 : i32
        %swap3A_296 = arith.index_cast %swap3A_295 : i32 to index
        %swap3A_297 = arith.constant 0 : index
        %swap3A_298 = tpu.vector_load %arg8[%swap3A_296, %swap3A_297] {strides = array<i32>} : memref<32x128xf32, #tpu.memory_space<vmem>>, vector<16xf32>,
        tpu.vector_store %arg8[%swap3A_296, %swap3A_297], %add3A_294 {strides = array<i32>} : memref<32x128xf32, #tpu.memory_space<vmem>>, vector<16xf32>,
        %get3A_299 = arith.constant 27 : i32
        %get3A_300 = arith.index_cast %get3A_299 : i32 to index
        %get3A_301 = arith.constant 0 : index
        %get3A_302 = tpu.vector_load %arg7[%get3A_300, %get3A_301] {strides = array<i32>} : memref<32x128xf32, #tpu.memory_space<vmem>>, vector<16xf32>,
        %add3A_303 = arith.addf %get3A_56, %get3A_302 : vector<16xf32>
        %swap3A_304 = arith.constant 27 : i32
        %swap3A_305 = arith.index_cast %swap3A_304 : i32 to index
        %swap3A_306 = arith.constant 0 : index
        %swap3A_307 = tpu.vector_load %arg8[%swap3A_305, %swap3A_306] {strides = array<i32>} : memref<32x128xf32, #tpu.memory_space<vmem>>, vector<16xf32>,
        tpu.vector_store %arg8[%swap3A_305, %swap3A_306], %add3A_303 {strides = array<i32>} : memref<32x128xf32, #tpu.memory_space<vmem>>, vector<16xf32>,
        %get3A_308 = arith.constant 28 : i32
        %get3A_309 = arith.index_cast %get3A_308 : i32 to index
        %get3A_310 = arith.constant 0 : index
        %get3A_311 = tpu.vector_load %arg7[%get3A_309, %get3A_310] {strides = array<i32>} : memref<32x128xf32, #tpu.memory_space<vmem>>, vector<16xf32>,
        %add3A_312 = arith.addf %get3A_56, %get3A_311 : vector<16xf32>
        %swap3A_313 = arith.constant 28 : i32
        %swap3A_314 = arith.index_cast %swap3A_313 : i32 to index
        %swap3A_315 = arith.constant 0 : index
        %swap3A_316 = tpu.vector_load %arg8[%swap3A_314, %swap3A_315] {strides = array<i32>} : memref<32x128xf32, #tpu.memory_space<vmem>>, vector<16xf32>,
        tpu.vector_store %arg8[%swap3A_314, %swap3A_315], %add3A_312 {strides = array<i32>} : memref<32x128xf32, #tpu.memory_space<vmem>>, vector<16xf32>,
        %get3A_317 = arith.constant 29 : i32
        %get3A_318 = arith.index_cast %get3A_317 : i32 to index
        %get3A_319 = arith.constant 0 : index
        %get3A_320 = tpu.vector_load %arg7[%get3A_318, %get3A_319] {strides = array<i32>} : memref<32x128xf32, #tpu.memory_space<vmem>>, vector<16xf32>,
        %add3A_321 = arith.addf %get3A_56, %get3A_320 : vector<16xf32>
        %swap3A_322 = arith.constant 29 : i32
        %swap3A_323 = arith.index_cast %swap3A_322 : i32 to index
        %swap3A_324 = arith.constant 0 : index
        %swap3A_325 = tpu.vector_load %arg8[%swap3A_323, %swap3A_324] {strides = array<i32>} : memref<32x128xf32, #tpu.memory_space<vmem>>, vector<16xf32>,
        tpu.vector_store %arg8[%swap3A_323, %swap3A_324], %add3A_321 {strides = array<i32>} : memref<32x128xf32, #tpu.memory_space<vmem>>, vector<16xf32>,
        %get3A_326 = arith.constant 30 : i32
        %get3A_327 = arith.index_cast %get3A_326 : i32 to index
        %get3A_328 = arith.constant 0 : index
        %get3A_329 = tpu.vector_load %arg7[%get3A_327, %get3A_328] {strides = array<i32>} : memref<32x128xf32, #tpu.memory_space<vmem>>, vector<16xf32>,
        %add3A_330 = arith.addf %get3A_56, %get3A_329 : vector<16xf32>
        %swap3A_331 = arith.constant 30 : i32
        %swap3A_332 = arith.index_cast %swap3A_331 : i32 to index
        %swap3A_333 = arith.constant 0 : index
        %swap3A_334 = tpu.vector_load %arg8[%swap3A_332, %swap3A_333] {strides = array<i32>} : memref<32x128xf32, #tpu.memory_space<vmem>>, vector<16xf32>,
        tpu.vector_store %arg8[%swap3A_332, %swap3A_333], %add3A_330 {strides = array<i32>} : memref<32x128xf32, #tpu.memory_space<vmem>>, vector<16xf32>,
        %get3A_335 = arith.constant 31 : i32
        %get3A_336 = arith.index_cast %get3A_335 : i32 to index
        %get3A_337 = arith.constant 0 : index
        %get3A_338 = tpu.vector_load %arg7[%get3A_336, %get3A_337] {strides = array<i32>} : memref<32x128xf32, #tpu.memory_space<vmem>>, vector<16xf32>,
        %add3A_339 = arith.addf %get3A_56, %get3A_338 : vector<16xf32>
        %swap3A_340 = arith.constant 31 : i32
        %swap3A_341 = arith.index_cast %swap3A_340 : i32 to index
        %swap3A_342 = arith.constant 0 : index
        %swap3A_343 = tpu.vector_load %arg8[%swap3A_341, %swap3A_342] {strides = array<i32>} : memref<32x128xf32, #tpu.memory_space<vmem>>, vector<16xf32>,
        tpu.vector_store %arg8[%swap3A_341, %swap3A_342], %add3A_339 {strides = array<i32>} : memref<32x128xf32, #tpu.memory_space<vmem>>, vector<16xf32>,
        %get3A_344 = arith.index_cast %scan3A_54 : i32 to index
        %get3A_345 = arith.constant 16 : index
        %get3A_346 = tpu.vector_load %arg6[%get3A_344, %get3A_345] {strides = array<i32>} : memref<13x128xf32, #tpu.memory_space<vmem>>, vector<16xf32>,
        %get3A_347 = arith.constant 0 : i32
        %get3A_348 = arith.index_cast %get3A_347 : i32 to index
        %get3A_349 = arith.constant 16 : index
        %get3A_350 = tpu.vector_load %arg7[%get3A_348, %get3A_349] {strides = array<i32>} : memref<32x128xf32, #tpu.memory_space<vmem>>, vector<16xf32>,
        %add3A_351 = arith.addf %get3A_346, %get3A_350 : vector<16xf32>
        %swap3A_352 = arith.constant 0 : i32
        %swap3A_353 = arith.index_cast %swap3A_352 : i32 to index
        %swap3A_354 = arith.constant 16 : index
        %swap3A_355 = tpu.vector_load %arg8[%swap3A_353, %swap3A_354] {strides = array<i32>} : memref<32x128xf32, #tpu.memory_space<vmem>>, vector<16xf32>,
        tpu.vector_store %arg8[%swap3A_353, %swap3A_354], %add3A_351 {strides = array<i32>} : memref<32x128xf32, #tpu.memory_space<vmem>>, vector<16xf32>,
        %get3A_356 = arith.constant 1 : i32
        %get3A_357 = arith.index_cast %get3A_356 : i32 to index
        %get3A_358 = arith.constant 16 : index
        %get3A_359 = tpu.vector_load %arg7[%get3A_357, %get3A_358] {strides = array<i32>} : memref<32x128xf32, #tpu.memory_space<vmem>>, vector<16xf32>,
        %add3A_360 = arith.addf %get3A_346, %get3A_359 : vector<16xf32>
        %swap3A_361 = arith.constant 1 : i32
        %swap3A_362 = arith.index_cast %swap3A_361 : i32 to index
        %swap3A_363 = arith.constant 16 : index
        %swap3A_364 = tpu.vector_load %arg8[%swap3A_362, %swap3A_363] {strides = array<i32>} : memref<32x128xf32, #tpu.memory_space<vmem>>, vector<16xf32>,
        tpu.vector_store %arg8[%swap3A_362, %swap3A_363], %add3A_360 {strides = array<i32>} : memref<32x128xf32, #tpu.memory_space<vmem>>, vector<16xf32>,
        %get3A_365 = arith.constant 2 : i32
        %get3A_366 = arith.index_cast %get3A_365 : i32 to index
        %get3A_367 = arith.constant 16 : index
        %get3A_368 = tpu.vector_load %arg7[%get3A_366, %get3A_367] {strides = array<i32>} : memref<32x128xf32, #tpu.memory_space<vmem>>, vector<16xf32>,
        %add3A_369 = arith.addf %get3A_346, %get3A_368 : vector<16xf32>
        %swap3A_370 = arith.constant 2 : i32
        %swap3A_371 = arith.index_cast %swap3A_370 : i32 to index
        %swap3A_372 = arith.constant 16 : index
        %swap3A_373 = tpu.vector_load %arg8[%swap3A_371, %swap3A_372] {strides = array<i32>} : memref<32x128xf32, #tpu.memory_space<vmem>>, vector<16xf32>,
        tpu.vector_store %arg8[%swap3A_371, %swap3A_372], %add3A_369 {strides = array<i32>} : memref<32x128xf32, #tpu.memory_space<vmem>>, vector<16xf32>,
        %get3A_374 = arith.constant 3 : i32
        %get3A_375 = arith.index_cast %get3A_374 : i32 to index
        %get3A_376 = arith.constant 16 : index
        %get3A_377 = tpu.vector_load %arg7[%get3A_375, %get3A_376] {strides = array<i32>} : memref<32x128xf32, #tpu.memory_space<vmem>>, vector<16xf32>,
        %add3A_378 = arith.addf %get3A_346, %get3A_377 : vector<16xf32>
        %swap3A_379 = arith.constant 3 : i32
        %swap3A_380 = arith.index_cast %swap3A_379 : i32 to index
        %swap3A_381 = arith.constant 16 : index
        %swap3A_382 = tpu.vector_load %arg8[%swap3A_380, %swap3A_381] {strides = array<i32>} : memref<32x128xf32, #tpu.memory_space<vmem>>, vector<16xf32>,
        tpu.vector_store %arg8[%swap3A_380, %swap3A_381], %add3A_378 {strides = array<i32>} : memref<32x128xf32, #tpu.memory_space<vmem>>, vector<16xf32>,
        %get3A_383 = arith.constant 4 : i32
        %get3A_384 = arith.index_cast %get3A_383 : i32 to index
        %get3A_385 = arith.constant 16 : index
        %get3A_386 = tpu.vector_load %arg7[%get3A_384, %get3A_385] {strides = array<i32>} : memref<32x128xf32, #tpu.memory_space<vmem>>, vector<16xf32>,
        %add3A_387 = arith.addf %get3A_346, %get3A_386 : vector<16xf32>
        %swap3A_388 = arith.constant 4 : i32
        %swap3A_389 = arith.index_cast %swap3A_388 : i32 to index
        %swap3A_390 = arith.constant 16 : index
        %swap3A_391 = tpu.vector_load %arg8[%swap3A_389, %swap3A_390] {strides = array<i32>} : memref<32x128xf32, #tpu.memory_space<vmem>>, vector<16xf32>,
        tpu.vector_store %arg8[%swap3A_389, %swap3A_390], %add3A_387 {strides = array<i32>} : memref<32x128xf32, #tpu.memory_space<vmem>>, vector<16xf32>,
        %get3A_392 = arith.constant 5 : i32
        %get3A_393 = arith.index_cast %get3A_392 : i32 to index
        %get3A_394 = arith.constant 16 : index
        %get3A_395 = tpu.vector_load %arg7[%get3A_393, %get3A_394] {strides = array<i32>} : memref<32x128xf32, #tpu.memory_space<vmem>>, vector<16xf32>,
        %add3A_396 = arith.addf %get3A_346, %get3A_395 : vector<16xf32>
        %swap3A_397 = arith.constant 5 : i32
        %swap3A_398 = arith.index_cast %swap3A_397 : i32 to index
        %swap3A_399 = arith.constant 16 : index
        %swap3A_400 = tpu.vector_load %arg8[%swap3A_398, %swap3A_399] {strides = array<i32>} : memref<32x128xf32, #tpu.memory_space<vmem>>, vector<16xf32>,
        tpu.vector_store %arg8[%swap3A_398, %swap3A_399], %add3A_396 {strides = array<i32>} : memref<32x128xf32, #tpu.memory_space<vmem>>, vector<16xf32>,
        %get3A_401 = arith.constant 6 : i32
        %get3A_402 = arith.index_cast %get3A_401 : i32 to index
        %get3A_403 = arith.constant 16 : index
        %get3A_404 = tpu.vector_load %arg7[%get3A_402, %get3A_403] {strides = array<i32>} : memref<32x128xf32, #tpu.memory_space<vmem>>, vector<16xf32>,
        %add3A_405 = arith.addf %get3A_346, %get3A_404 : vector<16xf32>
        %swap3A_406 = arith.constant 6 : i32
        %swap3A_407 = arith.index_cast %swap3A_406 : i32 to index
        %swap3A_408 = arith.constant 16 : index
        %swap3A_409 = tpu.vector_load %arg8[%swap3A_407, %swap3A_408] {strides = array<i32>} : memref<32x128xf32, #tpu.memory_space<vmem>>, vector<16xf32>,
        tpu.vector_store %arg8[%swap3A_407, %swap3A_408], %add3A_405 {strides = array<i32>} : memref<32x128xf32, #tpu.memory_space<vmem>>, vector<16xf32>,
        %get3A_410 = arith.constant 7 : i32
        %get3A_411 = arith.index_cast %get3A_410 : i32 to index
        %get3A_412 = arith.constant 16 : index
        %get3A_413 = tpu.vector_load %arg7[%get3A_411, %get3A_412] {strides = array<i32>} : memref<32x128xf32, #tpu.memory_space<vmem>>, vector<16xf32>,
        %add3A_414 = arith.addf %get3A_346, %get3A_413 : vector<16xf32>
        %swap3A_415 = arith.constant 7 : i32
        %swap3A_416 = arith.index_cast %swap3A_415 : i32 to index
        %swap3A_417 = arith.constant 16 : index
        %swap3A_418 = tpu.vector_load %arg8[%swap3A_416, %swap3A_417] {strides = array<i32>} : memref<32x128xf32, #tpu.memory_space<vmem>>, vector<16xf32>,
        tpu.vector_store %arg8[%swap3A_416, %swap3A_417], %add3A_414 {strides = array<i32>} : memref<32x128xf32, #tpu.memory_space<vmem>>, vector<16xf32>,
        %get3A_419 = arith.constant 8 : i32
        %get3A_420 = arith.index_cast %get3A_419 : i32 to index
        %get3A_421 = arith.constant 16 : index
        %get3A_422 = tpu.vector_load %arg7[%get3A_420, %get3A_421] {strides = array<i32>} : memref<32x128xf32, #tpu.memory_space<vmem>>, vector<16xf32>,
        %add3A_423 = arith.addf %get3A_346, %get3A_422 : vector<16xf32>
        %swap3A_424 = arith.constant 8 : i32
        %swap3A_425 = arith.index_cast %swap3A_424 : i32 to index
        %swap3A_426 = arith.constant 16 : index
        %swap3A_427 = tpu.vector_load %arg8[%swap3A_425, %swap3A_426] {strides = array<i32>} : memref<32x128xf32, #tpu.memory_space<vmem>>, vector<16xf32>,
        tpu.vector_store %arg8[%swap3A_425, %swap3A_426], %add3A_423 {strides = array<i32>} : memref<32x128xf32, #tpu.memory_space<vmem>>, vector<16xf32>,
        %get3A_428 = arith.constant 9 : i32
        %get3A_429 = arith.index_cast %get3A_428 : i32 to index
        %get3A_430 = arith.constant 16 : index
        %get3A_431 = tpu.vector_load %arg7[%get3A_429, %get3A_430] {strides = array<i32>} : memref<32x128xf32, #tpu.memory_space<vmem>>, vector<16xf32>,
        %add3A_432 = arith.addf %get3A_346, %get3A_431 : vector<16xf32>
        %swap3A_433 = arith.constant 9 : i32
        %swap3A_434 = arith.index_cast %swap3A_433 : i32 to index
        %swap3A_435 = arith.constant 16 : index
        %swap3A_436 = tpu.vector_load %arg8[%swap3A_434, %swap3A_435] {strides = array<i32>} : memref<32x128xf32, #tpu.memory_space<vmem>>, vector<16xf32>,
        tpu.vector_store %arg8[%swap3A_434, %swap3A_435], %add3A_432 {strides = array<i32>} : memref<32x128xf32, #tpu.memory_space<vmem>>, vector<16xf32>,
        %get3A_437 = arith.constant 10 : i32
        %get3A_438 = arith.index_cast %get3A_437 : i32 to index
        %get3A_439 = arith.constant 16 : index
        %get3A_440 = tpu.vector_load %arg7[%get3A_438, %get3A_439] {strides = array<i32>} : memref<32x128xf32, #tpu.memory_space<vmem>>, vector<16xf32>,
        %add3A_441 = arith.addf %get3A_346, %get3A_440 : vector<16xf32>
        %swap3A_442 = arith.constant 10 : i32
        %swap3A_443 = arith.index_cast %swap3A_442 : i32 to index
        %swap3A_444 = arith.constant 16 : index
        %swap3A_445 = tpu.vector_load %arg8[%swap3A_443, %swap3A_444] {strides = array<i32>} : memref<32x128xf32, #tpu.memory_space<vmem>>, vector<16xf32>,
        tpu.vector_store %arg8[%swap3A_443, %swap3A_444], %add3A_441 {strides = array<i32>} : memref<32x128xf32, #tpu.memory_space<vmem>>, vector<16xf32>,
        %get3A_446 = arith.constant 11 : i32
        %get3A_447 = arith.index_cast %get3A_446 : i32 to index
        %get3A_448 = arith.constant 16 : index
        %get3A_449 = tpu.vector_load %arg7[%get3A_447, %get3A_448] {strides = array<i32>} : memref<32x128xf32, #tpu.memory_space<vmem>>, vector<16xf32>,
        %add3A_450 = arith.addf %get3A_346, %get3A_449 : vector<16xf32>
        %swap3A_451 = arith.constant 11 : i32
        %swap3A_452 = arith.index_cast %swap3A_451 : i32 to index
        %swap3A_453 = arith.constant 16 : index
        %swap3A_454 = tpu.vector_load %arg8[%swap3A_452, %swap3A_453] {strides = array<i32>} : memref<32x128xf32, #tpu.memory_space<vmem>>, vector<16xf32>,
        tpu.vector_store %arg8[%swap3A_452, %swap3A_453], %add3A_450 {strides = array<i32>} : memref<32x128xf32, #tpu.memory_space<vmem>>, vector<16xf32>,
        %get3A_455 = arith.constant 12 : i32
        %get3A_456 = arith.index_cast %get3A_455 : i32 to index
        %get3A_457 = arith.constant 16 : index
        %get3A_458 = tpu.vector_load %arg7[%get3A_456, %get3A_457] {strides = array<i32>} : memref<32x128xf32, #tpu.memory_space<vmem>>, vector<16xf32>,
        %add3A_459 = arith.addf %get3A_346, %get3A_458 : vector<16xf32>
        %swap3A_460 = arith.constant 12 : i32
        %swap3A_461 = arith.index_cast %swap3A_460 : i32 to index
        %swap3A_462 = arith.constant 16 : index
        %swap3A_463 = tpu.vector_load %arg8[%swap3A_461, %swap3A_462] {strides = array<i32>} : memref<32x128xf32, #tpu.memory_space<vmem>>, vector<16xf32>,
        tpu.vector_store %arg8[%swap3A_461, %swap3A_462], %add3A_459 {strides = array<i32>} : memref<32x128xf32, #tpu.memory_space<vmem>>, vector<16xf32>,
        %get3A_464 = arith.constant 13 : i32
        %get3A_465 = arith.index_cast %get3A_464 : i32 to index
        %get3A_466 = arith.constant 16 : index
        %get3A_467 = tpu.vector_load %arg7[%get3A_465, %get3A_466] {strides = array<i32>} : memref<32x128xf32, #tpu.memory_space<vmem>>, vector<16xf32>,
        %add3A_468 = arith.addf %get3A_346, %get3A_467 : vector<16xf32>
        %swap3A_469 = arith.constant 13 : i32
        %swap3A_470 = arith.index_cast %swap3A_469 : i32 to index
        %swap3A_471 = arith.constant 16 : index
        %swap3A_472 = tpu.vector_load %arg8[%swap3A_470, %swap3A_471] {strides = array<i32>} : memref<32x128xf32, #tpu.memory_space<vmem>>, vector<16xf32>,
        tpu.vector_store %arg8[%swap3A_470, %swap3A_471], %add3A_468 {strides = array<i32>} : memref<32x128xf32, #tpu.memory_space<vmem>>, vector<16xf32>,
        %get3A_473 = arith.constant 14 : i32
        %get3A_474 = arith.index_cast %get3A_473 : i32 to index
        %get3A_475 = arith.constant 16 : index
        %get3A_476 = tpu.vector_load %arg7[%get3A_474, %get3A_475] {strides = array<i32>} : memref<32x128xf32, #tpu.memory_space<vmem>>, vector<16xf32>,
        %add3A_477 = arith.addf %get3A_346, %get3A_476 : vector<16xf32>
        %swap3A_478 = arith.constant 14 : i32
        %swap3A_479 = arith.index_cast %swap3A_478 : i32 to index
        %swap3A_480 = arith.constant 16 : index
        %swap3A_481 = tpu.vector_load %arg8[%swap3A_479, %swap3A_480] {strides = array<i32>} : memref<32x128xf32, #tpu.memory_space<vmem>>, vector<16xf32>,
        tpu.vector_store %arg8[%swap3A_479, %swap3A_480], %add3A_477 {strides = array<i32>} : memref<32x128xf32, #tpu.memory_space<vmem>>, vector<16xf32>,
        %get3A_482 = arith.constant 15 : i32
        %get3A_483 = arith.index_cast %get3A_482 : i32 to index
        %get3A_484 = arith.constant 16 : index
        %get3A_485 = tpu.vector_load %arg7[%get3A_483, %get3A_484] {strides = array<i32>} : memref<32x128xf32, #tpu.memory_space<vmem>>, vector<16xf32>,
        %add3A_486 = arith.addf %get3A_346, %get3A_485 : vector<16xf32>
        %swap3A_487 = arith.constant 15 : i32
        %swap3A_488 = arith.index_cast %swap3A_487 : i32 to index
        %swap3A_489 = arith.constant 16 : index
        %swap3A_490 = tpu.vector_load %arg8[%swap3A_488, %swap3A_489] {strides = array<i32>} : memref<32x128xf32, #tpu.memory_space<vmem>>, vector<16xf32>,
        tpu.vector_store %arg8[%swap3A_488, %swap3A_489], %add3A_486 {strides = array<i32>} : memref<32x128xf32, #tpu.memory_space<vmem>>, vector<16xf32>,
        %get3A_491 = arith.constant 16 : i32
        %get3A_492 = arith.index_cast %get3A_491 : i32 to index
        %get3A_493 = arith.constant 16 : index
        %get3A_494 = tpu.vector_load %arg7[%get3A_492, %get3A_493] {strides = array<i32>} : memref<32x128xf32, #tpu.memory_space<vmem>>, vector<16xf32>,
        %add3A_495 = arith.addf %get3A_346, %get3A_494 : vector<16xf32>
        %swap3A_496 = arith.constant 16 : i32
        %swap3A_497 = arith.index_cast %swap3A_496 : i32 to index
        %swap3A_498 = arith.constant 16 : index
        %swap3A_499 = tpu.vector_load %arg8[%swap3A_497, %swap3A_498] {strides = array<i32>} : memref<32x128xf32, #tpu.memory_space<vmem>>, vector<16xf32>,
        tpu.vector_store %arg8[%swap3A_497, %swap3A_498], %add3A_495 {strides = array<i32>} : memref<32x128xf32, #tpu.memory_space<vmem>>, vector<16xf32>,
        %get3A_500 = arith.constant 17 : i32
        %get3A_501 = arith.index_cast %get3A_500 : i32 to index
        %get3A_502 = arith.constant 16 : index
        %get3A_503 = tpu.vector_load %arg7[%get3A_501, %get3A_502] {strides = array<i32>} : memref<32x128xf32, #tpu.memory_space<vmem>>, vector<16xf32>,
        %add3A_504 = arith.addf %get3A_346, %get3A_503 : vector<16xf32>
        %swap3A_505 = arith.constant 17 : i32
        %swap3A_506 = arith.index_cast %swap3A_505 : i32 to index
        %swap3A_507 = arith.constant 16 : index
        %swap3A_508 = tpu.vector_load %arg8[%swap3A_506, %swap3A_507] {strides = array<i32>} : memref<32x128xf32, #tpu.memory_space<vmem>>, vector<16xf32>,
        tpu.vector_store %arg8[%swap3A_506, %swap3A_507], %add3A_504 {strides = array<i32>} : memref<32x128xf32, #tpu.memory_space<vmem>>, vector<16xf32>,
        %get3A_509 = arith.constant 18 : i32
        %get3A_510 = arith.index_cast %get3A_509 : i32 to index
        %get3A_511 = arith.constant 16 : index
        %get3A_512 = tpu.vector_load %arg7[%get3A_510, %get3A_511] {strides = array<i32>} : memref<32x128xf32, #tpu.memory_space<vmem>>, vector<16xf32>,
        %add3A_513 = arith.addf %get3A_346, %get3A_512 : vector<16xf32>
        %swap3A_514 = arith.constant 18 : i32
        %swap3A_515 = arith.index_cast %swap3A_514 : i32 to index
        %swap3A_516 = arith.constant 16 : index
        %swap3A_517 = tpu.vector_load %arg8[%swap3A_515, %swap3A_516] {strides = array<i32>} : memref<32x128xf32, #tpu.memory_space<vmem>>, vector<16xf32>,
        tpu.vector_store %arg8[%swap3A_515, %swap3A_516], %add3A_513 {strides = array<i32>} : memref<32x128xf32, #tpu.memory_space<vmem>>, vector<16xf32>,
        %get3A_518 = arith.constant 19 : i32
        %get3A_519 = arith.index_cast %get3A_518 : i32 to index
        %get3A_520 = arith.constant 16 : index
        %get3A_521 = tpu.vector_load %arg7[%get3A_519, %get3A_520] {strides = array<i32>} : memref<32x128xf32, #tpu.memory_space<vmem>>, vector<16xf32>,
        %add3A_522 = arith.addf %get3A_346, %get3A_521 : vector<16xf32>
        %swap3A_523 = arith.constant 19 : i32
        %swap3A_524 = arith.index_cast %swap3A_523 : i32 to index
        %swap3A_525 = arith.constant 16 : index
        %swap3A_526 = tpu.vector_load %arg8[%swap3A_524, %swap3A_525] {strides = array<i32>} : memref<32x128xf32, #tpu.memory_space<vmem>>, vector<16xf32>,
        tpu.vector_store %arg8[%swap3A_524, %swap3A_525], %add3A_522 {strides = array<i32>} : memref<32x128xf32, #tpu.memory_space<vmem>>, vector<16xf32>,
        %get3A_527 = arith.constant 20 : i32
        %get3A_528 = arith.index_cast %get3A_527 : i32 to index
        %get3A_529 = arith.constant 16 : index
        %get3A_530 = tpu.vector_load %arg7[%get3A_528, %get3A_529] {strides = array<i32>} : memref<32x128xf32, #tpu.memory_space<vmem>>, vector<16xf32>,
        %add3A_531 = arith.addf %get3A_346, %get3A_530 : vector<16xf32>
        %swap3A_532 = arith.constant 20 : i32
        %swap3A_533 = arith.index_cast %swap3A_532 : i32 to index
        %swap3A_534 = arith.constant 16 : index
        %swap3A_535 = tpu.vector_load %arg8[%swap3A_533, %swap3A_534] {strides = array<i32>} : memref<32x128xf32, #tpu.memory_space<vmem>>, vector<16xf32>,
        tpu.vector_store %arg8[%swap3A_533, %swap3A_534], %add3A_531 {strides = array<i32>} : memref<32x128xf32, #tpu.memory_space<vmem>>, vector<16xf32>,
        %get3A_536 = arith.constant 21 : i32
        %get3A_537 = arith.index_cast %get3A_536 : i32 to index
        %get3A_538 = arith.constant 16 : index
        %get3A_539 = tpu.vector_load %arg7[%get3A_537, %get3A_538] {strides = array<i32>} : memref<32x128xf32, #tpu.memory_space<vmem>>, vector<16xf32>,
        %add3A_540 = arith.addf %get3A_346, %get3A_539 : vector<16xf32>
        %swap3A_541 = arith.constant 21 : i32
        %swap3A_542 = arith.index_cast %swap3A_541 : i32 to index
        %swap3A_543 = arith.constant 16 : index
        %swap3A_544 = tpu.vector_load %arg8[%swap3A_542, %swap3A_543] {strides = array<i32>} : memref<32x128xf32, #tpu.memory_space<vmem>>, vector<16xf32>,
        tpu.vector_store %arg8[%swap3A_542, %swap3A_543], %add3A_540 {strides = array<i32>} : memref<32x128xf32, #tpu.memory_space<vmem>>, vector<16xf32>,
        %get3A_545 = arith.constant 22 : i32
        %get3A_546 = arith.index_cast %get3A_545 : i32 to index
        %get3A_547 = arith.constant 16 : index
        %get3A_548 = tpu.vector_load %arg7[%get3A_546, %get3A_547] {strides = array<i32>} : memref<32x128xf32, #tpu.memory_space<vmem>>, vector<16xf32>,
        %add3A_549 = arith.addf %get3A_346, %get3A_548 : vector<16xf32>
        %swap3A_550 = arith.constant 22 : i32
        %swap3A_551 = arith.index_cast %swap3A_550 : i32 to index
        %swap3A_552 = arith.constant 16 : index
        %swap3A_553 = tpu.vector_load %arg8[%swap3A_551, %swap3A_552] {strides = array<i32>} : memref<32x128xf32, #tpu.memory_space<vmem>>, vector<16xf32>,
        tpu.vector_store %arg8[%swap3A_551, %swap3A_552], %add3A_549 {strides = array<i32>} : memref<32x128xf32, #tpu.memory_space<vmem>>, vector<16xf32>,
        %get3A_554 = arith.constant 23 : i32
        %get3A_555 = arith.index_cast %get3A_554 : i32 to index
        %get3A_556 = arith.constant 16 : index
        %get3A_557 = tpu.vector_load %arg7[%get3A_555, %get3A_556] {strides = array<i32>} : memref<32x128xf32, #tpu.memory_space<vmem>>, vector<16xf32>,
        %add3A_558 = arith.addf %get3A_346, %get3A_557 : vector<16xf32>
        %swap3A_559 = arith.constant 23 : i32
        %swap3A_560 = arith.index_cast %swap3A_559 : i32 to index
        %swap3A_561 = arith.constant 16 : index
        %swap3A_562 = tpu.vector_load %arg8[%swap3A_560, %swap3A_561] {strides = array<i32>} : memref<32x128xf32, #tpu.memory_space<vmem>>, vector<16xf32>,
        tpu.vector_store %arg8[%swap3A_560, %swap3A_561], %add3A_558 {strides = array<i32>} : memref<32x128xf32, #tpu.memory_space<vmem>>, vector<16xf32>,
        %get3A_563 = arith.constant 24 : i32
        %get3A_564 = arith.index_cast %get3A_563 : i32 to index
        %get3A_565 = arith.constant 16 : index
        %get3A_566 = tpu.vector_load %arg7[%get3A_564, %get3A_565] {strides = array<i32>} : memref<32x128xf32, #tpu.memory_space<vmem>>, vector<16xf32>,
        %add3A_567 = arith.addf %get3A_346, %get3A_566 : vector<16xf32>
        %swap3A_568 = arith.constant 24 : i32
        %swap3A_569 = arith.index_cast %swap3A_568 : i32 to index
        %swap3A_570 = arith.constant 16 : index
        %swap3A_571 = tpu.vector_load %arg8[%swap3A_569, %swap3A_570] {strides = array<i32>} : memref<32x128xf32, #tpu.memory_space<vmem>>, vector<16xf32>,
        tpu.vector_store %arg8[%swap3A_569, %swap3A_570], %add3A_567 {strides = array<i32>} : memref<32x128xf32, #tpu.memory_space<vmem>>, vector<16xf32>,
        %get3A_572 = arith.constant 25 : i32
        %get3A_573 = arith.index_cast %get3A_572 : i32 to index
        %get3A_574 = arith.constant 16 : index
        %get3A_575 = tpu.vector_load %arg7[%get3A_573, %get3A_574] {strides = array<i32>} : memref<32x128xf32, #tpu.memory_space<vmem>>, vector<16xf32>,
        %add3A_576 = arith.addf %get3A_346, %get3A_575 : vector<16xf32>
        %swap3A_577 = arith.constant 25 : i32
        %swap3A_578 = arith.index_cast %swap3A_577 : i32 to index
        %swap3A_579 = arith.constant 16 : index
        %swap3A_580 = tpu.vector_load %arg8[%swap3A_578, %swap3A_579] {strides = array<i32>} : memref<32x128xf32, #tpu.memory_space<vmem>>, vector<16xf32>,
        tpu.vector_store %arg8[%swap3A_578, %swap3A_579], %add3A_576 {strides = array<i32>} : memref<32x128xf32, #tpu.memory_space<vmem>>, vector<16xf32>,
        %get3A_581 = arith.constant 26 : i32
        %get3A_582 = arith.index_cast %get3A_581 : i32 to index
        %get3A_583 = arith.constant 16 : index
        %get3A_584 = tpu.vector_load %arg7[%get3A_582, %get3A_583] {strides = array<i32>} : memref<32x128xf32, #tpu.memory_space<vmem>>, vector<16xf32>,
        %add3A_585 = arith.addf %get3A_346, %get3A_584 : vector<16xf32>
        %swap3A_586 = arith.constant 26 : i32
        %swap3A_587 = arith.index_cast %swap3A_586 : i32 to index
        %swap3A_588 = arith.constant 16 : index
        %swap3A_589 = tpu.vector_load %arg8[%swap3A_587, %swap3A_588] {strides = array<i32>} : memref<32x128xf32, #tpu.memory_space<vmem>>, vector<16xf32>,
        tpu.vector_store %arg8[%swap3A_587, %swap3A_588], %add3A_585 {strides = array<i32>} : memref<32x128xf32, #tpu.memory_space<vmem>>, vector<16xf32>,
        %get3A_590 = arith.constant 27 : i32
        %get3A_591 = arith.index_cast %get3A_590 : i32 to index
        %get3A_592 = arith.constant 16 : index
        %get3A_593 = tpu.vector_load %arg7[%get3A_591, %get3A_592] {strides = array<i32>} : memref<32x128xf32, #tpu.memory_space<vmem>>, vector<16xf32>,
        %add3A_594 = arith.addf %get3A_346, %get3A_593 : vector<16xf32>
        %swap3A_595 = arith.constant 27 : i32
        %swap3A_596 = arith.index_cast %swap3A_595 : i32 to index
        %swap3A_597 = arith.constant 16 : index
        %swap3A_598 = tpu.vector_load %arg8[%swap3A_596, %swap3A_597] {strides = array<i32>} : memref<32x128xf32, #tpu.memory_space<vmem>>, vector<16xf32>,
        tpu.vector_store %arg8[%swap3A_596, %swap3A_597], %add3A_594 {strides = array<i32>} : memref<32x128xf32, #tpu.memory_space<vmem>>, vector<16xf32>,
        %get3A_599 = arith.constant 28 : i32
        %get3A_600 = arith.index_cast %get3A_599 : i32 to index
        %get3A_601 = arith.constant 16 : index
        %get3A_602 = tpu.vector_load %arg7[%get3A_600, %get3A_601] {strides = array<i32>} : memref<32x128xf32, #tpu.memory_space<vmem>>, vector<16xf32>,
        %add3A_603 = arith.addf %get3A_346, %get3A_602 : vector<16xf32>
        %swap3A_604 = arith.constant 28 : i32
        %swap3A_605 = arith.index_cast %swap3A_604 : i32 to index
        %swap3A_606 = arith.constant 16 : index
        %swap3A_607 = tpu.vector_load %arg8[%swap3A_605, %swap3A_606] {strides = array<i32>} : memref<32x128xf32, #tpu.memory_space<vmem>>, vector<16xf32>,
        tpu.vector_store %arg8[%swap3A_605, %swap3A_606], %add3A_603 {strides = array<i32>} : memref<32x128xf32, #tpu.memory_space<vmem>>, vector<16xf32>,
        %get3A_608 = arith.constant 29 : i32
        %get3A_609 = arith.index_cast %get3A_608 : i32 to index
        %get3A_610 = arith.constant 16 : index
        %get3A_611 = tpu.vector_load %arg7[%get3A_609, %get3A_610] {strides = array<i32>} : memref<32x128xf32, #tpu.memory_space<vmem>>, vector<16xf32>,
        %add3A_612 = arith.addf %get3A_346, %get3A_611 : vector<16xf32>
        %swap3A_613 = arith.constant 29 : i32
        %swap3A_614 = arith.index_cast %swap3A_613 : i32 to index
        %swap3A_615 = arith.constant 16 : index
        %swap3A_616 = tpu.vector_load %arg8[%swap3A_614, %swap3A_615] {strides = array<i32>} : memref<32x128xf32, #tpu.memory_space<vmem>>, vector<16xf32>,
        tpu.vector_store %arg8[%swap3A_614, %swap3A_615], %add3A_612 {strides = array<i32>} : memref<32x128xf32, #tpu.memory_space<vmem>>, vector<16xf32>,
        %get3A_617 = arith.constant 30 : i32
        %get3A_618 = arith.index_cast %get3A_617 : i32 to index
        %get3A_619 = arith.constant 16 : index
        %get3A_620 = tpu.vector_load %arg7[%get3A_618, %get3A_619] {strides = array<i32>} : memref<32x128xf32, #tpu.memory_space<vmem>>, vector<16xf32>,
        %add3A_621 = arith.addf %get3A_346, %get3A_620 : vector<16xf32>
        %swap3A_622 = arith.constant 30 : i32
        %swap3A_623 = arith.index_cast %swap3A_622 : i32 to index
        %swap3A_624 = arith.constant 16 : index
        %swap3A_625 = tpu.vector_load %arg8[%swap3A_623, %swap3A_624] {strides = array<i32>} : memref<32x128xf32, #tpu.memory_space<vmem>>, vector<16xf32>,
        tpu.vector_store %arg8[%swap3A_623, %swap3A_624], %add3A_621 {strides = array<i32>} : memref<32x128xf32, #tpu.memory_space<vmem>>, vector<16xf32>,
        %get3A_626 = arith.constant 31 : i32
        %get3A_627 = arith.index_cast %get3A_626 : i32 to index
        %get3A_628 = arith.constant 16 : index
        %get3A_629 = tpu.vector_load %arg7[%get3A_627, %get3A_628] {strides = array<i32>} : memref<32x128xf32, #tpu.memory_space<vmem>>, vector<16xf32>,
        %add3A_630 = arith.addf %get3A_346, %get3A_629 : vector<16xf32>
        %swap3A_631 = arith.constant 31 : i32
        %swap3A_632 = arith.index_cast %swap3A_631 : i32 to index
        %swap3A_633 = arith.constant 16 : index
        %swap3A_634 = tpu.vector_load %arg8[%swap3A_632, %swap3A_633] {strides = array<i32>} : memref<32x128xf32, #tpu.memory_space<vmem>>, vector<16xf32>,
        tpu.vector_store %arg8[%swap3A_632, %swap3A_633], %add3A_630 {strides = array<i32>} : memref<32x128xf32, #tpu.memory_space<vmem>>, vector<16xf32>,
        %get3A_635 = arith.index_cast %scan3A_54 : i32 to index
        %get3A_636 = arith.constant 32 : index
        %get3A_637 = tpu.vector_load %arg6[%get3A_635, %get3A_636] {strides = array<i32>} : memref<13x128xf32, #tpu.memory_space<vmem>>, vector<16xf32>,
        %get3A_638 = arith.constant 0 : i32
        %get3A_639 = arith.index_cast %get3A_638 : i32 to index
        %get3A_640 = arith.constant 32 : index
        %get3A_641 = tpu.vector_load %arg7[%get3A_639, %get3A_640] {strides = array<i32>} : memref<32x128xf32, #tpu.memory_space<vmem>>, vector<16xf32>,
        %add3A_642 = arith.addf %get3A_637, %get3A_641 : vector<16xf32>
        %swap3A_643 = arith.constant 0 : i32
        %swap3A_644 = arith.index_cast %swap3A_643 : i32 to index
        %swap3A_645 = arith.constant 32 : index
        %swap3A_646 = tpu.vector_load %arg8[%swap3A_644, %swap3A_645] {strides = array<i32>} : memref<32x128xf32, #tpu.memory_space<vmem>>, vector<16xf32>,
        tpu.vector_store %arg8[%swap3A_644, %swap3A_645], %add3A_642 {strides = array<i32>} : memref<32x128xf32, #tpu.memory_space<vmem>>, vector<16xf32>,
        %get3A_647 = arith.constant 1 : i32
        %get3A_648 = arith.index_cast %get3A_647 : i32 to index
        %get3A_649 = arith.constant 32 : index
        %get3A_650 = tpu.vector_load %arg7[%get3A_648, %get3A_649] {strides = array<i32>} : memref<32x128xf32, #tpu.memory_space<vmem>>, vector<16xf32>,
        %add3A_651 = arith.addf %get3A_637, %get3A_650 : vector<16xf32>
        %swap3A_652 = arith.constant 1 : i32
        %swap3A_653 = arith.index_cast %swap3A_652 : i32 to index
        %swap3A_654 = arith.constant 32 : index
        %swap3A_655 = tpu.vector_load %arg8[%swap3A_653, %swap3A_654] {strides = array<i32>} : memref<32x128xf32, #tpu.memory_space<vmem>>, vector<16xf32>,
        tpu.vector_store %arg8[%swap3A_653, %swap3A_654], %add3A_651 {strides = array<i32>} : memref<32x128xf32, #tpu.memory_space<vmem>>, vector<16xf32>,
        %get3A_656 = arith.constant 2 : i32
        %get3A_657 = arith.index_cast %get3A_656 : i32 to index
        %get3A_658 = arith.constant 32 : index
        %get3A_659 = tpu.vector_load %arg7[%get3A_657, %get3A_658] {strides = array<i32>} : memref<32x128xf32, #tpu.memory_space<vmem>>, vector<16xf32>,
        %add3A_660 = arith.addf %get3A_637, %get3A_659 : vector<16xf32>
        %swap3A_661 = arith.constant 2 : i32
        %swap3A_662 = arith.index_cast %swap3A_661 : i32 to index
        %swap3A_663 = arith.constant 32 : index
        %swap3A_664 = tpu.vector_load %arg8[%swap3A_662, %swap3A_663] {strides = array<i32>} : memref<32x128xf32, #tpu.memory_space<vmem>>, vector<16xf32>,
        tpu.vector_store %arg8[%swap3A_662, %swap3A_663], %add3A_660 {strides = array<i32>} : memref<32x128xf32, #tpu.memory_space<vmem>>, vector<16xf32>,
        %get3A_665 = arith.constant 3 : i32
        %get3A_666 = arith.index_cast %get3A_665 : i32 to index
        %get3A_667 = arith.constant 32 : index
        %get3A_668 = tpu.vector_load %arg7[%get3A_666, %get3A_667] {strides = array<i32>} : memref<32x128xf32, #tpu.memory_space<vmem>>, vector<16xf32>,
        %add3A_669 = arith.addf %get3A_637, %get3A_668 : vector<16xf32>
        %swap3A_670 = arith.constant 3 : i32
        %swap3A_671 = arith.index_cast %swap3A_670 : i32 to index
        %swap3A_672 = arith.constant 32 : index
        %swap3A_673 = tpu.vector_load %arg8[%swap3A_671, %swap3A_672] {strides = array<i32>} : memref<32x128xf32, #tpu.memory_space<vmem>>, vector<16xf32>,
        tpu.vector_store %arg8[%swap3A_671, %swap3A_672], %add3A_669 {strides = array<i32>} : memref<32x128xf32, #tpu.memory_space<vmem>>, vector<16xf32>,
        %get3A_674 = arith.constant 4 : i32
        %get3A_675 = arith.index_cast %get3A_674 : i32 to index
        %get3A_676 = arith.constant 32 : index
        %get3A_677 = tpu.vector_load %arg7[%get3A_675, %get3A_676] {strides = array<i32>} : memref<32x128xf32, #tpu.memory_space<vmem>>, vector<16xf32>,
        %add3A_678 = arith.addf %get3A_637, %get3A_677 : vector<16xf32>
        %swap3A_679 = arith.constant 4 : i32
        %swap3A_680 = arith.index_cast %swap3A_679 : i32 to index
        %swap3A_681 = arith.constant 32 : index
        %swap3A_682 = tpu.vector_load %arg8[%swap3A_680, %swap3A_681] {strides = array<i32>} : memref<32x128xf32, #tpu.memory_space<vmem>>, vector<16xf32>,
        tpu.vector_store %arg8[%swap3A_680, %swap3A_681], %add3A_678 {strides = array<i32>} : memref<32x128xf32, #tpu.memory_space<vmem>>, vector<16xf32>,
        %get3A_683 = arith.constant 5 : i32
        %get3A_684 = arith.index_cast %get3A_683 : i32 to index
        %get3A_685 = arith.constant 32 : index
        %get3A_686 = tpu.vector_load %arg7[%get3A_684, %get3A_685] {strides = array<i32>} : memref<32x128xf32, #tpu.memory_space<vmem>>, vector<16xf32>,
        %add3A_687 = arith.addf %get3A_637, %get3A_686 : vector<16xf32>
        %swap3A_688 = arith.constant 5 : i32
        %swap3A_689 = arith.index_cast %swap3A_688 : i32 to index
        %swap3A_690 = arith.constant 32 : index
        %swap3A_691 = tpu.vector_load %arg8[%swap3A_689, %swap3A_690] {strides = array<i32>} : memref<32x128xf32, #tpu.memory_space<vmem>>, vector<16xf32>,
        tpu.vector_store %arg8[%swap3A_689, %swap3A_690], %add3A_687 {strides = array<i32>} : memref<32x128xf32, #tpu.memory_space<vmem>>, vector<16xf32>,
        %get3A_692 = arith.constant 6 : i32
        %get3A_693 = arith.index_cast %get3A_692 : i32 to index
        %get3A_694 = arith.constant 32 : index
        %get3A_695 = tpu.vector_load %arg7[%get3A_693, %get3A_694] {strides = array<i32>} : memref<32x128xf32, #tpu.memory_space<vmem>>, vector<16xf32>,
        %add3A_696 = arith.addf %get3A_637, %get3A_695 : vector<16xf32>
        %swap3A_697 = arith.constant 6 : i32
        %swap3A_698 = arith.index_cast %swap3A_697 : i32 to index
        %swap3A_699 = arith.constant 32 : index
        %swap3A_700 = tpu.vector_load %arg8[%swap3A_698, %swap3A_699] {strides = array<i32>} : memref<32x128xf32, #tpu.memory_space<vmem>>, vector<16xf32>,
        tpu.vector_store %arg8[%swap3A_698, %swap3A_699], %add3A_696 {strides = array<i32>} : memref<32x128xf32, #tpu.memory_space<vmem>>, vector<16xf32>,
        %get3A_701 = arith.constant 7 : i32
        %get3A_702 = arith.index_cast %get3A_701 : i32 to index
        %get3A_703 = arith.constant 32 : index
        %get3A_704 = tpu.vector_load %arg7[%get3A_702, %get3A_703] {strides = array<i32>} : memref<32x128xf32, #tpu.memory_space<vmem>>, vector<16xf32>,
        %add3A_705 = arith.addf %get3A_637, %get3A_704 : vector<16xf32>
        %swap3A_706 = arith.constant 7 : i32
        %swap3A_707 = arith.index_cast %swap3A_706 : i32 to index
        %swap3A_708 = arith.constant 32 : index
        %swap3A_709 = tpu.vector_load %arg8[%swap3A_707, %swap3A_708] {strides = array<i32>} : memref<32x128xf32, #tpu.memory_space<vmem>>, vector<16xf32>,
        tpu.vector_store %arg8[%swap3A_707, %swap3A_708], %add3A_705 {strides = array<i32>} : memref<32x128xf32, #tpu.memory_space<vmem>>, vector<16xf32>,
        %get3A_710 = arith.constant 8 : i32
        %get3A_711 = arith.index_cast %get3A_710 : i32 to index
        %get3A_712 = arith.constant 32 : index
        %get3A_713 = tpu.vector_load %arg7[%get3A_711, %get3A_712] {strides = array<i32>} : memref<32x128xf32, #tpu.memory_space<vmem>>, vector<16xf32>,
        %add3A_714 = arith.addf %get3A_637, %get3A_713 : vector<16xf32>
        %swap3A_715 = arith.constant 8 : i32
        %swap3A_716 = arith.index_cast %swap3A_715 : i32 to index
        %swap3A_717 = arith.constant 32 : index
        %swap3A_718 = tpu.vector_load %arg8[%swap3A_716, %swap3A_717] {strides = array<i32>} : memref<32x128xf32, #tpu.memory_space<vmem>>, vector<16xf32>,
        tpu.vector_store %arg8[%swap3A_716, %swap3A_717], %add3A_714 {strides = array<i32>} : memref<32x128xf32, #tpu.memory_space<vmem>>, vector<16xf32>,
        %get3A_719 = arith.constant 9 : i32
        %get3A_720 = arith.index_cast %get3A_719 : i32 to index
        %get3A_721 = arith.constant 32 : index
        %get3A_722 = tpu.vector_load %arg7[%get3A_720, %get3A_721] {strides = array<i32>} : memref<32x128xf32, #tpu.memory_space<vmem>>, vector<16xf32>,
        %add3A_723 = arith.addf %get3A_637, %get3A_722 : vector<16xf32>
        %swap3A_724 = arith.constant 9 : i32
        %swap3A_725 = arith.index_cast %swap3A_724 : i32 to index
        %swap3A_726 = arith.constant 32 : index
        %swap3A_727 = tpu.vector_load %arg8[%swap3A_725, %swap3A_726] {strides = array<i32>} : memref<32x128xf32, #tpu.memory_space<vmem>>, vector<16xf32>,
        tpu.vector_store %arg8[%swap3A_725, %swap3A_726], %add3A_723 {strides = array<i32>} : memref<32x128xf32, #tpu.memory_space<vmem>>, vector<16xf32>,
        %get3A_728 = arith.constant 10 : i32
        %get3A_729 = arith.index_cast %get3A_728 : i32 to index
        %get3A_730 = arith.constant 32 : index
        %get3A_731 = tpu.vector_load %arg7[%get3A_729, %get3A_730] {strides = array<i32>} : memref<32x128xf32, #tpu.memory_space<vmem>>, vector<16xf32>,
        %add3A_732 = arith.addf %get3A_637, %get3A_731 : vector<16xf32>
        %swap3A_733 = arith.constant 10 : i32
        %swap3A_734 = arith.index_cast %swap3A_733 : i32 to index
        %swap3A_735 = arith.constant 32 : index
        %swap3A_736 = tpu.vector_load %arg8[%swap3A_734, %swap3A_735] {strides = array<i32>} : memref<32x128xf32, #tpu.memory_space<vmem>>, vector<16xf32>,
        tpu.vector_store %arg8[%swap3A_734, %swap3A_735], %add3A_732 {strides = array<i32>} : memref<32x128xf32, #tpu.memory_space<vmem>>, vector<16xf32>,
        %get3A_737 = arith.constant 11 : i32
        %get3A_738 = arith.index_cast %get3A_737 : i32 to index
        %get3A_739 = arith.constant 32 : index
        %get3A_740 = tpu.vector_load %arg7[%get3A_738, %get3A_739] {strides = array<i32>} : memref<32x128xf32, #tpu.memory_space<vmem>>, vector<16xf32>,
        %add3A_741 = arith.addf %get3A_637, %get3A_740 : vector<16xf32>
        %swap3A_742 = arith.constant 11 : i32
        %swap3A_743 = arith.index_cast %swap3A_742 : i32 to index
        %swap3A_744 = arith.constant 32 : index
        %swap3A_745 = tpu.vector_load %arg8[%swap3A_743, %swap3A_744] {strides = array<i32>} : memref<32x128xf32, #tpu.memory_space<vmem>>, vector<16xf32>,
        tpu.vector_store %arg8[%swap3A_743, %swap3A_744], %add3A_741 {strides = array<i32>} : memref<32x128xf32, #tpu.memory_space<vmem>>, vector<16xf32>,
        %get3A_746 = arith.constant 12 : i32
        %get3A_747 = arith.index_cast %get3A_746 : i32 to index
        %get3A_748 = arith.constant 32 : index
        %get3A_749 = tpu.vector_load %arg7[%get3A_747, %get3A_748] {strides = array<i32>} : memref<32x128xf32, #tpu.memory_space<vmem>>, vector<16xf32>,
        %add3A_750 = arith.addf %get3A_637, %get3A_749 : vector<16xf32>
        %swap3A_751 = arith.constant 12 : i32
        %swap3A_752 = arith.index_cast %swap3A_751 : i32 to index
        %swap3A_753 = arith.constant 32 : index
        %swap3A_754 = tpu.vector_load %arg8[%swap3A_752, %swap3A_753] {strides = array<i32>} : memref<32x128xf32, #tpu.memory_space<vmem>>, vector<16xf32>,
        tpu.vector_store %arg8[%swap3A_752, %swap3A_753], %add3A_750 {strides = array<i32>} : memref<32x128xf32, #tpu.memory_space<vmem>>, vector<16xf32>,
        %get3A_755 = arith.constant 13 : i32
        %get3A_756 = arith.index_cast %get3A_755 : i32 to index
        %get3A_757 = arith.constant 32 : index
        %get3A_758 = tpu.vector_load %arg7[%get3A_756, %get3A_757] {strides = array<i32>} : memref<32x128xf32, #tpu.memory_space<vmem>>, vector<16xf32>,
        %add3A_759 = arith.addf %get3A_637, %get3A_758 : vector<16xf32>
        %swap3A_760 = arith.constant 13 : i32
        %swap3A_761 = arith.index_cast %swap3A_760 : i32 to index
        %swap3A_762 = arith.constant 32 : index
        %swap3A_763 = tpu.vector_load %arg8[%swap3A_761, %swap3A_762] {strides = array<i32>} : memref<32x128xf32, #tpu.memory_space<vmem>>, vector<16xf32>,
        tpu.vector_store %arg8[%swap3A_761, %swap3A_762], %add3A_759 {strides = array<i32>} : memref<32x128xf32, #tpu.memory_space<vmem>>, vector<16xf32>,
        %get3A_764 = arith.constant 14 : i32
        %get3A_765 = arith.index_cast %get3A_764 : i32 to index
        %get3A_766 = arith.constant 32 : index
        %get3A_767 = tpu.vector_load %arg7[%get3A_765, %get3A_766] {strides = array<i32>} : memref<32x128xf32, #tpu.memory_space<vmem>>, vector<16xf32>,
        %add3A_768 = arith.addf %get3A_637, %get3A_767 : vector<16xf32>
        %swap3A_769 = arith.constant 14 : i32
        %swap3A_770 = arith.index_cast %swap3A_769 : i32 to index
        %swap3A_771 = arith.constant 32 : index
        %swap3A_772 = tpu.vector_load %arg8[%swap3A_770, %swap3A_771] {strides = array<i32>} : memref<32x128xf32, #tpu.memory_space<vmem>>, vector<16xf32>,
        tpu.vector_store %arg8[%swap3A_770, %swap3A_771], %add3A_768 {strides = array<i32>} : memref<32x128xf32, #tpu.memory_space<vmem>>, vector<16xf32>,
        %get3A_773 = arith.constant 15 : i32
        %get3A_774 = arith.index_cast %get3A_773 : i32 to index
        %get3A_775 = arith.constant 32 : index
        %get3A_776 = tpu.vector_load %arg7[%get3A_774, %get3A_775] {strides = array<i32>} : memref<32x128xf32, #tpu.memory_space<vmem>>, vector<16xf32>,
        %add3A_777 = arith.addf %get3A_637, %get3A_776 : vector<16xf32>
        %swap3A_778 = arith.constant 15 : i32
        %swap3A_779 = arith.index_cast %swap3A_778 : i32 to index
        %swap3A_780 = arith.constant 32 : index
        %swap3A_781 = tpu.vector_load %arg8[%swap3A_779, %swap3A_780] {strides = array<i32>} : memref<32x128xf32, #tpu.memory_space<vmem>>, vector<16xf32>,
        tpu.vector_store %arg8[%swap3A_779, %swap3A_780], %add3A_777 {strides = array<i32>} : memref<32x128xf32, #tpu.memory_space<vmem>>, vector<16xf32>,
        %get3A_782 = arith.constant 16 : i32
        %get3A_783 = arith.index_cast %get3A_782 : i32 to index
        %get3A_784 = arith.constant 32 : index
        %get3A_785 = tpu.vector_load %arg7[%get3A_783, %get3A_784] {strides = array<i32>} : memref<32x128xf32, #tpu.memory_space<vmem>>, vector<16xf32>,
        %add3A_786 = arith.addf %get3A_637, %get3A_785 : vector<16xf32>
        %swap3A_787 = arith.constant 16 : i32
        %swap3A_788 = arith.index_cast %swap3A_787 : i32 to index
        %swap3A_789 = arith.constant 32 : index
        %swap3A_790 = tpu.vector_load %arg8[%swap3A_788, %swap3A_789] {strides = array<i32>} : memref<32x128xf32, #tpu.memory_space<vmem>>, vector<16xf32>,
        tpu.vector_store %arg8[%swap3A_788, %swap3A_789], %add3A_786 {strides = array<i32>} : memref<32x128xf32, #tpu.memory_space<vmem>>, vector<16xf32>,
        %get3A_791 = arith.constant 17 : i32
        %get3A_792 = arith.index_cast %get3A_791 : i32 to index
        %get3A_793 = arith.constant 32 : index
        %get3A_794 = tpu.vector_load %arg7[%get3A_792, %get3A_793] {strides = array<i32>} : memref<32x128xf32, #tpu.memory_space<vmem>>, vector<16xf32>,
        %add3A_795 = arith.addf %get3A_637, %get3A_794 : vector<16xf32>
        %swap3A_796 = arith.constant 17 : i32
        %swap3A_797 = arith.index_cast %swap3A_796 : i32 to index
        %swap3A_798 = arith.constant 32 : index
        %swap3A_799 = tpu.vector_load %arg8[%swap3A_797, %swap3A_798] {strides = array<i32>} : memref<32x128xf32, #tpu.memory_space<vmem>>, vector<16xf32>,
        tpu.vector_store %arg8[%swap3A_797, %swap3A_798], %add3A_795 {strides = array<i32>} : memref<32x128xf32, #tpu.memory_space<vmem>>, vector<16xf32>,
        %get3A_800 = arith.constant 18 : i32
        %get3A_801 = arith.index_cast %get3A_800 : i32 to index
        %get3A_802 = arith.constant 32 : index
        %get3A_803 = tpu.vector_load %arg7[%get3A_801, %get3A_802] {strides = array<i32>} : memref<32x128xf32, #tpu.memory_space<vmem>>, vector<16xf32>,
        %add3A_804 = arith.addf %get3A_637, %get3A_803 : vector<16xf32>
        %swap3A_805 = arith.constant 18 : i32
        %swap3A_806 = arith.index_cast %swap3A_805 : i32 to index
        %swap3A_807 = arith.constant 32 : index
        %swap3A_808 = tpu.vector_load %arg8[%swap3A_806, %swap3A_807] {strides = array<i32>} : memref<32x128xf32, #tpu.memory_space<vmem>>, vector<16xf32>,
        tpu.vector_store %arg8[%swap3A_806, %swap3A_807], %add3A_804 {strides = array<i32>} : memref<32x128xf32, #tpu.memory_space<vmem>>, vector<16xf32>,
        %get3A_809 = arith.constant 19 : i32
        %get3A_810 = arith.index_cast %get3A_809 : i32 to index
        %get3A_811 = arith.constant 32 : index
        %get3A_812 = tpu.vector_load %arg7[%get3A_810, %get3A_811] {strides = array<i32>} : memref<32x128xf32, #tpu.memory_space<vmem>>, vector<16xf32>,
        %add3A_813 = arith.addf %get3A_637, %get3A_812 : vector<16xf32>
        %swap3A_814 = arith.constant 19 : i32
        %swap3A_815 = arith.index_cast %swap3A_814 : i32 to index
        %swap3A_816 = arith.constant 32 : index
        %swap3A_817 = tpu.vector_load %arg8[%swap3A_815, %swap3A_816] {strides = array<i32>} : memref<32x128xf32, #tpu.memory_space<vmem>>, vector<16xf32>,
        tpu.vector_store %arg8[%swap3A_815, %swap3A_816], %add3A_813 {strides = array<i32>} : memref<32x128xf32, #tpu.memory_space<vmem>>, vector<16xf32>,
        %get3A_818 = arith.constant 20 : i32
        %get3A_819 = arith.index_cast %get3A_818 : i32 to index
        %get3A_820 = arith.constant 32 : index
        %get3A_821 = tpu.vector_load %arg7[%get3A_819, %get3A_820] {strides = array<i32>} : memref<32x128xf32, #tpu.memory_space<vmem>>, vector<16xf32>,
        %add3A_822 = arith.addf %get3A_637, %get3A_821 : vector<16xf32>
        %swap3A_823 = arith.constant 20 : i32
        %swap3A_824 = arith.index_cast %swap3A_823 : i32 to index
        %swap3A_825 = arith.constant 32 : index
        %swap3A_826 = tpu.vector_load %arg8[%swap3A_824, %swap3A_825] {strides = array<i32>} : memref<32x128xf32, #tpu.memory_space<vmem>>, vector<16xf32>,
        tpu.vector_store %arg8[%swap3A_824, %swap3A_825], %add3A_822 {strides = array<i32>} : memref<32x128xf32, #tpu.memory_space<vmem>>, vector<16xf32>,
        %get3A_827 = arith.constant 21 : i32
        %get3A_828 = arith.index_cast %get3A_827 : i32 to index
        %get3A_829 = arith.constant 32 : index
        %get3A_830 = tpu.vector_load %arg7[%get3A_828, %get3A_829] {strides = array<i32>} : memref<32x128xf32, #tpu.memory_space<vmem>>, vector<16xf32>,
        %add3A_831 = arith.addf %get3A_637, %get3A_830 : vector<16xf32>
        %swap3A_832 = arith.constant 21 : i32
        %swap3A_833 = arith.index_cast %swap3A_832 : i32 to index
        %swap3A_834 = arith.constant 32 : index
        %swap3A_835 = tpu.vector_load %arg8[%swap3A_833, %swap3A_834] {strides = array<i32>} : memref<32x128xf32, #tpu.memory_space<vmem>>, vector<16xf32>,
        tpu.vector_store %arg8[%swap3A_833, %swap3A_834], %add3A_831 {strides = array<i32>} : memref<32x128xf32, #tpu.memory_space<vmem>>, vector<16xf32>,
        %get3A_836 = arith.constant 22 : i32
        %get3A_837 = arith.index_cast %get3A_836 : i32 to index
        %get3A_838 = arith.constant 32 : index
        %get3A_839 = tpu.vector_load %arg7[%get3A_837, %get3A_838] {strides = array<i32>} : memref<32x128xf32, #tpu.memory_space<vmem>>, vector<16xf32>,
        %add3A_840 = arith.addf %get3A_637, %get3A_839 : vector<16xf32>
        %swap3A_841 = arith.constant 22 : i32
        %swap3A_842 = arith.index_cast %swap3A_841 : i32 to index
        %swap3A_843 = arith.constant 32 : index
        %swap3A_844 = tpu.vector_load %arg8[%swap3A_842, %swap3A_843] {strides = array<i32>} : memref<32x128xf32, #tpu.memory_space<vmem>>, vector<16xf32>,
        tpu.vector_store %arg8[%swap3A_842, %swap3A_843], %add3A_840 {strides = array<i32>} : memref<32x128xf32, #tpu.memory_space<vmem>>, vector<16xf32>,
        %get3A_845 = arith.constant 23 : i32
        %get3A_846 = arith.index_cast %get3A_845 : i32 to index
        %get3A_847 = arith.constant 32 : index
        %get3A_848 = tpu.vector_load %arg7[%get3A_846, %get3A_847] {strides = array<i32>} : memref<32x128xf32, #tpu.memory_space<vmem>>, vector<16xf32>,
        %add3A_849 = arith.addf %get3A_637, %get3A_848 : vector<16xf32>
        %swap3A_850 = arith.constant 23 : i32
        %swap3A_851 = arith.index_cast %swap3A_850 : i32 to index
        %swap3A_852 = arith.constant 32 : index
        %swap3A_853 = tpu.vector_load %arg8[%swap3A_851, %swap3A_852] {strides = array<i32>} : memref<32x128xf32, #tpu.memory_space<vmem>>, vector<16xf32>,
        tpu.vector_store %arg8[%swap3A_851, %swap3A_852], %add3A_849 {strides = array<i32>} : memref<32x128xf32, #tpu.memory_space<vmem>>, vector<16xf32>,
        %get3A_854 = arith.constant 24 : i32
        %get3A_855 = arith.index_cast %get3A_854 : i32 to index
        %get3A_856 = arith.constant 32 : index
        %get3A_857 = tpu.vector_load %arg7[%get3A_855, %get3A_856] {strides = array<i32>} : memref<32x128xf32, #tpu.memory_space<vmem>>, vector<16xf32>,
        %add3A_858 = arith.addf %get3A_637, %get3A_857 : vector<16xf32>
        %swap3A_859 = arith.constant 24 : i32
        %swap3A_860 = arith.index_cast %swap3A_859 : i32 to index
        %swap3A_861 = arith.constant 32 : index
        %swap3A_862 = tpu.vector_load %arg8[%swap3A_860, %swap3A_861] {strides = array<i32>} : memref<32x128xf32, #tpu.memory_space<vmem>>, vector<16xf32>,
        tpu.vector_store %arg8[%swap3A_860, %swap3A_861], %add3A_858 {strides = array<i32>} : memref<32x128xf32, #tpu.memory_space<vmem>>, vector<16xf32>,
        %get3A_863 = arith.constant 25 : i32
        %get3A_864 = arith.index_cast %get3A_863 : i32 to index
        %get3A_865 = arith.constant 32 : index
        %get3A_866 = tpu.vector_load %arg7[%get3A_864, %get3A_865] {strides = array<i32>} : memref<32x128xf32, #tpu.memory_space<vmem>>, vector<16xf32>,
        %add3A_867 = arith.addf %get3A_637, %get3A_866 : vector<16xf32>
        %swap3A_868 = arith.constant 25 : i32
        %swap3A_869 = arith.index_cast %swap3A_868 : i32 to index
        %swap3A_870 = arith.constant 32 : index
        %swap3A_871 = tpu.vector_load %arg8[%swap3A_869, %swap3A_870] {strides = array<i32>} : memref<32x128xf32, #tpu.memory_space<vmem>>, vector<16xf32>,
        tpu.vector_store %arg8[%swap3A_869, %swap3A_870], %add3A_867 {strides = array<i32>} : memref<32x128xf32, #tpu.memory_space<vmem>>, vector<16xf32>,
        %get3A_872 = arith.constant 26 : i32
        %get3A_873 = arith.index_cast %get3A_872 : i32 to index
        %get3A_874 = arith.constant 32 : index
        %get3A_875 = tpu.vector_load %arg7[%get3A_873, %get3A_874] {strides = array<i32>} : memref<32x128xf32, #tpu.memory_space<vmem>>, vector<16xf32>,
        %add3A_876 = arith.addf %get3A_637, %get3A_875 : vector<16xf32>
        %swap3A_877 = arith.constant 26 : i32
        %swap3A_878 = arith.index_cast %swap3A_877 : i32 to index
        %swap3A_879 = arith.constant 32 : index
        %swap3A_880 = tpu.vector_load %arg8[%swap3A_878, %swap3A_879] {strides = array<i32>} : memref<32x128xf32, #tpu.memory_space<vmem>>, vector<16xf32>,
        tpu.vector_store %arg8[%swap3A_878, %swap3A_879], %add3A_876 {strides = array<i32>} : memref<32x128xf32, #tpu.memory_space<vmem>>, vector<16xf32>,
        %get3A_881 = arith.constant 27 : i32
        %get3A_882 = arith.index_cast %get3A_881 : i32 to index
        %get3A_883 = arith.constant 32 : index
        %get3A_884 = tpu.vector_load %arg7[%get3A_882, %get3A_883] {strides = array<i32>} : memref<32x128xf32, #tpu.memory_space<vmem>>, vector<16xf32>,
        %add3A_885 = arith.addf %get3A_637, %get3A_884 : vector<16xf32>
        %swap3A_886 = arith.constant 27 : i32
        %swap3A_887 = arith.index_cast %swap3A_886 : i32 to index
        %swap3A_888 = arith.constant 32 : index
        %swap3A_889 = tpu.vector_load %arg8[%swap3A_887, %swap3A_888] {strides = array<i32>} : memref<32x128xf32, #tpu.memory_space<vmem>>, vector<16xf32>,
        tpu.vector_store %arg8[%swap3A_887, %swap3A_888], %add3A_885 {strides = array<i32>} : memref<32x128xf32, #tpu.memory_space<vmem>>, vector<16xf32>,
        %get3A_890 = arith.constant 28 : i32
        %get3A_891 = arith.index_cast %get3A_890 : i32 to index
        %get3A_892 = arith.constant 32 : index
        %get3A_893 = tpu.vector_load %arg7[%get3A_891, %get3A_892] {strides = array<i32>} : memref<32x128xf32, #tpu.memory_space<vmem>>, vector<16xf32>,
        %add3A_894 = arith.addf %get3A_637, %get3A_893 : vector<16xf32>
        %swap3A_895 = arith.constant 28 : i32
        %swap3A_896 = arith.index_cast %swap3A_895 : i32 to index
        %swap3A_897 = arith.constant 32 : index
        %swap3A_898 = tpu.vector_load %arg8[%swap3A_896, %swap3A_897] {strides = array<i32>} : memref<32x128xf32, #tpu.memory_space<vmem>>, vector<16xf32>,
        tpu.vector_store %arg8[%swap3A_896, %swap3A_897], %add3A_894 {strides = array<i32>} : memref<32x128xf32, #tpu.memory_space<vmem>>, vector<16xf32>,
        %get3A_899 = arith.constant 29 : i32
        %get3A_900 = arith.index_cast %get3A_899 : i32 to index
        %get3A_901 = arith.constant 32 : index
        %get3A_902 = tpu.vector_load %arg7[%get3A_900, %get3A_901] {strides = array<i32>} : memref<32x128xf32, #tpu.memory_space<vmem>>, vector<16xf32>,
        %add3A_903 = arith.addf %get3A_637, %get3A_902 : vector<16xf32>
        %swap3A_904 = arith.constant 29 : i32
        %swap3A_905 = arith.index_cast %swap3A_904 : i32 to index
        %swap3A_906 = arith.constant 32 : index
        %swap3A_907 = tpu.vector_load %arg8[%swap3A_905, %swap3A_906] {strides = array<i32>} : memref<32x128xf32, #tpu.memory_space<vmem>>, vector<16xf32>,
        tpu.vector_store %arg8[%swap3A_905, %swap3A_906], %add3A_903 {strides = array<i32>} : memref<32x128xf32, #tpu.memory_space<vmem>>, vector<16xf32>,
        %get3A_908 = arith.constant 30 : i32
        %get3A_909 = arith.index_cast %get3A_908 : i32 to index
        %get3A_910 = arith.constant 32 : index
        %get3A_911 = tpu.vector_load %arg7[%get3A_909, %get3A_910] {strides = array<i32>} : memref<32x128xf32, #tpu.memory_space<vmem>>, vector<16xf32>,
        %add3A_912 = arith.addf %get3A_637, %get3A_911 : vector<16xf32>
        %swap3A_913 = arith.constant 30 : i32
        %swap3A_914 = arith.index_cast %swap3A_913 : i32 to index
        %swap3A_915 = arith.constant 32 : index
        %swap3A_916 = tpu.vector_load %arg8[%swap3A_914, %swap3A_915] {strides = array<i32>} : memref<32x128xf32, #tpu.memory_space<vmem>>, vector<16xf32>,
        tpu.vector_store %arg8[%swap3A_914, %swap3A_915], %add3A_912 {strides = array<i32>} : memref<32x128xf32, #tpu.memory_space<vmem>>, vector<16xf32>,
        %get3A_917 = arith.constant 31 : i32
        %get3A_918 = arith.index_cast %get3A_917 : i32 to index
        %get3A_919 = arith.constant 32 : index
        %get3A_920 = tpu.vector_load %arg7[%get3A_918, %get3A_919] {strides = array<i32>} : memref<32x128xf32, #tpu.memory_space<vmem>>, vector<16xf32>,
        %add3A_921 = arith.addf %get3A_637, %get3A_920 : vector<16xf32>
        %swap3A_922 = arith.constant 31 : i32
        %swap3A_923 = arith.index_cast %swap3A_922 : i32 to index
        %swap3A_924 = arith.constant 32 : index
        %swap3A_925 = tpu.vector_load %arg8[%swap3A_923, %swap3A_924] {strides = array<i32>} : memref<32x128xf32, #tpu.memory_space<vmem>>, vector<16xf32>,
        tpu.vector_store %arg8[%swap3A_923, %swap3A_924], %add3A_921 {strides = array<i32>} : memref<32x128xf32, #tpu.memory_space<vmem>>, vector<16xf32>,
        %get3A_926 = arith.index_cast %scan3A_54 : i32 to index
        %get3A_927 = arith.constant 48 : index
        %get3A_928 = tpu.vector_load %arg6[%get3A_926, %get3A_927] {strides = array<i32>} : memref<13x128xf32, #tpu.memory_space<vmem>>, vector<16xf32>,
        %get3A_929 = arith.constant 0 : i32
        %get3A_930 = arith.index_cast %get3A_929 : i32 to index
        %get3A_931 = arith.constant 48 : index
        %get3A_932 = tpu.vector_load %arg7[%get3A_930, %get3A_931] {strides = array<i32>} : memref<32x128xf32, #tpu.memory_space<vmem>>, vector<16xf32>,
        %add3A_933 = arith.addf %get3A_928, %get3A_932 : vector<16xf32>
        %swap3A_934 = arith.constant 0 : i32
        %swap3A_935 = arith.index_cast %swap3A_934 : i32 to index
        %swap3A_936 = arith.constant 48 : index
        %swap3A_937 = tpu.vector_load %arg8[%swap3A_935, %swap3A_936] {strides = array<i32>} : memref<32x128xf32, #tpu.memory_space<vmem>>, vector<16xf32>,
        tpu.vector_store %arg8[%swap3A_935, %swap3A_936], %add3A_933 {strides = array<i32>} : memref<32x128xf32, #tpu.memory_space<vmem>>, vector<16xf32>,
        %get3A_938 = arith.constant 1 : i32
        %get3A_939 = arith.index_cast %get3A_938 : i32 to index
        %get3A_940 = arith.constant 48 : index
        %get3A_941 = tpu.vector_load %arg7[%get3A_939, %get3A_940] {strides = array<i32>} : memref<32x128xf32, #tpu.memory_space<vmem>>, vector<16xf32>,
        %add3A_942 = arith.addf %get3A_928, %get3A_941 : vector<16xf32>
        %swap3A_943 = arith.constant 1 : i32
        %swap3A_944 = arith.index_cast %swap3A_943 : i32 to index
        %swap3A_945 = arith.constant 48 : index
        %swap3A_946 = tpu.vector_load %arg8[%swap3A_944, %swap3A_945] {strides = array<i32>} : memref<32x128xf32, #tpu.memory_space<vmem>>, vector<16xf32>,
        tpu.vector_store %arg8[%swap3A_944, %swap3A_945], %add3A_942 {strides = array<i32>} : memref<32x128xf32, #tpu.memory_space<vmem>>, vector<16xf32>,
        %get3A_947 = arith.constant 2 : i32
        %get3A_948 = arith.index_cast %get3A_947 : i32 to index
        %get3A_949 = arith.constant 48 : index
        %get3A_950 = tpu.vector_load %arg7[%get3A_948, %get3A_949] {strides = array<i32>} : memref<32x128xf32, #tpu.memory_space<vmem>>, vector<16xf32>,
        %add3A_951 = arith.addf %get3A_928, %get3A_950 : vector<16xf32>
        %swap3A_952 = arith.constant 2 : i32
        %swap3A_953 = arith.index_cast %swap3A_952 : i32 to index
        %swap3A_954 = arith.constant 48 : index
        %swap3A_955 = tpu.vector_load %arg8[%swap3A_953, %swap3A_954] {strides = array<i32>} : memref<32x128xf32, #tpu.memory_space<vmem>>, vector<16xf32>,
        tpu.vector_store %arg8[%swap3A_953, %swap3A_954], %add3A_951 {strides = array<i32>} : memref<32x128xf32, #tpu.memory_space<vmem>>, vector<16xf32>,
        %get3A_956 = arith.constant 3 : i32
        %get3A_957 = arith.index_cast %get3A_956 : i32 to index
        %get3A_958 = arith.constant 48 : index
        %get3A_959 = tpu.vector_load %arg7[%get3A_957, %get3A_958] {strides = array<i32>} : memref<32x128xf32, #tpu.memory_space<vmem>>, vector<16xf32>,
        %add3A_960 = arith.addf %get3A_928, %get3A_959 : vector<16xf32>
        %swap3A_961 = arith.constant 3 : i32
        %swap3A_962 = arith.index_cast %swap3A_961 : i32 to index
        %swap3A_963 = arith.constant 48 : index
        %swap3A_964 = tpu.vector_load %arg8[%swap3A_962, %swap3A_963] {strides = array<i32>} : memref<32x128xf32, #tpu.memory_space<vmem>>, vector<16xf32>,
        tpu.vector_store %arg8[%swap3A_962, %swap3A_963], %add3A_960 {strides = array<i32>} : memref<32x128xf32, #tpu.memory_space<vmem>>, vector<16xf32>,
        %get3A_965 = arith.constant 4 : i32
        %get3A_966 = arith.index_cast %get3A_965 : i32 to index
        %get3A_967 = arith.constant 48 : index
        %get3A_968 = tpu.vector_load %arg7[%get3A_966, %get3A_967] {strides = array<i32>} : memref<32x128xf32, #tpu.memory_space<vmem>>, vector<16xf32>,
        %add3A_969 = arith.addf %get3A_928, %get3A_968 : vector<16xf32>
        %swap3A_970 = arith.constant 4 : i32
        %swap3A_971 = arith.index_cast %swap3A_970 : i32 to index
        %swap3A_972 = arith.constant 48 : index
        %swap3A_973 = tpu.vector_load %arg8[%swap3A_971, %swap3A_972] {strides = array<i32>} : memref<32x128xf32, #tpu.memory_space<vmem>>, vector<16xf32>,
        tpu.vector_store %arg8[%swap3A_971, %swap3A_972], %add3A_969 {strides = array<i32>} : memref<32x128xf32, #tpu.memory_space<vmem>>, vector<16xf32>,
        %get3A_974 = arith.constant 5 : i32
        %get3A_975 = arith.index_cast %get3A_974 : i32 to index
        %get3A_976 = arith.constant 48 : index
        %get3A_977 = tpu.vector_load %arg7[%get3A_975, %get3A_976] {strides = array<i32>} : memref<32x128xf32, #tpu.memory_space<vmem>>, vector<16xf32>,
        %add3A_978 = arith.addf %get3A_928, %get3A_977 : vector<16xf32>
        %swap3A_979 = arith.constant 5 : i32
        %swap3A_980 = arith.index_cast %swap3A_979 : i32 to index
        %swap3A_981 = arith.constant 48 : index
        %swap3A_982 = tpu.vector_load %arg8[%swap3A_980, %swap3A_981] {strides = array<i32>} : memref<32x128xf32, #tpu.memory_space<vmem>>, vector<16xf32>,
        tpu.vector_store %arg8[%swap3A_980, %swap3A_981], %add3A_978 {strides = array<i32>} : memref<32x128xf32, #tpu.memory_space<vmem>>, vector<16xf32>,
        %get3A_983 = arith.constant 6 : i32
        %get3A_984 = arith.index_cast %get3A_983 : i32 to index
        %get3A_985 = arith.constant 48 : index
        %get3A_986 = tpu.vector_load %arg7[%get3A_984, %get3A_985] {strides = array<i32>} : memref<32x128xf32, #tpu.memory_space<vmem>>, vector<16xf32>,
        %add3A_987 = arith.addf %get3A_928, %get3A_986 : vector<16xf32>
        %swap3A_988 = arith.constant 6 : i32
        %swap3A_989 = arith.index_cast %swap3A_988 : i32 to index
        %swap3A_990 = arith.constant 48 : index
        %swap3A_991 = tpu.vector_load %arg8[%swap3A_989, %swap3A_990] {strides = array<i32>} : memref<32x128xf32, #tpu.memory_space<vmem>>, vector<16xf32>,
        tpu.vector_store %arg8[%swap3A_989, %swap3A_990], %add3A_987 {strides = array<i32>} : memref<32x128xf32, #tpu.memory_space<vmem>>, vector<16xf32>,
        %get3A_992 = arith.constant 7 : i32
        %get3A_993 = arith.index_cast %get3A_992 : i32 to index
        %get3A_994 = arith.constant 48 : index
        %get3A_995 = tpu.vector_load %arg7[%get3A_993, %get3A_994] {strides = array<i32>} : memref<32x128xf32, #tpu.memory_space<vmem>>, vector<16xf32>,
        %add3A_996 = arith.addf %get3A_928, %get3A_995 : vector<16xf32>
        %swap3A_997 = arith.constant 7 : i32
        %swap3A_998 = arith.index_cast %swap3A_997 : i32 to index
        %swap3A_999 = arith.constant 48 : index
        %swap3A_1000 = tpu.vector_load %arg8[%swap3A_998, %swap3A_999] {strides = array<i32>} : memref<32x128xf32, #tpu.memory_space<vmem>>, vector<16xf32>,
        tpu.vector_store %arg8[%swap3A_998, %swap3A_999], %add3A_996 {strides = array<i32>} : memref<32x128xf32, #tpu.memory_space<vmem>>, vector<16xf32>,
        %get3A_1001 = arith.constant 8 : i32
        %get3A_1002 = arith.index_cast %get3A_1001 : i32 to index
        %get3A_1003 = arith.constant 48 : index
        %get3A_1004 = tpu.vector_load %arg7[%get3A_1002, %get3A_1003] {strides = array<i32>} : memref<32x128xf32, #tpu.memory_space<vmem>>, vector<16xf32>,
        %add3A_1005 = arith.addf %get3A_928, %get3A_1004 : vector<16xf32>
        %swap3A_1006 = arith.constant 8 : i32
        %swap3A_1007 = arith.index_cast %swap3A_1006 : i32 to index
        %swap3A_1008 = arith.constant 48 : index
        %swap3A_1009 = tpu.vector_load %arg8[%swap3A_1007, %swap3A_1008] {strides = array<i32>} : memref<32x128xf32, #tpu.memory_space<vmem>>, vector<16xf32>,
        tpu.vector_store %arg8[%swap3A_1007, %swap3A_1008], %add3A_1005 {strides = array<i32>} : memref<32x128xf32, #tpu.memory_space<vmem>>, vector<16xf32>,
        %get3A_1010 = arith.constant 9 : i32
        %get3A_1011 = arith.index_cast %get3A_1010 : i32 to index
        %get3A_1012 = arith.constant 48 : index
        %get3A_1013 = tpu.vector_load %arg7[%get3A_1011, %get3A_1012] {strides = array<i32>} : memref<32x128xf32, #tpu.memory_space<vmem>>, vector<16xf32>,
        %add3A_1014 = arith.addf %get3A_928, %get3A_1013 : vector<16xf32>
        %swap3A_1015 = arith.constant 9 : i32
        %swap3A_1016 = arith.index_cast %swap3A_1015 : i32 to index
        %swap3A_1017 = arith.constant 48 : index
        %swap3A_1018 = tpu.vector_load %arg8[%swap3A_1016, %swap3A_1017] {strides = array<i32>} : memref<32x128xf32, #tpu.memory_space<vmem>>, vector<16xf32>,
        tpu.vector_store %arg8[%swap3A_1016, %swap3A_1017], %add3A_1014 {strides = array<i32>} : memref<32x128xf32, #tpu.memory_space<vmem>>, vector<16xf32>,
        %get3A_1019 = arith.constant 10 : i32
        %get3A_1020 = arith.index_cast %get3A_1019 : i32 to index
        %get3A_1021 = arith.constant 48 : index
        %get3A_1022 = tpu.vector_load %arg7[%get3A_1020, %get3A_1021] {strides = array<i32>} : memref<32x128xf32, #tpu.memory_space<vmem>>, vector<16xf32>,
        %add3A_1023 = arith.addf %get3A_928, %get3A_1022 : vector<16xf32>
        %swap3A_1024 = arith.constant 10 : i32
        %swap3A_1025 = arith.index_cast %swap3A_1024 : i32 to index
        %swap3A_1026 = arith.constant 48 : index
        %swap3A_1027 = tpu.vector_load %arg8[%swap3A_1025, %swap3A_1026] {strides = array<i32>} : memref<32x128xf32, #tpu.memory_space<vmem>>, vector<16xf32>,
        tpu.vector_store %arg8[%swap3A_1025, %swap3A_1026], %add3A_1023 {strides = array<i32>} : memref<32x128xf32, #tpu.memory_space<vmem>>, vector<16xf32>,
        %get3A_1028 = arith.constant 11 : i32
        %get3A_1029 = arith.index_cast %get3A_1028 : i32 to index
        %get3A_1030 = arith.constant 48 : index
        %get3A_1031 = tpu.vector_load %arg7[%get3A_1029, %get3A_1030] {strides = array<i32>} : memref<32x128xf32, #tpu.memory_space<vmem>>, vector<16xf32>,
        %add3A_1032 = arith.addf %get3A_928, %get3A_1031 : vector<16xf32>
        %swap3A_1033 = arith.constant 11 : i32
        %swap3A_1034 = arith.index_cast %swap3A_1033 : i32 to index
        %swap3A_1035 = arith.constant 48 : index
        %swap3A_1036 = tpu.vector_load %arg8[%swap3A_1034, %swap3A_1035] {strides = array<i32>} : memref<32x128xf32, #tpu.memory_space<vmem>>, vector<16xf32>,
        tpu.vector_store %arg8[%swap3A_1034, %swap3A_1035], %add3A_1032 {strides = array<i32>} : memref<32x128xf32, #tpu.memory_space<vmem>>, vector<16xf32>,
        %get3A_1037 = arith.constant 12 : i32
        %get3A_1038 = arith.index_cast %get3A_1037 : i32 to index
        %get3A_1039 = arith.constant 48 : index
        %get3A_1040 = tpu.vector_load %arg7[%get3A_1038, %get3A_1039] {strides = array<i32>} : memref<32x128xf32, #tpu.memory_space<vmem>>, vector<16xf32>,
        %add3A_1041 = arith.addf %get3A_928, %get3A_1040 : vector<16xf32>
        %swap3A_1042 = arith.constant 12 : i32
        %swap3A_1043 = arith.index_cast %swap3A_1042 : i32 to index
        %swap3A_1044 = arith.constant 48 : index
        %swap3A_1045 = tpu.vector_load %arg8[%swap3A_1043, %swap3A_1044] {strides = array<i32>} : memref<32x128xf32, #tpu.memory_space<vmem>>, vector<16xf32>,
        tpu.vector_store %arg8[%swap3A_1043, %swap3A_1044], %add3A_1041 {strides = array<i32>} : memref<32x128xf32, #tpu.memory_space<vmem>>, vector<16xf32>,
        %get3A_1046 = arith.constant 13 : i32
        %get3A_1047 = arith.index_cast %get3A_1046 : i32 to index
        %get3A_1048 = arith.constant 48 : index
        %get3A_1049 = tpu.vector_load %arg7[%get3A_1047, %get3A_1048] {strides = array<i32>} : memref<32x128xf32, #tpu.memory_space<vmem>>, vector<16xf32>,
        %add3A_1050 = arith.addf %get3A_928, %get3A_1049 : vector<16xf32>
        %swap3A_1051 = arith.constant 13 : i32
        %swap3A_1052 = arith.index_cast %swap3A_1051 : i32 to index
        %swap3A_1053 = arith.constant 48 : index
        %swap3A_1054 = tpu.vector_load %arg8[%swap3A_1052, %swap3A_1053] {strides = array<i32>} : memref<32x128xf32, #tpu.memory_space<vmem>>, vector<16xf32>,
        tpu.vector_store %arg8[%swap3A_1052, %swap3A_1053], %add3A_1050 {strides = array<i32>} : memref<32x128xf32, #tpu.memory_space<vmem>>, vector<16xf32>,
        %get3A_1055 = arith.constant 14 : i32
        %get3A_1056 = arith.index_cast %get3A_1055 : i32 to index
        %get3A_1057 = arith.constant 48 : index
        %get3A_1058 = tpu.vector_load %arg7[%get3A_1056, %get3A_1057] {strides = array<i32>} : memref<32x128xf32, #tpu.memory_space<vmem>>, vector<16xf32>,
        %add3A_1059 = arith.addf %get3A_928, %get3A_1058 : vector<16xf32>
        %swap3A_1060 = arith.constant 14 : i32
        %swap3A_1061 = arith.index_cast %swap3A_1060 : i32 to index
        %swap3A_1062 = arith.constant 48 : index
        %swap3A_1063 = tpu.vector_load %arg8[%swap3A_1061, %swap3A_1062] {strides = array<i32>} : memref<32x128xf32, #tpu.memory_space<vmem>>, vector<16xf32>,
        tpu.vector_store %arg8[%swap3A_1061, %swap3A_1062], %add3A_1059 {strides = array<i32>} : memref<32x128xf32, #tpu.memory_space<vmem>>, vector<16xf32>,
        %get3A_1064 = arith.constant 15 : i32
        %get3A_1065 = arith.index_cast %get3A_1064 : i32 to index
        %get3A_1066 = arith.constant 48 : index
        %get3A_1067 = tpu.vector_load %arg7[%get3A_1065, %get3A_1066] {strides = array<i32>} : memref<32x128xf32, #tpu.memory_space<vmem>>, vector<16xf32>,
        %add3A_1068 = arith.addf %get3A_928, %get3A_1067 : vector<16xf32>
        %swap3A_1069 = arith.constant 15 : i32
        %swap3A_1070 = arith.index_cast %swap3A_1069 : i32 to index
        %swap3A_1071 = arith.constant 48 : index
        %swap3A_1072 = tpu.vector_load %arg8[%swap3A_1070, %swap3A_1071] {strides = array<i32>} : memref<32x128xf32, #tpu.memory_space<vmem>>, vector<16xf32>,
        tpu.vector_store %arg8[%swap3A_1070, %swap3A_1071], %add3A_1068 {strides = array<i32>} : memref<32x128xf32, #tpu.memory_space<vmem>>, vector<16xf32>,
        %get3A_1073 = arith.constant 16 : i32
        %get3A_1074 = arith.index_cast %get3A_1073 : i32 to index
        %get3A_1075 = arith.constant 48 : index
        %get3A_1076 = tpu.vector_load %arg7[%get3A_1074, %get3A_1075] {strides = array<i32>} : memref<32x128xf32, #tpu.memory_space<vmem>>, vector<16xf32>,
        %add3A_1077 = arith.addf %get3A_928, %get3A_1076 : vector<16xf32>
        %swap3A_1078 = arith.constant 16 : i32
        %swap3A_1079 = arith.index_cast %swap3A_1078 : i32 to index
        %swap3A_1080 = arith.constant 48 : index
        %swap3A_1081 = tpu.vector_load %arg8[%swap3A_1079, %swap3A_1080] {strides = array<i32>} : memref<32x128xf32, #tpu.memory_space<vmem>>, vector<16xf32>,
        tpu.vector_store %arg8[%swap3A_1079, %swap3A_1080], %add3A_1077 {strides = array<i32>} : memref<32x128xf32, #tpu.memory_space<vmem>>, vector<16xf32>,
        %get3A_1082 = arith.constant 17 : i32
        %get3A_1083 = arith.index_cast %get3A_1082 : i32 to index
        %get3A_1084 = arith.constant 48 : index
        %get3A_1085 = tpu.vector_load %arg7[%get3A_1083, %get3A_1084] {strides = array<i32>} : memref<32x128xf32, #tpu.memory_space<vmem>>, vector<16xf32>,
        %add3A_1086 = arith.addf %get3A_928, %get3A_1085 : vector<16xf32>
        %swap3A_1087 = arith.constant 17 : i32
        %swap3A_1088 = arith.index_cast %swap3A_1087 : i32 to index
        %swap3A_1089 = arith.constant 48 : index
        %swap3A_1090 = tpu.vector_load %arg8[%swap3A_1088, %swap3A_1089] {strides = array<i32>} : memref<32x128xf32, #tpu.memory_space<vmem>>, vector<16xf32>,
        tpu.vector_store %arg8[%swap3A_1088, %swap3A_1089], %add3A_1086 {strides = array<i32>} : memref<32x128xf32, #tpu.memory_space<vmem>>, vector<16xf32>,
        %get3A_1091 = arith.constant 18 : i32
        %get3A_1092 = arith.index_cast %get3A_1091 : i32 to index
        %get3A_1093 = arith.constant 48 : index
        %get3A_1094 = tpu.vector_load %arg7[%get3A_1092, %get3A_1093] {strides = array<i32>} : memref<32x128xf32, #tpu.memory_space<vmem>>, vector<16xf32>,
        %add3A_1095 = arith.addf %get3A_928, %get3A_1094 : vector<16xf32>
        %swap3A_1096 = arith.constant 18 : i32
        %swap3A_1097 = arith.index_cast %swap3A_1096 : i32 to index
        %swap3A_1098 = arith.constant 48 : index
        %swap3A_1099 = tpu.vector_load %arg8[%swap3A_1097, %swap3A_1098] {strides = array<i32>} : memref<32x128xf32, #tpu.memory_space<vmem>>, vector<16xf32>,
        tpu.vector_store %arg8[%swap3A_1097, %swap3A_1098], %add3A_1095 {strides = array<i32>} : memref<32x128xf32, #tpu.memory_space<vmem>>, vector<16xf32>,
        %get3A_1100 = arith.constant 19 : i32
        %get3A_1101 = arith.index_cast %get3A_1100 : i32 to index
        %get3A_1102 = arith.constant 48 : index
        %get3A_1103 = tpu.vector_load %arg7[%get3A_1101, %get3A_1102] {strides = array<i32>} : memref<32x128xf32, #tpu.memory_space<vmem>>, vector<16xf32>,
        %add3A_1104 = arith.addf %get3A_928, %get3A_1103 : vector<16xf32>
        %swap3A_1105 = arith.constant 19 : i32
        %swap3A_1106 = arith.index_cast %swap3A_1105 : i32 to index
        %swap3A_1107 = arith.constant 48 : index
        %swap3A_1108 = tpu.vector_load %arg8[%swap3A_1106, %swap3A_1107] {strides = array<i32>} : memref<32x128xf32, #tpu.memory_space<vmem>>, vector<16xf32>,
        tpu.vector_store %arg8[%swap3A_1106, %swap3A_1107], %add3A_1104 {strides = array<i32>} : memref<32x128xf32, #tpu.memory_space<vmem>>, vector<16xf32>,
        %get3A_1109 = arith.constant 20 : i32
        %get3A_1110 = arith.index_cast %get3A_1109 : i32 to index
        %get3A_1111 = arith.constant 48 : index
        %get3A_1112 = tpu.vector_load %arg7[%get3A_1110, %get3A_1111] {strides = array<i32>} : memref<32x128xf32, #tpu.memory_space<vmem>>, vector<16xf32>,
        %add3A_1113 = arith.addf %get3A_928, %get3A_1112 : vector<16xf32>
        %swap3A_1114 = arith.constant 20 : i32
        %swap3A_1115 = arith.index_cast %swap3A_1114 : i32 to index
        %swap3A_1116 = arith.constant 48 : index
        %swap3A_1117 = tpu.vector_load %arg8[%swap3A_1115, %swap3A_1116] {strides = array<i32>} : memref<32x128xf32, #tpu.memory_space<vmem>>, vector<16xf32>,
        tpu.vector_store %arg8[%swap3A_1115, %swap3A_1116], %add3A_1113 {strides = array<i32>} : memref<32x128xf32, #tpu.memory_space<vmem>>, vector<16xf32>,
        %get3A_1118 = arith.constant 21 : i32
        %get3A_1119 = arith.index_cast %get3A_1118 : i32 to index
        %get3A_1120 = arith.constant 48 : index
        %get3A_1121 = tpu.vector_load %arg7[%get3A_1119, %get3A_1120] {strides = array<i32>} : memref<32x128xf32, #tpu.memory_space<vmem>>, vector<16xf32>,
        %add3A_1122 = arith.addf %get3A_928, %get3A_1121 : vector<16xf32>
        %swap3A_1123 = arith.constant 21 : i32
        %swap3A_1124 = arith.index_cast %swap3A_1123 : i32 to index
        %swap3A_1125 = arith.constant 48 : index
        %swap3A_1126 = tpu.vector_load %arg8[%swap3A_1124, %swap3A_1125] {strides = array<i32>} : memref<32x128xf32, #tpu.memory_space<vmem>>, vector<16xf32>,
        tpu.vector_store %arg8[%swap3A_1124, %swap3A_1125], %add3A_1122 {strides = array<i32>} : memref<32x128xf32, #tpu.memory_space<vmem>>, vector<16xf32>,
        %get3A_1127 = arith.constant 22 : i32
        %get3A_1128 = arith.index_cast %get3A_1127 : i32 to index
        %get3A_1129 = arith.constant 48 : index
        %get3A_1130 = tpu.vector_load %arg7[%get3A_1128, %get3A_1129] {strides = array<i32>} : memref<32x128xf32, #tpu.memory_space<vmem>>, vector<16xf32>,
        %add3A_1131 = arith.addf %get3A_928, %get3A_1130 : vector<16xf32>
        %swap3A_1132 = arith.constant 22 : i32
        %swap3A_1133 = arith.index_cast %swap3A_1132 : i32 to index
        %swap3A_1134 = arith.constant 48 : index
        %swap3A_1135 = tpu.vector_load %arg8[%swap3A_1133, %swap3A_1134] {strides = array<i32>} : memref<32x128xf32, #tpu.memory_space<vmem>>, vector<16xf32>,
        tpu.vector_store %arg8[%swap3A_1133, %swap3A_1134], %add3A_1131 {strides = array<i32>} : memref<32x128xf32, #tpu.memory_space<vmem>>, vector<16xf32>,
        %get3A_1136 = arith.constant 23 : i32
        %get3A_1137 = arith.index_cast %get3A_1136 : i32 to index
        %get3A_1138 = arith.constant 48 : index
        %get3A_1139 = tpu.vector_load %arg7[%get3A_1137, %get3A_1138] {strides = array<i32>} : memref<32x128xf32, #tpu.memory_space<vmem>>, vector<16xf32>,
        %add3A_1140 = arith.addf %get3A_928, %get3A_1139 : vector<16xf32>
        %swap3A_1141 = arith.constant 23 : i32
        %swap3A_1142 = arith.index_cast %swap3A_1141 : i32 to index
        %swap3A_1143 = arith.constant 48 : index
        %swap3A_1144 = tpu.vector_load %arg8[%swap3A_1142, %swap3A_1143] {strides = array<i32>} : memref<32x128xf32, #tpu.memory_space<vmem>>, vector<16xf32>,
        tpu.vector_store %arg8[%swap3A_1142, %swap3A_1143], %add3A_1140 {strides = array<i32>} : memref<32x128xf32, #tpu.memory_space<vmem>>, vector<16xf32>,
        %get3A_1145 = arith.constant 24 : i32
        %get3A_1146 = arith.index_cast %get3A_1145 : i32 to index
        %get3A_1147 = arith.constant 48 : index
        %get3A_1148 = tpu.vector_load %arg7[%get3A_1146, %get3A_1147] {strides = array<i32>} : memref<32x128xf32, #tpu.memory_space<vmem>>, vector<16xf32>,
        %add3A_1149 = arith.addf %get3A_928, %get3A_1148 : vector<16xf32>
        %swap3A_1150 = arith.constant 24 : i32
        %swap3A_1151 = arith.index_cast %swap3A_1150 : i32 to index
        %swap3A_1152 = arith.constant 48 : index
        %swap3A_1153 = tpu.vector_load %arg8[%swap3A_1151, %swap3A_1152] {strides = array<i32>} : memref<32x128xf32, #tpu.memory_space<vmem>>, vector<16xf32>,
        tpu.vector_store %arg8[%swap3A_1151, %swap3A_1152], %add3A_1149 {strides = array<i32>} : memref<32x128xf32, #tpu.memory_space<vmem>>, vector<16xf32>,
        %get3A_1154 = arith.constant 25 : i32
        %get3A_1155 = arith.index_cast %get3A_1154 : i32 to index
        %get3A_1156 = arith.constant 48 : index
        %get3A_1157 = tpu.vector_load %arg7[%get3A_1155, %get3A_1156] {strides = array<i32>} : memref<32x128xf32, #tpu.memory_space<vmem>>, vector<16xf32>,
        %add3A_1158 = arith.addf %get3A_928, %get3A_1157 : vector<16xf32>
        %swap3A_1159 = arith.constant 25 : i32
        %swap3A_1160 = arith.index_cast %swap3A_1159 : i32 to index
        %swap3A_1161 = arith.constant 48 : index
        %swap3A_1162 = tpu.vector_load %arg8[%swap3A_1160, %swap3A_1161] {strides = array<i32>} : memref<32x128xf32, #tpu.memory_space<vmem>>, vector<16xf32>,
        tpu.vector_store %arg8[%swap3A_1160, %swap3A_1161], %add3A_1158 {strides = array<i32>} : memref<32x128xf32, #tpu.memory_space<vmem>>, vector<16xf32>,
        %get3A_1163 = arith.constant 26 : i32
        %get3A_1164 = arith.index_cast %get3A_1163 : i32 to index
        %get3A_1165 = arith.constant 48 : index
        %get3A_1166 = tpu.vector_load %arg7[%get3A_1164, %get3A_1165] {strides = array<i32>} : memref<32x128xf32, #tpu.memory_space<vmem>>, vector<16xf32>,
        %add3A_1167 = arith.addf %get3A_928, %get3A_1166 : vector<16xf32>
        %swap3A_1168 = arith.constant 26 : i32
        %swap3A_1169 = arith.index_cast %swap3A_1168 : i32 to index
        %swap3A_1170 = arith.constant 48 : index
        %swap3A_1171 = tpu.vector_load %arg8[%swap3A_1169, %swap3A_1170] {strides = array<i32>} : memref<32x128xf32, #tpu.memory_space<vmem>>, vector<16xf32>,
        tpu.vector_store %arg8[%swap3A_1169, %swap3A_1170], %add3A_1167 {strides = array<i32>} : memref<32x128xf32, #tpu.memory_space<vmem>>, vector<16xf32>,
        %get3A_1172 = arith.constant 27 : i32
        %get3A_1173 = arith.index_cast %get3A_1172 : i32 to index
        %get3A_1174 = arith.constant 48 : index
        %get3A_1175 = tpu.vector_load %arg7[%get3A_1173, %get3A_1174] {strides = array<i32>} : memref<32x128xf32, #tpu.memory_space<vmem>>, vector<16xf32>,
        %add3A_1176 = arith.addf %get3A_928, %get3A_1175 : vector<16xf32>
        %swap3A_1177 = arith.constant 27 : i32
        %swap3A_1178 = arith.index_cast %swap3A_1177 : i32 to index
        %swap3A_1179 = arith.constant 48 : index
        %swap3A_1180 = tpu.vector_load %arg8[%swap3A_1178, %swap3A_1179] {strides = array<i32>} : memref<32x128xf32, #tpu.memory_space<vmem>>, vector<16xf32>,
        tpu.vector_store %arg8[%swap3A_1178, %swap3A_1179], %add3A_1176 {strides = array<i32>} : memref<32x128xf32, #tpu.memory_space<vmem>>, vector<16xf32>,
        %get3A_1181 = arith.constant 28 : i32
        %get3A_1182 = arith.index_cast %get3A_1181 : i32 to index
        %get3A_1183 = arith.constant 48 : index
        %get3A_1184 = tpu.vector_load %arg7[%get3A_1182, %get3A_1183] {strides = array<i32>} : memref<32x128xf32, #tpu.memory_space<vmem>>, vector<16xf32>,
        %add3A_1185 = arith.addf %get3A_928, %get3A_1184 : vector<16xf32>
        %swap3A_1186 = arith.constant 28 : i32
        %swap3A_1187 = arith.index_cast %swap3A_1186 : i32 to index
        %swap3A_1188 = arith.constant 48 : index
        %swap3A_1189 = tpu.vector_load %arg8[%swap3A_1187, %swap3A_1188] {strides = array<i32>} : memref<32x128xf32, #tpu.memory_space<vmem>>, vector<16xf32>,
        tpu.vector_store %arg8[%swap3A_1187, %swap3A_1188], %add3A_1185 {strides = array<i32>} : memref<32x128xf32, #tpu.memory_space<vmem>>, vector<16xf32>,
        %get3A_1190 = arith.constant 29 : i32
        %get3A_1191 = arith.index_cast %get3A_1190 : i32 to index
        %get3A_1192 = arith.constant 48 : index
        %get3A_1193 = tpu.vector_load %arg7[%get3A_1191, %get3A_1192] {strides = array<i32>} : memref<32x128xf32, #tpu.memory_space<vmem>>, vector<16xf32>,
        %add3A_1194 = arith.addf %get3A_928, %get3A_1193 : vector<16xf32>
        %swap3A_1195 = arith.constant 29 : i32
        %swap3A_1196 = arith.index_cast %swap3A_1195 : i32 to index
        %swap3A_1197 = arith.constant 48 : index
        %swap3A_1198 = tpu.vector_load %arg8[%swap3A_1196, %swap3A_1197] {strides = array<i32>} : memref<32x128xf32, #tpu.memory_space<vmem>>, vector<16xf32>,
        tpu.vector_store %arg8[%swap3A_1196, %swap3A_1197], %add3A_1194 {strides = array<i32>} : memref<32x128xf32, #tpu.memory_space<vmem>>, vector<16xf32>,
        %get3A_1199 = arith.constant 30 : i32
        %get3A_1200 = arith.index_cast %get3A_1199 : i32 to index
        %get3A_1201 = arith.constant 48 : index
        %get3A_1202 = tpu.vector_load %arg7[%get3A_1200, %get3A_1201] {strides = array<i32>} : memref<32x128xf32, #tpu.memory_space<vmem>>, vector<16xf32>,
        %add3A_1203 = arith.addf %get3A_928, %get3A_1202 : vector<16xf32>
        %swap3A_1204 = arith.constant 30 : i32
        %swap3A_1205 = arith.index_cast %swap3A_1204 : i32 to index
        %swap3A_1206 = arith.constant 48 : index
        %swap3A_1207 = tpu.vector_load %arg8[%swap3A_1205, %swap3A_1206] {strides = array<i32>} : memref<32x128xf32, #tpu.memory_space<vmem>>, vector<16xf32>,
        tpu.vector_store %arg8[%swap3A_1205, %swap3A_1206], %add3A_1203 {strides = array<i32>} : memref<32x128xf32, #tpu.memory_space<vmem>>, vector<16xf32>,
        %get3A_1208 = arith.constant 31 : i32
        %get3A_1209 = arith.index_cast %get3A_1208 : i32 to index
        %get3A_1210 = arith.constant 48 : index
        %get3A_1211 = tpu.vector_load %arg7[%get3A_1209, %get3A_1210] {strides = array<i32>} : memref<32x128xf32, #tpu.memory_space<vmem>>, vector<16xf32>,
        %add3A_1212 = arith.addf %get3A_928, %get3A_1211 : vector<16xf32>
        %swap3A_1213 = arith.constant 31 : i32
        %swap3A_1214 = arith.index_cast %swap3A_1213 : i32 to index
        %swap3A_1215 = arith.constant 48 : index
        %swap3A_1216 = tpu.vector_load %arg8[%swap3A_1214, %swap3A_1215] {strides = array<i32>} : memref<32x128xf32, #tpu.memory_space<vmem>>, vector<16xf32>,
        tpu.vector_store %arg8[%swap3A_1214, %swap3A_1215], %add3A_1212 {strides = array<i32>} : memref<32x128xf32, #tpu.memory_space<vmem>>, vector<16xf32>,
        %get3A_1217 = arith.index_cast %scan3A_54 : i32 to index
        %get3A_1218 = arith.constant 64 : index
        %get3A_1219 = tpu.vector_load %arg6[%get3A_1217, %get3A_1218] {strides = array<i32>} : memref<13x128xf32, #tpu.memory_space<vmem>>, vector<16xf32>,
        %get3A_1220 = arith.constant 0 : i32
        %get3A_1221 = arith.index_cast %get3A_1220 : i32 to index
        %get3A_1222 = arith.constant 64 : index
        %get3A_1223 = tpu.vector_load %arg7[%get3A_1221, %get3A_1222] {strides = array<i32>} : memref<32x128xf32, #tpu.memory_space<vmem>>, vector<16xf32>,
        %add3A_1224 = arith.addf %get3A_1219, %get3A_1223 : vector<16xf32>
        %swap3A_1225 = arith.constant 0 : i32
        %swap3A_1226 = arith.index_cast %swap3A_1225 : i32 to index
        %swap3A_1227 = arith.constant 64 : index
        %swap3A_1228 = tpu.vector_load %arg8[%swap3A_1226, %swap3A_1227] {strides = array<i32>} : memref<32x128xf32, #tpu.memory_space<vmem>>, vector<16xf32>,
        tpu.vector_store %arg8[%swap3A_1226, %swap3A_1227], %add3A_1224 {strides = array<i32>} : memref<32x128xf32, #tpu.memory_space<vmem>>, vector<16xf32>,
        %get3A_1229 = arith.constant 1 : i32
        %get3A_1230 = arith.index_cast %get3A_1229 : i32 to index
        %get3A_1231 = arith.constant 64 : index
        %get3A_1232 = tpu.vector_load %arg7[%get3A_1230, %get3A_1231] {strides = array<i32>} : memref<32x128xf32, #tpu.memory_space<vmem>>, vector<16xf32>,
        %add3A_1233 = arith.addf %get3A_1219, %get3A_1232 : vector<16xf32>
        %swap3A_1234 = arith.constant 1 : i32
        %swap3A_1235 = arith.index_cast %swap3A_1234 : i32 to index
        %swap3A_1236 = arith.constant 64 : index
        %swap3A_1237 = tpu.vector_load %arg8[%swap3A_1235, %swap3A_1236] {strides = array<i32>} : memref<32x128xf32, #tpu.memory_space<vmem>>, vector<16xf32>,
        tpu.vector_store %arg8[%swap3A_1235, %swap3A_1236], %add3A_1233 {strides = array<i32>} : memref<32x128xf32, #tpu.memory_space<vmem>>, vector<16xf32>,
        %get3A_1238 = arith.constant 2 : i32
        %get3A_1239 = arith.index_cast %get3A_1238 : i32 to index
        %get3A_1240 = arith.constant 64 : index
        %get3A_1241 = tpu.vector_load %arg7[%get3A_1239, %get3A_1240] {strides = array<i32>} : memref<32x128xf32, #tpu.memory_space<vmem>>, vector<16xf32>,
        %add3A_1242 = arith.addf %get3A_1219, %get3A_1241 : vector<16xf32>
        %swap3A_1243 = arith.constant 2 : i32
        %swap3A_1244 = arith.index_cast %swap3A_1243 : i32 to index
        %swap3A_1245 = arith.constant 64 : index
        %swap3A_1246 = tpu.vector_load %arg8[%swap3A_1244, %swap3A_1245] {strides = array<i32>} : memref<32x128xf32, #tpu.memory_space<vmem>>, vector<16xf32>,
        tpu.vector_store %arg8[%swap3A_1244, %swap3A_1245], %add3A_1242 {strides = array<i32>} : memref<32x128xf32, #tpu.memory_space<vmem>>, vector<16xf32>,
        %get3A_1247 = arith.constant 3 : i32
        %get3A_1248 = arith.index_cast %get3A_1247 : i32 to index
        %get3A_1249 = arith.constant 64 : index
        %get3A_1250 = tpu.vector_load %arg7[%get3A_1248, %get3A_1249] {strides = array<i32>} : memref<32x128xf32, #tpu.memory_space<vmem>>, vector<16xf32>,
        %add3A_1251 = arith.addf %get3A_1219, %get3A_1250 : vector<16xf32>
        %swap3A_1252 = arith.constant 3 : i32
        %swap3A_1253 = arith.index_cast %swap3A_1252 : i32 to index
        %swap3A_1254 = arith.constant 64 : index
        %swap3A_1255 = tpu.vector_load %arg8[%swap3A_1253, %swap3A_1254] {strides = array<i32>} : memref<32x128xf32, #tpu.memory_space<vmem>>, vector<16xf32>,
        tpu.vector_store %arg8[%swap3A_1253, %swap3A_1254], %add3A_1251 {strides = array<i32>} : memref<32x128xf32, #tpu.memory_space<vmem>>, vector<16xf32>,
        %get3A_1256 = arith.constant 4 : i32
        %get3A_1257 = arith.index_cast %get3A_1256 : i32 to index
        %get3A_1258 = arith.constant 64 : index
        %get3A_1259 = tpu.vector_load %arg7[%get3A_1257, %get3A_1258] {strides = array<i32>} : memref<32x128xf32, #tpu.memory_space<vmem>>, vector<16xf32>,
        %add3A_1260 = arith.addf %get3A_1219, %get3A_1259 : vector<16xf32>
        %swap3A_1261 = arith.constant 4 : i32
        %swap3A_1262 = arith.index_cast %swap3A_1261 : i32 to index
        %swap3A_1263 = arith.constant 64 : index
        %swap3A_1264 = tpu.vector_load %arg8[%swap3A_1262, %swap3A_1263] {strides = array<i32>} : memref<32x128xf32, #tpu.memory_space<vmem>>, vector<16xf32>,
        tpu.vector_store %arg8[%swap3A_1262, %swap3A_1263], %add3A_1260 {strides = array<i32>} : memref<32x128xf32, #tpu.memory_space<vmem>>, vector<16xf32>,
        %get3A_1265 = arith.constant 5 : i32
        %get3A_1266 = arith.index_cast %get3A_1265 : i32 to index
        %get3A_1267 = arith.constant 64 : index
        %get3A_1268 = tpu.vector_load %arg7[%get3A_1266, %get3A_1267] {strides = array<i32>} : memref<32x128xf32, #tpu.memory_space<vmem>>, vector<16xf32>,
        %add3A_1269 = arith.addf %get3A_1219, %get3A_1268 : vector<16xf32>
        %swap3A_1270 = arith.constant 5 : i32
        %swap3A_1271 = arith.index_cast %swap3A_1270 : i32 to index
        %swap3A_1272 = arith.constant 64 : index
        %swap3A_1273 = tpu.vector_load %arg8[%swap3A_1271, %swap3A_1272] {strides = array<i32>} : memref<32x128xf32, #tpu.memory_space<vmem>>, vector<16xf32>,
        tpu.vector_store %arg8[%swap3A_1271, %swap3A_1272], %add3A_1269 {strides = array<i32>} : memref<32x128xf32, #tpu.memory_space<vmem>>, vector<16xf32>,
        %get3A_1274 = arith.constant 6 : i32
        %get3A_1275 = arith.index_cast %get3A_1274 : i32 to index
        %get3A_1276 = arith.constant 64 : index
        %get3A_1277 = tpu.vector_load %arg7[%get3A_1275, %get3A_1276] {strides = array<i32>} : memref<32x128xf32, #tpu.memory_space<vmem>>, vector<16xf32>,
        %add3A_1278 = arith.addf %get3A_1219, %get3A_1277 : vector<16xf32>
        %swap3A_1279 = arith.constant 6 : i32
        %swap3A_1280 = arith.index_cast %swap3A_1279 : i32 to index
        %swap3A_1281 = arith.constant 64 : index
        %swap3A_1282 = tpu.vector_load %arg8[%swap3A_1280, %swap3A_1281] {strides = array<i32>} : memref<32x128xf32, #tpu.memory_space<vmem>>, vector<16xf32>,
        tpu.vector_store %arg8[%swap3A_1280, %swap3A_1281], %add3A_1278 {strides = array<i32>} : memref<32x128xf32, #tpu.memory_space<vmem>>, vector<16xf32>,
        %get3A_1283 = arith.constant 7 : i32
        %get3A_1284 = arith.index_cast %get3A_1283 : i32 to index
        %get3A_1285 = arith.constant 64 : index
        %get3A_1286 = tpu.vector_load %arg7[%get3A_1284, %get3A_1285] {strides = array<i32>} : memref<32x128xf32, #tpu.memory_space<vmem>>, vector<16xf32>,
        %add3A_1287 = arith.addf %get3A_1219, %get3A_1286 : vector<16xf32>
        %swap3A_1288 = arith.constant 7 : i32
        %swap3A_1289 = arith.index_cast %swap3A_1288 : i32 to index
        %swap3A_1290 = arith.constant 64 : index
        %swap3A_1291 = tpu.vector_load %arg8[%swap3A_1289, %swap3A_1290] {strides = array<i32>} : memref<32x128xf32, #tpu.memory_space<vmem>>, vector<16xf32>,
        tpu.vector_store %arg8[%swap3A_1289, %swap3A_1290], %add3A_1287 {strides = array<i32>} : memref<32x128xf32, #tpu.memory_space<vmem>>, vector<16xf32>,
        %get3A_1292 = arith.constant 8 : i32
        %get3A_1293 = arith.index_cast %get3A_1292 : i32 to index
        %get3A_1294 = arith.constant 64 : index
        %get3A_1295 = tpu.vector_load %arg7[%get3A_1293, %get3A_1294] {strides = array<i32>} : memref<32x128xf32, #tpu.memory_space<vmem>>, vector<16xf32>,
        %add3A_1296 = arith.addf %get3A_1219, %get3A_1295 : vector<16xf32>
        %swap3A_1297 = arith.constant 8 : i32
        %swap3A_1298 = arith.index_cast %swap3A_1297 : i32 to index
        %swap3A_1299 = arith.constant 64 : index
        %swap3A_1300 = tpu.vector_load %arg8[%swap3A_1298, %swap3A_1299] {strides = array<i32>} : memref<32x128xf32, #tpu.memory_space<vmem>>, vector<16xf32>,
        tpu.vector_store %arg8[%swap3A_1298, %swap3A_1299], %add3A_1296 {strides = array<i32>} : memref<32x128xf32, #tpu.memory_space<vmem>>, vector<16xf32>,
        %get3A_1301 = arith.constant 9 : i32
        %get3A_1302 = arith.index_cast %get3A_1301 : i32 to index
        %get3A_1303 = arith.constant 64 : index
        %get3A_1304 = tpu.vector_load %arg7[%get3A_1302, %get3A_1303] {strides = array<i32>} : memref<32x128xf32, #tpu.memory_space<vmem>>, vector<16xf32>,
        %add3A_1305 = arith.addf %get3A_1219, %get3A_1304 : vector<16xf32>
        %swap3A_1306 = arith.constant 9 : i32
        %swap3A_1307 = arith.index_cast %swap3A_1306 : i32 to index
        %swap3A_1308 = arith.constant 64 : index
        %swap3A_1309 = tpu.vector_load %arg8[%swap3A_1307, %swap3A_1308] {strides = array<i32>} : memref<32x128xf32, #tpu.memory_space<vmem>>, vector<16xf32>,
        tpu.vector_store %arg8[%swap3A_1307, %swap3A_1308], %add3A_1305 {strides = array<i32>} : memref<32x128xf32, #tpu.memory_space<vmem>>, vector<16xf32>,
        %get3A_1310 = arith.constant 10 : i32
        %get3A_1311 = arith.index_cast %get3A_1310 : i32 to index
        %get3A_1312 = arith.constant 64 : index
        %get3A_1313 = tpu.vector_load %arg7[%get3A_1311, %get3A_1312] {strides = array<i32>} : memref<32x128xf32, #tpu.memory_space<vmem>>, vector<16xf32>,
        %add3A_1314 = arith.addf %get3A_1219, %get3A_1313 : vector<16xf32>
        %swap3A_1315 = arith.constant 10 : i32
        %swap3A_1316 = arith.index_cast %swap3A_1315 : i32 to index
        %swap3A_1317 = arith.constant 64 : index
        %swap3A_1318 = tpu.vector_load %arg8[%swap3A_1316, %swap3A_1317] {strides = array<i32>} : memref<32x128xf32, #tpu.memory_space<vmem>>, vector<16xf32>,
        tpu.vector_store %arg8[%swap3A_1316, %swap3A_1317], %add3A_1314 {strides = array<i32>} : memref<32x128xf32, #tpu.memory_space<vmem>>, vector<16xf32>,
        %get3A_1319 = arith.constant 11 : i32
        %get3A_1320 = arith.index_cast %get3A_1319 : i32 to index
        %get3A_1321 = arith.constant 64 : index
        %get3A_1322 = tpu.vector_load %arg7[%get3A_1320, %get3A_1321] {strides = array<i32>} : memref<32x128xf32, #tpu.memory_space<vmem>>, vector<16xf32>,
        %add3A_1323 = arith.addf %get3A_1219, %get3A_1322 : vector<16xf32>
        %swap3A_1324 = arith.constant 11 : i32
        %swap3A_1325 = arith.index_cast %swap3A_1324 : i32 to index
        %swap3A_1326 = arith.constant 64 : index
        %swap3A_1327 = tpu.vector_load %arg8[%swap3A_1325, %swap3A_1326] {strides = array<i32>} : memref<32x128xf32, #tpu.memory_space<vmem>>, vector<16xf32>,
        tpu.vector_store %arg8[%swap3A_1325, %swap3A_1326], %add3A_1323 {strides = array<i32>} : memref<32x128xf32, #tpu.memory_space<vmem>>, vector<16xf32>,
        %get3A_1328 = arith.constant 12 : i32
        %get3A_1329 = arith.index_cast %get3A_1328 : i32 to index
        %get3A_1330 = arith.constant 64 : index
        %get3A_1331 = tpu.vector_load %arg7[%get3A_1329, %get3A_1330] {strides = array<i32>} : memref<32x128xf32, #tpu.memory_space<vmem>>, vector<16xf32>,
        %add3A_1332 = arith.addf %get3A_1219, %get3A_1331 : vector<16xf32>
        %swap3A_1333 = arith.constant 12 : i32
        %swap3A_1334 = arith.index_cast %swap3A_1333 : i32 to index
        %swap3A_1335 = arith.constant 64 : index
        %swap3A_1336 = tpu.vector_load %arg8[%swap3A_1334, %swap3A_1335] {strides = array<i32>} : memref<32x128xf32, #tpu.memory_space<vmem>>, vector<16xf32>,
        tpu.vector_store %arg8[%swap3A_1334, %swap3A_1335], %add3A_1332 {strides = array<i32>} : memref<32x128xf32, #tpu.memory_space<vmem>>, vector<16xf32>,
        %get3A_1337 = arith.constant 13 : i32
        %get3A_1338 = arith.index_cast %get3A_1337 : i32 to index
        %get3A_1339 = arith.constant 64 : index
        %get3A_1340 = tpu.vector_load %arg7[%get3A_1338, %get3A_1339] {strides = array<i32>} : memref<32x128xf32, #tpu.memory_space<vmem>>, vector<16xf32>,
        %add3A_1341 = arith.addf %get3A_1219, %get3A_1340 : vector<16xf32>
        %swap3A_1342 = arith.constant 13 : i32
        %swap3A_1343 = arith.index_cast %swap3A_1342 : i32 to index
        %swap3A_1344 = arith.constant 64 : index
        %swap3A_1345 = tpu.vector_load %arg8[%swap3A_1343, %swap3A_1344] {strides = array<i32>} : memref<32x128xf32, #tpu.memory_space<vmem>>, vector<16xf32>,
        tpu.vector_store %arg8[%swap3A_1343, %swap3A_1344], %add3A_1341 {strides = array<i32>} : memref<32x128xf32, #tpu.memory_space<vmem>>, vector<16xf32>,
        %get3A_1346 = arith.constant 14 : i32
        %get3A_1347 = arith.index_cast %get3A_1346 : i32 to index
        %get3A_1348 = arith.constant 64 : index
        %get3A_1349 = tpu.vector_load %arg7[%get3A_1347, %get3A_1348] {strides = array<i32>} : memref<32x128xf32, #tpu.memory_space<vmem>>, vector<16xf32>,
        %add3A_1350 = arith.addf %get3A_1219, %get3A_1349 : vector<16xf32>
        %swap3A_1351 = arith.constant 14 : i32
        %swap3A_1352 = arith.index_cast %swap3A_1351 : i32 to index
        %swap3A_1353 = arith.constant 64 : index
        %swap3A_1354 = tpu.vector_load %arg8[%swap3A_1352, %swap3A_1353] {strides = array<i32>} : memref<32x128xf32, #tpu.memory_space<vmem>>, vector<16xf32>,
        tpu.vector_store %arg8[%swap3A_1352, %swap3A_1353], %add3A_1350 {strides = array<i32>} : memref<32x128xf32, #tpu.memory_space<vmem>>, vector<16xf32>,
        %get3A_1355 = arith.constant 15 : i32
        %get3A_1356 = arith.index_cast %get3A_1355 : i32 to index
        %get3A_1357 = arith.constant 64 : index
        %get3A_1358 = tpu.vector_load %arg7[%get3A_1356, %get3A_1357] {strides = array<i32>} : memref<32x128xf32, #tpu.memory_space<vmem>>, vector<16xf32>,
        %add3A_1359 = arith.addf %get3A_1219, %get3A_1358 : vector<16xf32>
        %swap3A_1360 = arith.constant 15 : i32
        %swap3A_1361 = arith.index_cast %swap3A_1360 : i32 to index
        %swap3A_1362 = arith.constant 64 : index
        %swap3A_1363 = tpu.vector_load %arg8[%swap3A_1361, %swap3A_1362] {strides = array<i32>} : memref<32x128xf32, #tpu.memory_space<vmem>>, vector<16xf32>,
        tpu.vector_store %arg8[%swap3A_1361, %swap3A_1362], %add3A_1359 {strides = array<i32>} : memref<32x128xf32, #tpu.memory_space<vmem>>, vector<16xf32>,
        %get3A_1364 = arith.constant 16 : i32
        %get3A_1365 = arith.index_cast %get3A_1364 : i32 to index
        %get3A_1366 = arith.constant 64 : index
        %get3A_1367 = tpu.vector_load %arg7[%get3A_1365, %get3A_1366] {strides = array<i32>} : memref<32x128xf32, #tpu.memory_space<vmem>>, vector<16xf32>,
        %add3A_1368 = arith.addf %get3A_1219, %get3A_1367 : vector<16xf32>
        %swap3A_1369 = arith.constant 16 : i32
        %swap3A_1370 = arith.index_cast %swap3A_1369 : i32 to index
        %swap3A_1371 = arith.constant 64 : index
        %swap3A_1372 = tpu.vector_load %arg8[%swap3A_1370, %swap3A_1371] {strides = array<i32>} : memref<32x128xf32, #tpu.memory_space<vmem>>, vector<16xf32>,
        tpu.vector_store %arg8[%swap3A_1370, %swap3A_1371], %add3A_1368 {strides = array<i32>} : memref<32x128xf32, #tpu.memory_space<vmem>>, vector<16xf32>,
        %get3A_1373 = arith.constant 17 : i32
        %get3A_1374 = arith.index_cast %get3A_1373 : i32 to index
        %get3A_1375 = arith.constant 64 : index
        %get3A_1376 = tpu.vector_load %arg7[%get3A_1374, %get3A_1375] {strides = array<i32>} : memref<32x128xf32, #tpu.memory_space<vmem>>, vector<16xf32>,
        %add3A_1377 = arith.addf %get3A_1219, %get3A_1376 : vector<16xf32>
        %swap3A_1378 = arith.constant 17 : i32
        %swap3A_1379 = arith.index_cast %swap3A_1378 : i32 to index
        %swap3A_1380 = arith.constant 64 : index
        %swap3A_1381 = tpu.vector_load %arg8[%swap3A_1379, %swap3A_1380] {strides = array<i32>} : memref<32x128xf32, #tpu.memory_space<vmem>>, vector<16xf32>,
        tpu.vector_store %arg8[%swap3A_1379, %swap3A_1380], %add3A_1377 {strides = array<i32>} : memref<32x128xf32, #tpu.memory_space<vmem>>, vector<16xf32>,
        %get3A_1382 = arith.constant 18 : i32
        %get3A_1383 = arith.index_cast %get3A_1382 : i32 to index
        %get3A_1384 = arith.constant 64 : index
        %get3A_1385 = tpu.vector_load %arg7[%get3A_1383, %get3A_1384] {strides = array<i32>} : memref<32x128xf32, #tpu.memory_space<vmem>>, vector<16xf32>,
        %add3A_1386 = arith.addf %get3A_1219, %get3A_1385 : vector<16xf32>
        %swap3A_1387 = arith.constant 18 : i32
        %swap3A_1388 = arith.index_cast %swap3A_1387 : i32 to index
        %swap3A_1389 = arith.constant 64 : index
        %swap3A_1390 = tpu.vector_load %arg8[%swap3A_1388, %swap3A_1389] {strides = array<i32>} : memref<32x128xf32, #tpu.memory_space<vmem>>, vector<16xf32>,
        tpu.vector_store %arg8[%swap3A_1388, %swap3A_1389], %add3A_1386 {strides = array<i32>} : memref<32x128xf32, #tpu.memory_space<vmem>>, vector<16xf32>,
        %get3A_1391 = arith.constant 19 : i32
        %get3A_1392 = arith.index_cast %get3A_1391 : i32 to index
        %get3A_1393 = arith.constant 64 : index
        %get3A_1394 = tpu.vector_load %arg7[%get3A_1392, %get3A_1393] {strides = array<i32>} : memref<32x128xf32, #tpu.memory_space<vmem>>, vector<16xf32>,
        %add3A_1395 = arith.addf %get3A_1219, %get3A_1394 : vector<16xf32>
        %swap3A_1396 = arith.constant 19 : i32
        %swap3A_1397 = arith.index_cast %swap3A_1396 : i32 to index
        %swap3A_1398 = arith.constant 64 : index
        %swap3A_1399 = tpu.vector_load %arg8[%swap3A_1397, %swap3A_1398] {strides = array<i32>} : memref<32x128xf32, #tpu.memory_space<vmem>>, vector<16xf32>,
        tpu.vector_store %arg8[%swap3A_1397, %swap3A_1398], %add3A_1395 {strides = array<i32>} : memref<32x128xf32, #tpu.memory_space<vmem>>, vector<16xf32>,
        %get3A_1400 = arith.constant 20 : i32
        %get3A_1401 = arith.index_cast %get3A_1400 : i32 to index
        %get3A_1402 = arith.constant 64 : index
        %get3A_1403 = tpu.vector_load %arg7[%get3A_1401, %get3A_1402] {strides = array<i32>} : memref<32x128xf32, #tpu.memory_space<vmem>>, vector<16xf32>,
        %add3A_1404 = arith.addf %get3A_1219, %get3A_1403 : vector<16xf32>
        %swap3A_1405 = arith.constant 20 : i32
        %swap3A_1406 = arith.index_cast %swap3A_1405 : i32 to index
        %swap3A_1407 = arith.constant 64 : index
        %swap3A_1408 = tpu.vector_load %arg8[%swap3A_1406, %swap3A_1407] {strides = array<i32>} : memref<32x128xf32, #tpu.memory_space<vmem>>, vector<16xf32>,
        tpu.vector_store %arg8[%swap3A_1406, %swap3A_1407], %add3A_1404 {strides = array<i32>} : memref<32x128xf32, #tpu.memory_space<vmem>>, vector<16xf32>,
        %get3A_1409 = arith.constant 21 : i32
        %get3A_1410 = arith.index_cast %get3A_1409 : i32 to index
        %get3A_1411 = arith.constant 64 : index
        %get3A_1412 = tpu.vector_load %arg7[%get3A_1410, %get3A_1411] {strides = array<i32>} : memref<32x128xf32, #tpu.memory_space<vmem>>, vector<16xf32>,
        %add3A_1413 = arith.addf %get3A_1219, %get3A_1412 : vector<16xf32>
        %swap3A_1414 = arith.constant 21 : i32
        %swap3A_1415 = arith.index_cast %swap3A_1414 : i32 to index
        %swap3A_1416 = arith.constant 64 : index
        %swap3A_1417 = tpu.vector_load %arg8[%swap3A_1415, %swap3A_1416] {strides = array<i32>} : memref<32x128xf32, #tpu.memory_space<vmem>>, vector<16xf32>,
        tpu.vector_store %arg8[%swap3A_1415, %swap3A_1416], %add3A_1413 {strides = array<i32>} : memref<32x128xf32, #tpu.memory_space<vmem>>, vector<16xf32>,
        %get3A_1418 = arith.constant 22 : i32
        %get3A_1419 = arith.index_cast %get3A_1418 : i32 to index
        %get3A_1420 = arith.constant 64 : index
        %get3A_1421 = tpu.vector_load %arg7[%get3A_1419, %get3A_1420] {strides = array<i32>} : memref<32x128xf32, #tpu.memory_space<vmem>>, vector<16xf32>,
        %add3A_1422 = arith.addf %get3A_1219, %get3A_1421 : vector<16xf32>
        %swap3A_1423 = arith.constant 22 : i32
        %swap3A_1424 = arith.index_cast %swap3A_1423 : i32 to index
        %swap3A_1425 = arith.constant 64 : index
        %swap3A_1426 = tpu.vector_load %arg8[%swap3A_1424, %swap3A_1425] {strides = array<i32>} : memref<32x128xf32, #tpu.memory_space<vmem>>, vector<16xf32>,
        tpu.vector_store %arg8[%swap3A_1424, %swap3A_1425], %add3A_1422 {strides = array<i32>} : memref<32x128xf32, #tpu.memory_space<vmem>>, vector<16xf32>,
        %get3A_1427 = arith.constant 23 : i32
        %get3A_1428 = arith.index_cast %get3A_1427 : i32 to index
        %get3A_1429 = arith.constant 64 : index
        %get3A_1430 = tpu.vector_load %arg7[%get3A_1428, %get3A_1429] {strides = array<i32>} : memref<32x128xf32, #tpu.memory_space<vmem>>, vector<16xf32>,
        %add3A_1431 = arith.addf %get3A_1219, %get3A_1430 : vector<16xf32>
        %swap3A_1432 = arith.constant 23 : i32
        %swap3A_1433 = arith.index_cast %swap3A_1432 : i32 to index
        %swap3A_1434 = arith.constant 64 : index
        %swap3A_1435 = tpu.vector_load %arg8[%swap3A_1433, %swap3A_1434] {strides = array<i32>} : memref<32x128xf32, #tpu.memory_space<vmem>>, vector<16xf32>,
        tpu.vector_store %arg8[%swap3A_1433, %swap3A_1434], %add3A_1431 {strides = array<i32>} : memref<32x128xf32, #tpu.memory_space<vmem>>, vector<16xf32>,
        %get3A_1436 = arith.constant 24 : i32
        %get3A_1437 = arith.index_cast %get3A_1436 : i32 to index
        %get3A_1438 = arith.constant 64 : index
        %get3A_1439 = tpu.vector_load %arg7[%get3A_1437, %get3A_1438] {strides = array<i32>} : memref<32x128xf32, #tpu.memory_space<vmem>>, vector<16xf32>,
        %add3A_1440 = arith.addf %get3A_1219, %get3A_1439 : vector<16xf32>
        %swap3A_1441 = arith.constant 24 : i32
        %swap3A_1442 = arith.index_cast %swap3A_1441 : i32 to index
        %swap3A_1443 = arith.constant 64 : index
        %swap3A_1444 = tpu.vector_load %arg8[%swap3A_1442, %swap3A_1443] {strides = array<i32>} : memref<32x128xf32, #tpu.memory_space<vmem>>, vector<16xf32>,
        tpu.vector_store %arg8[%swap3A_1442, %swap3A_1443], %add3A_1440 {strides = array<i32>} : memref<32x128xf32, #tpu.memory_space<vmem>>, vector<16xf32>,
        %get3A_1445 = arith.constant 25 : i32
        %get3A_1446 = arith.index_cast %get3A_1445 : i32 to index
        %get3A_1447 = arith.constant 64 : index
        %get3A_1448 = tpu.vector_load %arg7[%get3A_1446, %get3A_1447] {strides = array<i32>} : memref<32x128xf32, #tpu.memory_space<vmem>>, vector<16xf32>,
        %add3A_1449 = arith.addf %get3A_1219, %get3A_1448 : vector<16xf32>
        %swap3A_1450 = arith.constant 25 : i32
        %swap3A_1451 = arith.index_cast %swap3A_1450 : i32 to index
        %swap3A_1452 = arith.constant 64 : index
        %swap3A_1453 = tpu.vector_load %arg8[%swap3A_1451, %swap3A_1452] {strides = array<i32>} : memref<32x128xf32, #tpu.memory_space<vmem>>, vector<16xf32>,
        tpu.vector_store %arg8[%swap3A_1451, %swap3A_1452], %add3A_1449 {strides = array<i32>} : memref<32x128xf32, #tpu.memory_space<vmem>>, vector<16xf32>,
        %get3A_1454 = arith.constant 26 : i32
        %get3A_1455 = arith.index_cast %get3A_1454 : i32 to index
        %get3A_1456 = arith.constant 64 : index
        %get3A_1457 = tpu.vector_load %arg7[%get3A_1455, %get3A_1456] {strides = array<i32>} : memref<32x128xf32, #tpu.memory_space<vmem>>, vector<16xf32>,
        %add3A_1458 = arith.addf %get3A_1219, %get3A_1457 : vector<16xf32>
        %swap3A_1459 = arith.constant 26 : i32
        %swap3A_1460 = arith.index_cast %swap3A_1459 : i32 to index
        %swap3A_1461 = arith.constant 64 : index
        %swap3A_1462 = tpu.vector_load %arg8[%swap3A_1460, %swap3A_1461] {strides = array<i32>} : memref<32x128xf32, #tpu.memory_space<vmem>>, vector<16xf32>,
        tpu.vector_store %arg8[%swap3A_1460, %swap3A_1461], %add3A_1458 {strides = array<i32>} : memref<32x128xf32, #tpu.memory_space<vmem>>, vector<16xf32>,
        %get3A_1463 = arith.constant 27 : i32
        %get3A_1464 = arith.index_cast %get3A_1463 : i32 to index
        %get3A_1465 = arith.constant 64 : index
        %get3A_1466 = tpu.vector_load %arg7[%get3A_1464, %get3A_1465] {strides = array<i32>} : memref<32x128xf32, #tpu.memory_space<vmem>>, vector<16xf32>,
        %add3A_1467 = arith.addf %get3A_1219, %get3A_1466 : vector<16xf32>
        %swap3A_1468 = arith.constant 27 : i32
        %swap3A_1469 = arith.index_cast %swap3A_1468 : i32 to index
        %swap3A_1470 = arith.constant 64 : index
        %swap3A_1471 = tpu.vector_load %arg8[%swap3A_1469, %swap3A_1470] {strides = array<i32>} : memref<32x128xf32, #tpu.memory_space<vmem>>, vector<16xf32>,
        tpu.vector_store %arg8[%swap3A_1469, %swap3A_1470], %add3A_1467 {strides = array<i32>} : memref<32x128xf32, #tpu.memory_space<vmem>>, vector<16xf32>,
        %get3A_1472 = arith.constant 28 : i32
        %get3A_1473 = arith.index_cast %get3A_1472 : i32 to index
        %get3A_1474 = arith.constant 64 : index
        %get3A_1475 = tpu.vector_load %arg7[%get3A_1473, %get3A_1474] {strides = array<i32>} : memref<32x128xf32, #tpu.memory_space<vmem>>, vector<16xf32>,
        %add3A_1476 = arith.addf %get3A_1219, %get3A_1475 : vector<16xf32>
        %swap3A_1477 = arith.constant 28 : i32
        %swap3A_1478 = arith.index_cast %swap3A_1477 : i32 to index
        %swap3A_1479 = arith.constant 64 : index
        %swap3A_1480 = tpu.vector_load %arg8[%swap3A_1478, %swap3A_1479] {strides = array<i32>} : memref<32x128xf32, #tpu.memory_space<vmem>>, vector<16xf32>,
        tpu.vector_store %arg8[%swap3A_1478, %swap3A_1479], %add3A_1476 {strides = array<i32>} : memref<32x128xf32, #tpu.memory_space<vmem>>, vector<16xf32>,
        %get3A_1481 = arith.constant 29 : i32
        %get3A_1482 = arith.index_cast %get3A_1481 : i32 to index
        %get3A_1483 = arith.constant 64 : index
        %get3A_1484 = tpu.vector_load %arg7[%get3A_1482, %get3A_1483] {strides = array<i32>} : memref<32x128xf32, #tpu.memory_space<vmem>>, vector<16xf32>,
        %add3A_1485 = arith.addf %get3A_1219, %get3A_1484 : vector<16xf32>
        %swap3A_1486 = arith.constant 29 : i32
        %swap3A_1487 = arith.index_cast %swap3A_1486 : i32 to index
        %swap3A_1488 = arith.constant 64 : index
        %swap3A_1489 = tpu.vector_load %arg8[%swap3A_1487, %swap3A_1488] {strides = array<i32>} : memref<32x128xf32, #tpu.memory_space<vmem>>, vector<16xf32>,
        tpu.vector_store %arg8[%swap3A_1487, %swap3A_1488], %add3A_1485 {strides = array<i32>} : memref<32x128xf32, #tpu.memory_space<vmem>>, vector<16xf32>,
        %get3A_1490 = arith.constant 30 : i32
        %get3A_1491 = arith.index_cast %get3A_1490 : i32 to index
        %get3A_1492 = arith.constant 64 : index
        %get3A_1493 = tpu.vector_load %arg7[%get3A_1491, %get3A_1492] {strides = array<i32>} : memref<32x128xf32, #tpu.memory_space<vmem>>, vector<16xf32>,
        %add3A_1494 = arith.addf %get3A_1219, %get3A_1493 : vector<16xf32>
        %swap3A_1495 = arith.constant 30 : i32
        %swap3A_1496 = arith.index_cast %swap3A_1495 : i32 to index
        %swap3A_1497 = arith.constant 64 : index
        %swap3A_1498 = tpu.vector_load %arg8[%swap3A_1496, %swap3A_1497] {strides = array<i32>} : memref<32x128xf32, #tpu.memory_space<vmem>>, vector<16xf32>,
        tpu.vector_store %arg8[%swap3A_1496, %swap3A_1497], %add3A_1494 {strides = array<i32>} : memref<32x128xf32, #tpu.memory_space<vmem>>, vector<16xf32>,
        %get3A_1499 = arith.constant 31 : i32
        %get3A_1500 = arith.index_cast %get3A_1499 : i32 to index
        %get3A_1501 = arith.constant 64 : index
        %get3A_1502 = tpu.vector_load %arg7[%get3A_1500, %get3A_1501] {strides = array<i32>} : memref<32x128xf32, #tpu.memory_space<vmem>>, vector<16xf32>,
        %add3A_1503 = arith.addf %get3A_1219, %get3A_1502 : vector<16xf32>
        %swap3A_1504 = arith.constant 31 : i32
        %swap3A_1505 = arith.index_cast %swap3A_1504 : i32 to index
        %swap3A_1506 = arith.constant 64 : index
        %swap3A_1507 = tpu.vector_load %arg8[%swap3A_1505, %swap3A_1506] {strides = array<i32>} : memref<32x128xf32, #tpu.memory_space<vmem>>, vector<16xf32>,
        tpu.vector_store %arg8[%swap3A_1505, %swap3A_1506], %add3A_1503 {strides = array<i32>} : memref<32x128xf32, #tpu.memory_space<vmem>>, vector<16xf32>,
        %get3A_1508 = arith.index_cast %scan3A_54 : i32 to index
        %get3A_1509 = arith.constant 80 : index
        %get3A_1510 = tpu.vector_load %arg6[%get3A_1508, %get3A_1509] {strides = array<i32>} : memref<13x128xf32, #tpu.memory_space<vmem>>, vector<16xf32>,
        %get3A_1511 = arith.constant 0 : i32
        %get3A_1512 = arith.index_cast %get3A_1511 : i32 to index
        %get3A_1513 = arith.constant 80 : index
        %get3A_1514 = tpu.vector_load %arg7[%get3A_1512, %get3A_1513] {strides = array<i32>} : memref<32x128xf32, #tpu.memory_space<vmem>>, vector<16xf32>,
        %add3A_1515 = arith.addf %get3A_1510, %get3A_1514 : vector<16xf32>
        %swap3A_1516 = arith.constant 0 : i32
        %swap3A_1517 = arith.index_cast %swap3A_1516 : i32 to index
        %swap3A_1518 = arith.constant 80 : index
        %swap3A_1519 = tpu.vector_load %arg8[%swap3A_1517, %swap3A_1518] {strides = array<i32>} : memref<32x128xf32, #tpu.memory_space<vmem>>, vector<16xf32>,
        tpu.vector_store %arg8[%swap3A_1517, %swap3A_1518], %add3A_1515 {strides = array<i32>} : memref<32x128xf32, #tpu.memory_space<vmem>>, vector<16xf32>,
        %get3A_1520 = arith.constant 1 : i32
        %get3A_1521 = arith.index_cast %get3A_1520 : i32 to index
        %get3A_1522 = arith.constant 80 : index
        %get3A_1523 = tpu.vector_load %arg7[%get3A_1521, %get3A_1522] {strides = array<i32>} : memref<32x128xf32, #tpu.memory_space<vmem>>, vector<16xf32>,
        %add3A_1524 = arith.addf %get3A_1510, %get3A_1523 : vector<16xf32>
        %swap3A_1525 = arith.constant 1 : i32
        %swap3A_1526 = arith.index_cast %swap3A_1525 : i32 to index
        %swap3A_1527 = arith.constant 80 : index
        %swap3A_1528 = tpu.vector_load %arg8[%swap3A_1526, %swap3A_1527] {strides = array<i32>} : memref<32x128xf32, #tpu.memory_space<vmem>>, vector<16xf32>,
        tpu.vector_store %arg8[%swap3A_1526, %swap3A_1527], %add3A_1524 {strides = array<i32>} : memref<32x128xf32, #tpu.memory_space<vmem>>, vector<16xf32>,
        %get3A_1529 = arith.constant 2 : i32
        %get3A_1530 = arith.index_cast %get3A_1529 : i32 to index
        %get3A_1531 = arith.constant 80 : index
        %get3A_1532 = tpu.vector_load %arg7[%get3A_1530, %get3A_1531] {strides = array<i32>} : memref<32x128xf32, #tpu.memory_space<vmem>>, vector<16xf32>,
        %add3A_1533 = arith.addf %get3A_1510, %get3A_1532 : vector<16xf32>
        %swap3A_1534 = arith.constant 2 : i32
        %swap3A_1535 = arith.index_cast %swap3A_1534 : i32 to index
        %swap3A_1536 = arith.constant 80 : index
        %swap3A_1537 = tpu.vector_load %arg8[%swap3A_1535, %swap3A_1536] {strides = array<i32>} : memref<32x128xf32, #tpu.memory_space<vmem>>, vector<16xf32>,
        tpu.vector_store %arg8[%swap3A_1535, %swap3A_1536], %add3A_1533 {strides = array<i32>} : memref<32x128xf32, #tpu.memory_space<vmem>>, vector<16xf32>,
        %get3A_1538 = arith.constant 3 : i32
        %get3A_1539 = arith.index_cast %get3A_1538 : i32 to index
        %get3A_1540 = arith.constant 80 : index
        %get3A_1541 = tpu.vector_load %arg7[%get3A_1539, %get3A_1540] {strides = array<i32>} : memref<32x128xf32, #tpu.memory_space<vmem>>, vector<16xf32>,
        %add3A_1542 = arith.addf %get3A_1510, %get3A_1541 : vector<16xf32>
        %swap3A_1543 = arith.constant 3 : i32
        %swap3A_1544 = arith.index_cast %swap3A_1543 : i32 to index
        %swap3A_1545 = arith.constant 80 : index
        %swap3A_1546 = tpu.vector_load %arg8[%swap3A_1544, %swap3A_1545] {strides = array<i32>} : memref<32x128xf32, #tpu.memory_space<vmem>>, vector<16xf32>,
        tpu.vector_store %arg8[%swap3A_1544, %swap3A_1545], %add3A_1542 {strides = array<i32>} : memref<32x128xf32, #tpu.memory_space<vmem>>, vector<16xf32>,
        %get3A_1547 = arith.constant 4 : i32
        %get3A_1548 = arith.index_cast %get3A_1547 : i32 to index
        %get3A_1549 = arith.constant 80 : index
        %get3A_1550 = tpu.vector_load %arg7[%get3A_1548, %get3A_1549] {strides = array<i32>} : memref<32x128xf32, #tpu.memory_space<vmem>>, vector<16xf32>,
        %add3A_1551 = arith.addf %get3A_1510, %get3A_1550 : vector<16xf32>
        %swap3A_1552 = arith.constant 4 : i32
        %swap3A_1553 = arith.index_cast %swap3A_1552 : i32 to index
        %swap3A_1554 = arith.constant 80 : index
        %swap3A_1555 = tpu.vector_load %arg8[%swap3A_1553, %swap3A_1554] {strides = array<i32>} : memref<32x128xf32, #tpu.memory_space<vmem>>, vector<16xf32>,
        tpu.vector_store %arg8[%swap3A_1553, %swap3A_1554], %add3A_1551 {strides = array<i32>} : memref<32x128xf32, #tpu.memory_space<vmem>>, vector<16xf32>,
        %get3A_1556 = arith.constant 5 : i32
        %get3A_1557 = arith.index_cast %get3A_1556 : i32 to index
        %get3A_1558 = arith.constant 80 : index
        %get3A_1559 = tpu.vector_load %arg7[%get3A_1557, %get3A_1558] {strides = array<i32>} : memref<32x128xf32, #tpu.memory_space<vmem>>, vector<16xf32>,
        %add3A_1560 = arith.addf %get3A_1510, %get3A_1559 : vector<16xf32>
        %swap3A_1561 = arith.constant 5 : i32
        %swap3A_1562 = arith.index_cast %swap3A_1561 : i32 to index
        %swap3A_1563 = arith.constant 80 : index
        %swap3A_1564 = tpu.vector_load %arg8[%swap3A_1562, %swap3A_1563] {strides = array<i32>} : memref<32x128xf32, #tpu.memory_space<vmem>>, vector<16xf32>,
        tpu.vector_store %arg8[%swap3A_1562, %swap3A_1563], %add3A_1560 {strides = array<i32>} : memref<32x128xf32, #tpu.memory_space<vmem>>, vector<16xf32>,
        %get3A_1565 = arith.constant 6 : i32
        %get3A_1566 = arith.index_cast %get3A_1565 : i32 to index
        %get3A_1567 = arith.constant 80 : index
        %get3A_1568 = tpu.vector_load %arg7[%get3A_1566, %get3A_1567] {strides = array<i32>} : memref<32x128xf32, #tpu.memory_space<vmem>>, vector<16xf32>,
        %add3A_1569 = arith.addf %get3A_1510, %get3A_1568 : vector<16xf32>
        %swap3A_1570 = arith.constant 6 : i32
        %swap3A_1571 = arith.index_cast %swap3A_1570 : i32 to index
        %swap3A_1572 = arith.constant 80 : index
        %swap3A_1573 = tpu.vector_load %arg8[%swap3A_1571, %swap3A_1572] {strides = array<i32>} : memref<32x128xf32, #tpu.memory_space<vmem>>, vector<16xf32>,
        tpu.vector_store %arg8[%swap3A_1571, %swap3A_1572], %add3A_1569 {strides = array<i32>} : memref<32x128xf32, #tpu.memory_space<vmem>>, vector<16xf32>,
        %get3A_1574 = arith.constant 7 : i32
        %get3A_1575 = arith.index_cast %get3A_1574 : i32 to index
        %get3A_1576 = arith.constant 80 : index
        %get3A_1577 = tpu.vector_load %arg7[%get3A_1575, %get3A_1576] {strides = array<i32>} : memref<32x128xf32, #tpu.memory_space<vmem>>, vector<16xf32>,
        %add3A_1578 = arith.addf %get3A_1510, %get3A_1577 : vector<16xf32>
        %swap3A_1579 = arith.constant 7 : i32
        %swap3A_1580 = arith.index_cast %swap3A_1579 : i32 to index
        %swap3A_1581 = arith.constant 80 : index
        %swap3A_1582 = tpu.vector_load %arg8[%swap3A_1580, %swap3A_1581] {strides = array<i32>} : memref<32x128xf32, #tpu.memory_space<vmem>>, vector<16xf32>,
        tpu.vector_store %arg8[%swap3A_1580, %swap3A_1581], %add3A_1578 {strides = array<i32>} : memref<32x128xf32, #tpu.memory_space<vmem>>, vector<16xf32>,
        %get3A_1583 = arith.constant 8 : i32
        %get3A_1584 = arith.index_cast %get3A_1583 : i32 to index
        %get3A_1585 = arith.constant 80 : index
        %get3A_1586 = tpu.vector_load %arg7[%get3A_1584, %get3A_1585] {strides = array<i32>} : memref<32x128xf32, #tpu.memory_space<vmem>>, vector<16xf32>,
        %add3A_1587 = arith.addf %get3A_1510, %get3A_1586 : vector<16xf32>
        %swap3A_1588 = arith.constant 8 : i32
        %swap3A_1589 = arith.index_cast %swap3A_1588 : i32 to index
        %swap3A_1590 = arith.constant 80 : index
        %swap3A_1591 = tpu.vector_load %arg8[%swap3A_1589, %swap3A_1590] {strides = array<i32>} : memref<32x128xf32, #tpu.memory_space<vmem>>, vector<16xf32>,
        tpu.vector_store %arg8[%swap3A_1589, %swap3A_1590], %add3A_1587 {strides = array<i32>} : memref<32x128xf32, #tpu.memory_space<vmem>>, vector<16xf32>,
        %get3A_1592 = arith.constant 9 : i32
        %get3A_1593 = arith.index_cast %get3A_1592 : i32 to index
        %get3A_1594 = arith.constant 80 : index
        %get3A_1595 = tpu.vector_load %arg7[%get3A_1593, %get3A_1594] {strides = array<i32>} : memref<32x128xf32, #tpu.memory_space<vmem>>, vector<16xf32>,
        %add3A_1596 = arith.addf %get3A_1510, %get3A_1595 : vector<16xf32>
        %swap3A_1597 = arith.constant 9 : i32
        %swap3A_1598 = arith.index_cast %swap3A_1597 : i32 to index
        %swap3A_1599 = arith.constant 80 : index
        %swap3A_1600 = tpu.vector_load %arg8[%swap3A_1598, %swap3A_1599] {strides = array<i32>} : memref<32x128xf32, #tpu.memory_space<vmem>>, vector<16xf32>,
        tpu.vector_store %arg8[%swap3A_1598, %swap3A_1599], %add3A_1596 {strides = array<i32>} : memref<32x128xf32, #tpu.memory_space<vmem>>, vector<16xf32>,
        %get3A_1601 = arith.constant 10 : i32
        %get3A_1602 = arith.index_cast %get3A_1601 : i32 to index
        %get3A_1603 = arith.constant 80 : index
        %get3A_1604 = tpu.vector_load %arg7[%get3A_1602, %get3A_1603] {strides = array<i32>} : memref<32x128xf32, #tpu.memory_space<vmem>>, vector<16xf32>,
        %add3A_1605 = arith.addf %get3A_1510, %get3A_1604 : vector<16xf32>
        %swap3A_1606 = arith.constant 10 : i32
        %swap3A_1607 = arith.index_cast %swap3A_1606 : i32 to index
        %swap3A_1608 = arith.constant 80 : index
        %swap3A_1609 = tpu.vector_load %arg8[%swap3A_1607, %swap3A_1608] {strides = array<i32>} : memref<32x128xf32, #tpu.memory_space<vmem>>, vector<16xf32>,
        tpu.vector_store %arg8[%swap3A_1607, %swap3A_1608], %add3A_1605 {strides = array<i32>} : memref<32x128xf32, #tpu.memory_space<vmem>>, vector<16xf32>,
        %get3A_1610 = arith.constant 11 : i32
        %get3A_1611 = arith.index_cast %get3A_1610 : i32 to index
        %get3A_1612 = arith.constant 80 : index
        %get3A_1613 = tpu.vector_load %arg7[%get3A_1611, %get3A_1612] {strides = array<i32>} : memref<32x128xf32, #tpu.memory_space<vmem>>, vector<16xf32>,
        %add3A_1614 = arith.addf %get3A_1510, %get3A_1613 : vector<16xf32>
        %swap3A_1615 = arith.constant 11 : i32
        %swap3A_1616 = arith.index_cast %swap3A_1615 : i32 to index
        %swap3A_1617 = arith.constant 80 : index
        %swap3A_1618 = tpu.vector_load %arg8[%swap3A_1616, %swap3A_1617] {strides = array<i32>} : memref<32x128xf32, #tpu.memory_space<vmem>>, vector<16xf32>,
        tpu.vector_store %arg8[%swap3A_1616, %swap3A_1617], %add3A_1614 {strides = array<i32>} : memref<32x128xf32, #tpu.memory_space<vmem>>, vector<16xf32>,
        %get3A_1619 = arith.constant 12 : i32
        %get3A_1620 = arith.index_cast %get3A_1619 : i32 to index
        %get3A_1621 = arith.constant 80 : index
        %get3A_1622 = tpu.vector_load %arg7[%get3A_1620, %get3A_1621] {strides = array<i32>} : memref<32x128xf32, #tpu.memory_space<vmem>>, vector<16xf32>,
        %add3A_1623 = arith.addf %get3A_1510, %get3A_1622 : vector<16xf32>
        %swap3A_1624 = arith.constant 12 : i32
        %swap3A_1625 = arith.index_cast %swap3A_1624 : i32 to index
        %swap3A_1626 = arith.constant 80 : index
        %swap3A_1627 = tpu.vector_load %arg8[%swap3A_1625, %swap3A_1626] {strides = array<i32>} : memref<32x128xf32, #tpu.memory_space<vmem>>, vector<16xf32>,
        tpu.vector_store %arg8[%swap3A_1625, %swap3A_1626], %add3A_1623 {strides = array<i32>} : memref<32x128xf32, #tpu.memory_space<vmem>>, vector<16xf32>,
        %get3A_1628 = arith.constant 13 : i32
        %get3A_1629 = arith.index_cast %get3A_1628 : i32 to index
        %get3A_1630 = arith.constant 80 : index
        %get3A_1631 = tpu.vector_load %arg7[%get3A_1629, %get3A_1630] {strides = array<i32>} : memref<32x128xf32, #tpu.memory_space<vmem>>, vector<16xf32>,
        %add3A_1632 = arith.addf %get3A_1510, %get3A_1631 : vector<16xf32>
        %swap3A_1633 = arith.constant 13 : i32
        %swap3A_1634 = arith.index_cast %swap3A_1633 : i32 to index
        %swap3A_1635 = arith.constant 80 : index
        %swap3A_1636 = tpu.vector_load %arg8[%swap3A_1634, %swap3A_1635] {strides = array<i32>} : memref<32x128xf32, #tpu.memory_space<vmem>>, vector<16xf32>,
        tpu.vector_store %arg8[%swap3A_1634, %swap3A_1635], %add3A_1632 {strides = array<i32>} : memref<32x128xf32, #tpu.memory_space<vmem>>, vector<16xf32>,
        %get3A_1637 = arith.constant 14 : i32
        %get3A_1638 = arith.index_cast %get3A_1637 : i32 to index
        %get3A_1639 = arith.constant 80 : index
        %get3A_1640 = tpu.vector_load %arg7[%get3A_1638, %get3A_1639] {strides = array<i32>} : memref<32x128xf32, #tpu.memory_space<vmem>>, vector<16xf32>,
        %add3A_1641 = arith.addf %get3A_1510, %get3A_1640 : vector<16xf32>
        %swap3A_1642 = arith.constant 14 : i32
        %swap3A_1643 = arith.index_cast %swap3A_1642 : i32 to index
        %swap3A_1644 = arith.constant 80 : index
        %swap3A_1645 = tpu.vector_load %arg8[%swap3A_1643, %swap3A_1644] {strides = array<i32>} : memref<32x128xf32, #tpu.memory_space<vmem>>, vector<16xf32>,
        tpu.vector_store %arg8[%swap3A_1643, %swap3A_1644], %add3A_1641 {strides = array<i32>} : memref<32x128xf32, #tpu.memory_space<vmem>>, vector<16xf32>,
        %get3A_1646 = arith.constant 15 : i32
        %get3A_1647 = arith.index_cast %get3A_1646 : i32 to index
        %get3A_1648 = arith.constant 80 : index
        %get3A_1649 = tpu.vector_load %arg7[%get3A_1647, %get3A_1648] {strides = array<i32>} : memref<32x128xf32, #tpu.memory_space<vmem>>, vector<16xf32>,
        %add3A_1650 = arith.addf %get3A_1510, %get3A_1649 : vector<16xf32>
        %swap3A_1651 = arith.constant 15 : i32
        %swap3A_1652 = arith.index_cast %swap3A_1651 : i32 to index
        %swap3A_1653 = arith.constant 80 : index
        %swap3A_1654 = tpu.vector_load %arg8[%swap3A_1652, %swap3A_1653] {strides = array<i32>} : memref<32x128xf32, #tpu.memory_space<vmem>>, vector<16xf32>,
        tpu.vector_store %arg8[%swap3A_1652, %swap3A_1653], %add3A_1650 {strides = array<i32>} : memref<32x128xf32, #tpu.memory_space<vmem>>, vector<16xf32>,
        %get3A_1655 = arith.constant 16 : i32
        %get3A_1656 = arith.index_cast %get3A_1655 : i32 to index
        %get3A_1657 = arith.constant 80 : index
        %get3A_1658 = tpu.vector_load %arg7[%get3A_1656, %get3A_1657] {strides = array<i32>} : memref<32x128xf32, #tpu.memory_space<vmem>>, vector<16xf32>,
        %add3A_1659 = arith.addf %get3A_1510, %get3A_1658 : vector<16xf32>
        %swap3A_1660 = arith.constant 16 : i32
        %swap3A_1661 = arith.index_cast %swap3A_1660 : i32 to index
        %swap3A_1662 = arith.constant 80 : index
        %swap3A_1663 = tpu.vector_load %arg8[%swap3A_1661, %swap3A_1662] {strides = array<i32>} : memref<32x128xf32, #tpu.memory_space<vmem>>, vector<16xf32>,
        tpu.vector_store %arg8[%swap3A_1661, %swap3A_1662], %add3A_1659 {strides = array<i32>} : memref<32x128xf32, #tpu.memory_space<vmem>>, vector<16xf32>,
        %get3A_1664 = arith.constant 17 : i32
        %get3A_1665 = arith.index_cast %get3A_1664 : i32 to index
        %get3A_1666 = arith.constant 80 : index
        %get3A_1667 = tpu.vector_load %arg7[%get3A_1665, %get3A_1666] {strides = array<i32>} : memref<32x128xf32, #tpu.memory_space<vmem>>, vector<16xf32>,
        %add3A_1668 = arith.addf %get3A_1510, %get3A_1667 : vector<16xf32>
        %swap3A_1669 = arith.constant 17 : i32
        %swap3A_1670 = arith.index_cast %swap3A_1669 : i32 to index
        %swap3A_1671 = arith.constant 80 : index
        %swap3A_1672 = tpu.vector_load %arg8[%swap3A_1670, %swap3A_1671] {strides = array<i32>} : memref<32x128xf32, #tpu.memory_space<vmem>>, vector<16xf32>,
        tpu.vector_store %arg8[%swap3A_1670, %swap3A_1671], %add3A_1668 {strides = array<i32>} : memref<32x128xf32, #tpu.memory_space<vmem>>, vector<16xf32>,
        %get3A_1673 = arith.constant 18 : i32
        %get3A_1674 = arith.index_cast %get3A_1673 : i32 to index
        %get3A_1675 = arith.constant 80 : index
        %get3A_1676 = tpu.vector_load %arg7[%get3A_1674, %get3A_1675] {strides = array<i32>} : memref<32x128xf32, #tpu.memory_space<vmem>>, vector<16xf32>,
        %add3A_1677 = arith.addf %get3A_1510, %get3A_1676 : vector<16xf32>
        %swap3A_1678 = arith.constant 18 : i32
        %swap3A_1679 = arith.index_cast %swap3A_1678 : i32 to index
        %swap3A_1680 = arith.constant 80 : index
        %swap3A_1681 = tpu.vector_load %arg8[%swap3A_1679, %swap3A_1680] {strides = array<i32>} : memref<32x128xf32, #tpu.memory_space<vmem>>, vector<16xf32>,
        tpu.vector_store %arg8[%swap3A_1679, %swap3A_1680], %add3A_1677 {strides = array<i32>} : memref<32x128xf32, #tpu.memory_space<vmem>>, vector<16xf32>,
        %get3A_1682 = arith.constant 19 : i32
        %get3A_1683 = arith.index_cast %get3A_1682 : i32 to index
        %get3A_1684 = arith.constant 80 : index
        %get3A_1685 = tpu.vector_load %arg7[%get3A_1683, %get3A_1684] {strides = array<i32>} : memref<32x128xf32, #tpu.memory_space<vmem>>, vector<16xf32>,
        %add3A_1686 = arith.addf %get3A_1510, %get3A_1685 : vector<16xf32>
        %swap3A_1687 = arith.constant 19 : i32
        %swap3A_1688 = arith.index_cast %swap3A_1687 : i32 to index
        %swap3A_1689 = arith.constant 80 : index
        %swap3A_1690 = tpu.vector_load %arg8[%swap3A_1688, %swap3A_1689] {strides = array<i32>} : memref<32x128xf32, #tpu.memory_space<vmem>>, vector<16xf32>,
        tpu.vector_store %arg8[%swap3A_1688, %swap3A_1689], %add3A_1686 {strides = array<i32>} : memref<32x128xf32, #tpu.memory_space<vmem>>, vector<16xf32>,
        %get3A_1691 = arith.constant 20 : i32
        %get3A_1692 = arith.index_cast %get3A_1691 : i32 to index
        %get3A_1693 = arith.constant 80 : index
        %get3A_1694 = tpu.vector_load %arg7[%get3A_1692, %get3A_1693] {strides = array<i32>} : memref<32x128xf32, #tpu.memory_space<vmem>>, vector<16xf32>,
        %add3A_1695 = arith.addf %get3A_1510, %get3A_1694 : vector<16xf32>
        %swap3A_1696 = arith.constant 20 : i32
        %swap3A_1697 = arith.index_cast %swap3A_1696 : i32 to index
        %swap3A_1698 = arith.constant 80 : index
        %swap3A_1699 = tpu.vector_load %arg8[%swap3A_1697, %swap3A_1698] {strides = array<i32>} : memref<32x128xf32, #tpu.memory_space<vmem>>, vector<16xf32>,
        tpu.vector_store %arg8[%swap3A_1697, %swap3A_1698], %add3A_1695 {strides = array<i32>} : memref<32x128xf32, #tpu.memory_space<vmem>>, vector<16xf32>,
        %get3A_1700 = arith.constant 21 : i32
        %get3A_1701 = arith.index_cast %get3A_1700 : i32 to index
        %get3A_1702 = arith.constant 80 : index
        %get3A_1703 = tpu.vector_load %arg7[%get3A_1701, %get3A_1702] {strides = array<i32>} : memref<32x128xf32, #tpu.memory_space<vmem>>, vector<16xf32>,
        %add3A_1704 = arith.addf %get3A_1510, %get3A_1703 : vector<16xf32>
        %swap3A_1705 = arith.constant 21 : i32
        %swap3A_1706 = arith.index_cast %swap3A_1705 : i32 to index
        %swap3A_1707 = arith.constant 80 : index
        %swap3A_1708 = tpu.vector_load %arg8[%swap3A_1706, %swap3A_1707] {strides = array<i32>} : memref<32x128xf32, #tpu.memory_space<vmem>>, vector<16xf32>,
        tpu.vector_store %arg8[%swap3A_1706, %swap3A_1707], %add3A_1704 {strides = array<i32>} : memref<32x128xf32, #tpu.memory_space<vmem>>, vector<16xf32>,
        %get3A_1709 = arith.constant 22 : i32
        %get3A_1710 = arith.index_cast %get3A_1709 : i32 to index
        %get3A_1711 = arith.constant 80 : index
        %get3A_1712 = tpu.vector_load %arg7[%get3A_1710, %get3A_1711] {strides = array<i32>} : memref<32x128xf32, #tpu.memory_space<vmem>>, vector<16xf32>,
        %add3A_1713 = arith.addf %get3A_1510, %get3A_1712 : vector<16xf32>
        %swap3A_1714 = arith.constant 22 : i32
        %swap3A_1715 = arith.index_cast %swap3A_1714 : i32 to index
        %swap3A_1716 = arith.constant 80 : index
        %swap3A_1717 = tpu.vector_load %arg8[%swap3A_1715, %swap3A_1716] {strides = array<i32>} : memref<32x128xf32, #tpu.memory_space<vmem>>, vector<16xf32>,
        tpu.vector_store %arg8[%swap3A_1715, %swap3A_1716], %add3A_1713 {strides = array<i32>} : memref<32x128xf32, #tpu.memory_space<vmem>>, vector<16xf32>,
        %get3A_1718 = arith.constant 23 : i32
        %get3A_1719 = arith.index_cast %get3A_1718 : i32 to index
        %get3A_1720 = arith.constant 80 : index
        %get3A_1721 = tpu.vector_load %arg7[%get3A_1719, %get3A_1720] {strides = array<i32>} : memref<32x128xf32, #tpu.memory_space<vmem>>, vector<16xf32>,
        %add3A_1722 = arith.addf %get3A_1510, %get3A_1721 : vector<16xf32>
        %swap3A_1723 = arith.constant 23 : i32
        %swap3A_1724 = arith.index_cast %swap3A_1723 : i32 to index
        %swap3A_1725 = arith.constant 80 : index
        %swap3A_1726 = tpu.vector_load %arg8[%swap3A_1724, %swap3A_1725] {strides = array<i32>} : memref<32x128xf32, #tpu.memory_space<vmem>>, vector<16xf32>,
        tpu.vector_store %arg8[%swap3A_1724, %swap3A_1725], %add3A_1722 {strides = array<i32>} : memref<32x128xf32, #tpu.memory_space<vmem>>, vector<16xf32>,
        %get3A_1727 = arith.constant 24 : i32
        %get3A_1728 = arith.index_cast %get3A_1727 : i32 to index
        %get3A_1729 = arith.constant 80 : index
        %get3A_1730 = tpu.vector_load %arg7[%get3A_1728, %get3A_1729] {strides = array<i32>} : memref<32x128xf32, #tpu.memory_space<vmem>>, vector<16xf32>,
        %add3A_1731 = arith.addf %get3A_1510, %get3A_1730 : vector<16xf32>
        %swap3A_1732 = arith.constant 24 : i32
        %swap3A_1733 = arith.index_cast %swap3A_1732 : i32 to index
        %swap3A_1734 = arith.constant 80 : index
        %swap3A_1735 = tpu.vector_load %arg8[%swap3A_1733, %swap3A_1734] {strides = array<i32>} : memref<32x128xf32, #tpu.memory_space<vmem>>, vector<16xf32>,
        tpu.vector_store %arg8[%swap3A_1733, %swap3A_1734], %add3A_1731 {strides = array<i32>} : memref<32x128xf32, #tpu.memory_space<vmem>>, vector<16xf32>,
        %get3A_1736 = arith.constant 25 : i32
        %get3A_1737 = arith.index_cast %get3A_1736 : i32 to index
        %get3A_1738 = arith.constant 80 : index
        %get3A_1739 = tpu.vector_load %arg7[%get3A_1737, %get3A_1738] {strides = array<i32>} : memref<32x128xf32, #tpu.memory_space<vmem>>, vector<16xf32>,
        %add3A_1740 = arith.addf %get3A_1510, %get3A_1739 : vector<16xf32>
        %swap3A_1741 = arith.constant 25 : i32
        %swap3A_1742 = arith.index_cast %swap3A_1741 : i32 to index
        %swap3A_1743 = arith.constant 80 : index
        %swap3A_1744 = tpu.vector_load %arg8[%swap3A_1742, %swap3A_1743] {strides = array<i32>} : memref<32x128xf32, #tpu.memory_space<vmem>>, vector<16xf32>,
        tpu.vector_store %arg8[%swap3A_1742, %swap3A_1743], %add3A_1740 {strides = array<i32>} : memref<32x128xf32, #tpu.memory_space<vmem>>, vector<16xf32>,
        %get3A_1745 = arith.constant 26 : i32
        %get3A_1746 = arith.index_cast %get3A_1745 : i32 to index
        %get3A_1747 = arith.constant 80 : index
        %get3A_1748 = tpu.vector_load %arg7[%get3A_1746, %get3A_1747] {strides = array<i32>} : memref<32x128xf32, #tpu.memory_space<vmem>>, vector<16xf32>,
        %add3A_1749 = arith.addf %get3A_1510, %get3A_1748 : vector<16xf32>
        %swap3A_1750 = arith.constant 26 : i32
        %swap3A_1751 = arith.index_cast %swap3A_1750 : i32 to index
        %swap3A_1752 = arith.constant 80 : index
        %swap3A_1753 = tpu.vector_load %arg8[%swap3A_1751, %swap3A_1752] {strides = array<i32>} : memref<32x128xf32, #tpu.memory_space<vmem>>, vector<16xf32>,
        tpu.vector_store %arg8[%swap3A_1751, %swap3A_1752], %add3A_1749 {strides = array<i32>} : memref<32x128xf32, #tpu.memory_space<vmem>>, vector<16xf32>,
        %get3A_1754 = arith.constant 27 : i32
        %get3A_1755 = arith.index_cast %get3A_1754 : i32 to index
        %get3A_1756 = arith.constant 80 : index
        %get3A_1757 = tpu.vector_load %arg7[%get3A_1755, %get3A_1756] {strides = array<i32>} : memref<32x128xf32, #tpu.memory_space<vmem>>, vector<16xf32>,
        %add3A_1758 = arith.addf %get3A_1510, %get3A_1757 : vector<16xf32>
        %swap3A_1759 = arith.constant 27 : i32
        %swap3A_1760 = arith.index_cast %swap3A_1759 : i32 to index
        %swap3A_1761 = arith.constant 80 : index
        %swap3A_1762 = tpu.vector_load %arg8[%swap3A_1760, %swap3A_1761] {strides = array<i32>} : memref<32x128xf32, #tpu.memory_space<vmem>>, vector<16xf32>,
        tpu.vector_store %arg8[%swap3A_1760, %swap3A_1761], %add3A_1758 {strides = array<i32>} : memref<32x128xf32, #tpu.memory_space<vmem>>, vector<16xf32>,
        %get3A_1763 = arith.constant 28 : i32
        %get3A_1764 = arith.index_cast %get3A_1763 : i32 to index
        %get3A_1765 = arith.constant 80 : index
        %get3A_1766 = tpu.vector_load %arg7[%get3A_1764, %get3A_1765] {strides = array<i32>} : memref<32x128xf32, #tpu.memory_space<vmem>>, vector<16xf32>,
        %add3A_1767 = arith.addf %get3A_1510, %get3A_1766 : vector<16xf32>
        %swap3A_1768 = arith.constant 28 : i32
        %swap3A_1769 = arith.index_cast %swap3A_1768 : i32 to index
        %swap3A_1770 = arith.constant 80 : index
        %swap3A_1771 = tpu.vector_load %arg8[%swap3A_1769, %swap3A_1770] {strides = array<i32>} : memref<32x128xf32, #tpu.memory_space<vmem>>, vector<16xf32>,
        tpu.vector_store %arg8[%swap3A_1769, %swap3A_1770], %add3A_1767 {strides = array<i32>} : memref<32x128xf32, #tpu.memory_space<vmem>>, vector<16xf32>,
        %get3A_1772 = arith.constant 29 : i32
        %get3A_1773 = arith.index_cast %get3A_1772 : i32 to index
        %get3A_1774 = arith.constant 80 : index
        %get3A_1775 = tpu.vector_load %arg7[%get3A_1773, %get3A_1774] {strides = array<i32>} : memref<32x128xf32, #tpu.memory_space<vmem>>, vector<16xf32>,
        %add3A_1776 = arith.addf %get3A_1510, %get3A_1775 : vector<16xf32>
        %swap3A_1777 = arith.constant 29 : i32
        %swap3A_1778 = arith.index_cast %swap3A_1777 : i32 to index
        %swap3A_1779 = arith.constant 80 : index
        %swap3A_1780 = tpu.vector_load %arg8[%swap3A_1778, %swap3A_1779] {strides = array<i32>} : memref<32x128xf32, #tpu.memory_space<vmem>>, vector<16xf32>,
        tpu.vector_store %arg8[%swap3A_1778, %swap3A_1779], %add3A_1776 {strides = array<i32>} : memref<32x128xf32, #tpu.memory_space<vmem>>, vector<16xf32>,
        %get3A_1781 = arith.constant 30 : i32
        %get3A_1782 = arith.index_cast %get3A_1781 : i32 to index
        %get3A_1783 = arith.constant 80 : index
        %get3A_1784 = tpu.vector_load %arg7[%get3A_1782, %get3A_1783] {strides = array<i32>} : memref<32x128xf32, #tpu.memory_space<vmem>>, vector<16xf32>,
        %add3A_1785 = arith.addf %get3A_1510, %get3A_1784 : vector<16xf32>
        %swap3A_1786 = arith.constant 30 : i32
        %swap3A_1787 = arith.index_cast %swap3A_1786 : i32 to index
        %swap3A_1788 = arith.constant 80 : index
        %swap3A_1789 = tpu.vector_load %arg8[%swap3A_1787, %swap3A_1788] {strides = array<i32>} : memref<32x128xf32, #tpu.memory_space<vmem>>, vector<16xf32>,
        tpu.vector_store %arg8[%swap3A_1787, %swap3A_1788], %add3A_1785 {strides = array<i32>} : memref<32x128xf32, #tpu.memory_space<vmem>>, vector<16xf32>,
        %get3A_1790 = arith.constant 31 : i32
        %get3A_1791 = arith.index_cast %get3A_1790 : i32 to index
        %get3A_1792 = arith.constant 80 : index
        %get3A_1793 = tpu.vector_load %arg7[%get3A_1791, %get3A_1792] {strides = array<i32>} : memref<32x128xf32, #tpu.memory_space<vmem>>, vector<16xf32>,
        %add3A_1794 = arith.addf %get3A_1510, %get3A_1793 : vector<16xf32>
        %swap3A_1795 = arith.constant 31 : i32
        %swap3A_1796 = arith.index_cast %swap3A_1795 : i32 to index
        %swap3A_1797 = arith.constant 80 : index
        %swap3A_1798 = tpu.vector_load %arg8[%swap3A_1796, %swap3A_1797] {strides = array<i32>} : memref<32x128xf32, #tpu.memory_space<vmem>>, vector<16xf32>,
        tpu.vector_store %arg8[%swap3A_1796, %swap3A_1797], %add3A_1794 {strides = array<i32>} : memref<32x128xf32, #tpu.memory_space<vmem>>, vector<16xf32>,
        %get3A_1799 = arith.index_cast %scan3A_54 : i32 to index
        %get3A_1800 = arith.constant 96 : index
        %get3A_1801 = tpu.vector_load %arg6[%get3A_1799, %get3A_1800] {strides = array<i32>} : memref<13x128xf32, #tpu.memory_space<vmem>>, vector<16xf32>,
        %get3A_1802 = arith.constant 0 : i32
        %get3A_1803 = arith.index_cast %get3A_1802 : i32 to index
        %get3A_1804 = arith.constant 96 : index
        %get3A_1805 = tpu.vector_load %arg7[%get3A_1803, %get3A_1804] {strides = array<i32>} : memref<32x128xf32, #tpu.memory_space<vmem>>, vector<16xf32>,
        %add3A_1806 = arith.addf %get3A_1801, %get3A_1805 : vector<16xf32>
        %swap3A_1807 = arith.constant 0 : i32
        %swap3A_1808 = arith.index_cast %swap3A_1807 : i32 to index
        %swap3A_1809 = arith.constant 96 : index
        %swap3A_1810 = tpu.vector_load %arg8[%swap3A_1808, %swap3A_1809] {strides = array<i32>} : memref<32x128xf32, #tpu.memory_space<vmem>>, vector<16xf32>,
        tpu.vector_store %arg8[%swap3A_1808, %swap3A_1809], %add3A_1806 {strides = array<i32>} : memref<32x128xf32, #tpu.memory_space<vmem>>, vector<16xf32>,
        %get3A_1811 = arith.constant 1 : i32
        %get3A_1812 = arith.index_cast %get3A_1811 : i32 to index
        %get3A_1813 = arith.constant 96 : index
        %get3A_1814 = tpu.vector_load %arg7[%get3A_1812, %get3A_1813] {strides = array<i32>} : memref<32x128xf32, #tpu.memory_space<vmem>>, vector<16xf32>,
        %add3A_1815 = arith.addf %get3A_1801, %get3A_1814 : vector<16xf32>
        %swap3A_1816 = arith.constant 1 : i32
        %swap3A_1817 = arith.index_cast %swap3A_1816 : i32 to index
        %swap3A_1818 = arith.constant 96 : index
        %swap3A_1819 = tpu.vector_load %arg8[%swap3A_1817, %swap3A_1818] {strides = array<i32>} : memref<32x128xf32, #tpu.memory_space<vmem>>, vector<16xf32>,
        tpu.vector_store %arg8[%swap3A_1817, %swap3A_1818], %add3A_1815 {strides = array<i32>} : memref<32x128xf32, #tpu.memory_space<vmem>>, vector<16xf32>,
        %get3A_1820 = arith.constant 2 : i32
        %get3A_1821 = arith.index_cast %get3A_1820 : i32 to index
        %get3A_1822 = arith.constant 96 : index
        %get3A_1823 = tpu.vector_load %arg7[%get3A_1821, %get3A_1822] {strides = array<i32>} : memref<32x128xf32, #tpu.memory_space<vmem>>, vector<16xf32>,
        %add3A_1824 = arith.addf %get3A_1801, %get3A_1823 : vector<16xf32>
        %swap3A_1825 = arith.constant 2 : i32
        %swap3A_1826 = arith.index_cast %swap3A_1825 : i32 to index
        %swap3A_1827 = arith.constant 96 : index
        %swap3A_1828 = tpu.vector_load %arg8[%swap3A_1826, %swap3A_1827] {strides = array<i32>} : memref<32x128xf32, #tpu.memory_space<vmem>>, vector<16xf32>,
        tpu.vector_store %arg8[%swap3A_1826, %swap3A_1827], %add3A_1824 {strides = array<i32>} : memref<32x128xf32, #tpu.memory_space<vmem>>, vector<16xf32>,
        %get3A_1829 = arith.constant 3 : i32
        %get3A_1830 = arith.index_cast %get3A_1829 : i32 to index
        %get3A_1831 = arith.constant 96 : index
        %get3A_1832 = tpu.vector_load %arg7[%get3A_1830, %get3A_1831] {strides = array<i32>} : memref<32x128xf32, #tpu.memory_space<vmem>>, vector<16xf32>,
        %add3A_1833 = arith.addf %get3A_1801, %get3A_1832 : vector<16xf32>
        %swap3A_1834 = arith.constant 3 : i32
        %swap3A_1835 = arith.index_cast %swap3A_1834 : i32 to index
        %swap3A_1836 = arith.constant 96 : index
        %swap3A_1837 = tpu.vector_load %arg8[%swap3A_1835, %swap3A_1836] {strides = array<i32>} : memref<32x128xf32, #tpu.memory_space<vmem>>, vector<16xf32>,
        tpu.vector_store %arg8[%swap3A_1835, %swap3A_1836], %add3A_1833 {strides = array<i32>} : memref<32x128xf32, #tpu.memory_space<vmem>>, vector<16xf32>,
        %get3A_1838 = arith.constant 4 : i32
        %get3A_1839 = arith.index_cast %get3A_1838 : i32 to index
        %get3A_1840 = arith.constant 96 : index
        %get3A_1841 = tpu.vector_load %arg7[%get3A_1839, %get3A_1840] {strides = array<i32>} : memref<32x128xf32, #tpu.memory_space<vmem>>, vector<16xf32>,
        %add3A_1842 = arith.addf %get3A_1801, %get3A_1841 : vector<16xf32>
        %swap3A_1843 = arith.constant 4 : i32
        %swap3A_1844 = arith.index_cast %swap3A_1843 : i32 to index
        %swap3A_1845 = arith.constant 96 : index
        %swap3A_1846 = tpu.vector_load %arg8[%swap3A_1844, %swap3A_1845] {strides = array<i32>} : memref<32x128xf32, #tpu.memory_space<vmem>>, vector<16xf32>,
        tpu.vector_store %arg8[%swap3A_1844, %swap3A_1845], %add3A_1842 {strides = array<i32>} : memref<32x128xf32, #tpu.memory_space<vmem>>, vector<16xf32>,
        %get3A_1847 = arith.constant 5 : i32
        %get3A_1848 = arith.index_cast %get3A_1847 : i32 to index
        %get3A_1849 = arith.constant 96 : index
        %get3A_1850 = tpu.vector_load %arg7[%get3A_1848, %get3A_1849] {strides = array<i32>} : memref<32x128xf32, #tpu.memory_space<vmem>>, vector<16xf32>,
        %add3A_1851 = arith.addf %get3A_1801, %get3A_1850 : vector<16xf32>
        %swap3A_1852 = arith.constant 5 : i32
        %swap3A_1853 = arith.index_cast %swap3A_1852 : i32 to index
        %swap3A_1854 = arith.constant 96 : index
        %swap3A_1855 = tpu.vector_load %arg8[%swap3A_1853, %swap3A_1854] {strides = array<i32>} : memref<32x128xf32, #tpu.memory_space<vmem>>, vector<16xf32>,
        tpu.vector_store %arg8[%swap3A_1853, %swap3A_1854], %add3A_1851 {strides = array<i32>} : memref<32x128xf32, #tpu.memory_space<vmem>>, vector<16xf32>,
        %get3A_1856 = arith.constant 6 : i32
        %get3A_1857 = arith.index_cast %get3A_1856 : i32 to index
        %get3A_1858 = arith.constant 96 : index
        %get3A_1859 = tpu.vector_load %arg7[%get3A_1857, %get3A_1858] {strides = array<i32>} : memref<32x128xf32, #tpu.memory_space<vmem>>, vector<16xf32>,
        %add3A_1860 = arith.addf %get3A_1801, %get3A_1859 : vector<16xf32>
        %swap3A_1861 = arith.constant 6 : i32
        %swap3A_1862 = arith.index_cast %swap3A_1861 : i32 to index
        %swap3A_1863 = arith.constant 96 : index
        %swap3A_1864 = tpu.vector_load %arg8[%swap3A_1862, %swap3A_1863] {strides = array<i32>} : memref<32x128xf32, #tpu.memory_space<vmem>>, vector<16xf32>,
        tpu.vector_store %arg8[%swap3A_1862, %swap3A_1863], %add3A_1860 {strides = array<i32>} : memref<32x128xf32, #tpu.memory_space<vmem>>, vector<16xf32>,
        %get3A_1865 = arith.constant 7 : i32
        %get3A_1866 = arith.index_cast %get3A_1865 : i32 to index
        %get3A_1867 = arith.constant 96 : index
        %get3A_1868 = tpu.vector_load %arg7[%get3A_1866, %get3A_1867] {strides = array<i32>} : memref<32x128xf32, #tpu.memory_space<vmem>>, vector<16xf32>,
        %add3A_1869 = arith.addf %get3A_1801, %get3A_1868 : vector<16xf32>
        %swap3A_1870 = arith.constant 7 : i32
        %swap3A_1871 = arith.index_cast %swap3A_1870 : i32 to index
        %swap3A_1872 = arith.constant 96 : index
        %swap3A_1873 = tpu.vector_load %arg8[%swap3A_1871, %swap3A_1872] {strides = array<i32>} : memref<32x128xf32, #tpu.memory_space<vmem>>, vector<16xf32>,
        tpu.vector_store %arg8[%swap3A_1871, %swap3A_1872], %add3A_1869 {strides = array<i32>} : memref<32x128xf32, #tpu.memory_space<vmem>>, vector<16xf32>,
        %get3A_1874 = arith.constant 8 : i32
        %get3A_1875 = arith.index_cast %get3A_1874 : i32 to index
        %get3A_1876 = arith.constant 96 : index
        %get3A_1877 = tpu.vector_load %arg7[%get3A_1875, %get3A_1876] {strides = array<i32>} : memref<32x128xf32, #tpu.memory_space<vmem>>, vector<16xf32>,
        %add3A_1878 = arith.addf %get3A_1801, %get3A_1877 : vector<16xf32>
        %swap3A_1879 = arith.constant 8 : i32
        %swap3A_1880 = arith.index_cast %swap3A_1879 : i32 to index
        %swap3A_1881 = arith.constant 96 : index
        %swap3A_1882 = tpu.vector_load %arg8[%swap3A_1880, %swap3A_1881] {strides = array<i32>} : memref<32x128xf32, #tpu.memory_space<vmem>>, vector<16xf32>,
        tpu.vector_store %arg8[%swap3A_1880, %swap3A_1881], %add3A_1878 {strides = array<i32>} : memref<32x128xf32, #tpu.memory_space<vmem>>, vector<16xf32>,
        %get3A_1883 = arith.constant 9 : i32
        %get3A_1884 = arith.index_cast %get3A_1883 : i32 to index
        %get3A_1885 = arith.constant 96 : index
        %get3A_1886 = tpu.vector_load %arg7[%get3A_1884, %get3A_1885] {strides = array<i32>} : memref<32x128xf32, #tpu.memory_space<vmem>>, vector<16xf32>,
        %add3A_1887 = arith.addf %get3A_1801, %get3A_1886 : vector<16xf32>
        %swap3A_1888 = arith.constant 9 : i32
        %swap3A_1889 = arith.index_cast %swap3A_1888 : i32 to index
        %swap3A_1890 = arith.constant 96 : index
        %swap3A_1891 = tpu.vector_load %arg8[%swap3A_1889, %swap3A_1890] {strides = array<i32>} : memref<32x128xf32, #tpu.memory_space<vmem>>, vector<16xf32>,
        tpu.vector_store %arg8[%swap3A_1889, %swap3A_1890], %add3A_1887 {strides = array<i32>} : memref<32x128xf32, #tpu.memory_space<vmem>>, vector<16xf32>,
        %get3A_1892 = arith.constant 10 : i32
        %get3A_1893 = arith.index_cast %get3A_1892 : i32 to index
        %get3A_1894 = arith.constant 96 : index
        %get3A_1895 = tpu.vector_load %arg7[%get3A_1893, %get3A_1894] {strides = array<i32>} : memref<32x128xf32, #tpu.memory_space<vmem>>, vector<16xf32>,
        %add3A_1896 = arith.addf %get3A_1801, %get3A_1895 : vector<16xf32>
        %swap3A_1897 = arith.constant 10 : i32
        %swap3A_1898 = arith.index_cast %swap3A_1897 : i32 to index
        %swap3A_1899 = arith.constant 96 : index
        %swap3A_1900 = tpu.vector_load %arg8[%swap3A_1898, %swap3A_1899] {strides = array<i32>} : memref<32x128xf32, #tpu.memory_space<vmem>>, vector<16xf32>,
        tpu.vector_store %arg8[%swap3A_1898, %swap3A_1899], %add3A_1896 {strides = array<i32>} : memref<32x128xf32, #tpu.memory_space<vmem>>, vector<16xf32>,
        %get3A_1901 = arith.constant 11 : i32
        %get3A_1902 = arith.index_cast %get3A_1901 : i32 to index
        %get3A_1903 = arith.constant 96 : index
        %get3A_1904 = tpu.vector_load %arg7[%get3A_1902, %get3A_1903] {strides = array<i32>} : memref<32x128xf32, #tpu.memory_space<vmem>>, vector<16xf32>,
        %add3A_1905 = arith.addf %get3A_1801, %get3A_1904 : vector<16xf32>
        %swap3A_1906 = arith.constant 11 : i32
        %swap3A_1907 = arith.index_cast %swap3A_1906 : i32 to index
        %swap3A_1908 = arith.constant 96 : index
        %swap3A_1909 = tpu.vector_load %arg8[%swap3A_1907, %swap3A_1908] {strides = array<i32>} : memref<32x128xf32, #tpu.memory_space<vmem>>, vector<16xf32>,
        tpu.vector_store %arg8[%swap3A_1907, %swap3A_1908], %add3A_1905 {strides = array<i32>} : memref<32x128xf32, #tpu.memory_space<vmem>>, vector<16xf32>,
        %get3A_1910 = arith.constant 12 : i32
        %get3A_1911 = arith.index_cast %get3A_1910 : i32 to index
        %get3A_1912 = arith.constant 96 : index
        %get3A_1913 = tpu.vector_load %arg7[%get3A_1911, %get3A_1912] {strides = array<i32>} : memref<32x128xf32, #tpu.memory_space<vmem>>, vector<16xf32>,
        %add3A_1914 = arith.addf %get3A_1801, %get3A_1913 : vector<16xf32>
        %swap3A_1915 = arith.constant 12 : i32
        %swap3A_1916 = arith.index_cast %swap3A_1915 : i32 to index
        %swap3A_1917 = arith.constant 96 : index
        %swap3A_1918 = tpu.vector_load %arg8[%swap3A_1916, %swap3A_1917] {strides = array<i32>} : memref<32x128xf32, #tpu.memory_space<vmem>>, vector<16xf32>,
        tpu.vector_store %arg8[%swap3A_1916, %swap3A_1917], %add3A_1914 {strides = array<i32>} : memref<32x128xf32, #tpu.memory_space<vmem>>, vector<16xf32>,
        %get3A_1919 = arith.constant 13 : i32
        %get3A_1920 = arith.index_cast %get3A_1919 : i32 to index
        %get3A_1921 = arith.constant 96 : index
        %get3A_1922 = tpu.vector_load %arg7[%get3A_1920, %get3A_1921] {strides = array<i32>} : memref<32x128xf32, #tpu.memory_space<vmem>>, vector<16xf32>,
        %add3A_1923 = arith.addf %get3A_1801, %get3A_1922 : vector<16xf32>
        %swap3A_1924 = arith.constant 13 : i32
        %swap3A_1925 = arith.index_cast %swap3A_1924 : i32 to index
        %swap3A_1926 = arith.constant 96 : index
        %swap3A_1927 = tpu.vector_load %arg8[%swap3A_1925, %swap3A_1926] {strides = array<i32>} : memref<32x128xf32, #tpu.memory_space<vmem>>, vector<16xf32>,
        tpu.vector_store %arg8[%swap3A_1925, %swap3A_1926], %add3A_1923 {strides = array<i32>} : memref<32x128xf32, #tpu.memory_space<vmem>>, vector<16xf32>,
        %get3A_1928 = arith.constant 14 : i32
        %get3A_1929 = arith.index_cast %get3A_1928 : i32 to index
        %get3A_1930 = arith.constant 96 : index
        %get3A_1931 = tpu.vector_load %arg7[%get3A_1929, %get3A_1930] {strides = array<i32>} : memref<32x128xf32, #tpu.memory_space<vmem>>, vector<16xf32>,
        %add3A_1932 = arith.addf %get3A_1801, %get3A_1931 : vector<16xf32>
        %swap3A_1933 = arith.constant 14 : i32
        %swap3A_1934 = arith.index_cast %swap3A_1933 : i32 to index
        %swap3A_1935 = arith.constant 96 : index
        %swap3A_1936 = tpu.vector_load %arg8[%swap3A_1934, %swap3A_1935] {strides = array<i32>} : memref<32x128xf32, #tpu.memory_space<vmem>>, vector<16xf32>,
        tpu.vector_store %arg8[%swap3A_1934, %swap3A_1935], %add3A_1932 {strides = array<i32>} : memref<32x128xf32, #tpu.memory_space<vmem>>, vector<16xf32>,
        %get3A_1937 = arith.constant 15 : i32
        %get3A_1938 = arith.index_cast %get3A_1937 : i32 to index
        %get3A_1939 = arith.constant 96 : index
        %get3A_1940 = tpu.vector_load %arg7[%get3A_1938, %get3A_1939] {strides = array<i32>} : memref<32x128xf32, #tpu.memory_space<vmem>>, vector<16xf32>,
        %add3A_1941 = arith.addf %get3A_1801, %get3A_1940 : vector<16xf32>
        %swap3A_1942 = arith.constant 15 : i32
        %swap3A_1943 = arith.index_cast %swap3A_1942 : i32 to index
        %swap3A_1944 = arith.constant 96 : index
        %swap3A_1945 = tpu.vector_load %arg8[%swap3A_1943, %swap3A_1944] {strides = array<i32>} : memref<32x128xf32, #tpu.memory_space<vmem>>, vector<16xf32>,
        tpu.vector_store %arg8[%swap3A_1943, %swap3A_1944], %add3A_1941 {strides = array<i32>} : memref<32x128xf32, #tpu.memory_space<vmem>>, vector<16xf32>,
        %get3A_1946 = arith.constant 16 : i32
        %get3A_1947 = arith.index_cast %get3A_1946 : i32 to index
        %get3A_1948 = arith.constant 96 : index
        %get3A_1949 = tpu.vector_load %arg7[%get3A_1947, %get3A_1948] {strides = array<i32>} : memref<32x128xf32, #tpu.memory_space<vmem>>, vector<16xf32>,
        %add3A_1950 = arith.addf %get3A_1801, %get3A_1949 : vector<16xf32>
        %swap3A_1951 = arith.constant 16 : i32
        %swap3A_1952 = arith.index_cast %swap3A_1951 : i32 to index
        %swap3A_1953 = arith.constant 96 : index
        %swap3A_1954 = tpu.vector_load %arg8[%swap3A_1952, %swap3A_1953] {strides = array<i32>} : memref<32x128xf32, #tpu.memory_space<vmem>>, vector<16xf32>,
        tpu.vector_store %arg8[%swap3A_1952, %swap3A_1953], %add3A_1950 {strides = array<i32>} : memref<32x128xf32, #tpu.memory_space<vmem>>, vector<16xf32>,
        %get3A_1955 = arith.constant 17 : i32
        %get3A_1956 = arith.index_cast %get3A_1955 : i32 to index
        %get3A_1957 = arith.constant 96 : index
        %get3A_1958 = tpu.vector_load %arg7[%get3A_1956, %get3A_1957] {strides = array<i32>} : memref<32x128xf32, #tpu.memory_space<vmem>>, vector<16xf32>,
        %add3A_1959 = arith.addf %get3A_1801, %get3A_1958 : vector<16xf32>
        %swap3A_1960 = arith.constant 17 : i32
        %swap3A_1961 = arith.index_cast %swap3A_1960 : i32 to index
        %swap3A_1962 = arith.constant 96 : index
        %swap3A_1963 = tpu.vector_load %arg8[%swap3A_1961, %swap3A_1962] {strides = array<i32>} : memref<32x128xf32, #tpu.memory_space<vmem>>, vector<16xf32>,
        tpu.vector_store %arg8[%swap3A_1961, %swap3A_1962], %add3A_1959 {strides = array<i32>} : memref<32x128xf32, #tpu.memory_space<vmem>>, vector<16xf32>,
        %get3A_1964 = arith.constant 18 : i32
        %get3A_1965 = arith.index_cast %get3A_1964 : i32 to index
        %get3A_1966 = arith.constant 96 : index
        %get3A_1967 = tpu.vector_load %arg7[%get3A_1965, %get3A_1966] {strides = array<i32>} : memref<32x128xf32, #tpu.memory_space<vmem>>, vector<16xf32>,
        %add3A_1968 = arith.addf %get3A_1801, %get3A_1967 : vector<16xf32>
        %swap3A_1969 = arith.constant 18 : i32
        %swap3A_1970 = arith.index_cast %swap3A_1969 : i32 to index
        %swap3A_1971 = arith.constant 96 : index
        %swap3A_1972 = tpu.vector_load %arg8[%swap3A_1970, %swap3A_1971] {strides = array<i32>} : memref<32x128xf32, #tpu.memory_space<vmem>>, vector<16xf32>,
        tpu.vector_store %arg8[%swap3A_1970, %swap3A_1971], %add3A_1968 {strides = array<i32>} : memref<32x128xf32, #tpu.memory_space<vmem>>, vector<16xf32>,
        %get3A_1973 = arith.constant 19 : i32
        %get3A_1974 = arith.index_cast %get3A_1973 : i32 to index
        %get3A_1975 = arith.constant 96 : index
        %get3A_1976 = tpu.vector_load %arg7[%get3A_1974, %get3A_1975] {strides = array<i32>} : memref<32x128xf32, #tpu.memory_space<vmem>>, vector<16xf32>,
        %add3A_1977 = arith.addf %get3A_1801, %get3A_1976 : vector<16xf32>
        %swap3A_1978 = arith.constant 19 : i32
        %swap3A_1979 = arith.index_cast %swap3A_1978 : i32 to index
        %swap3A_1980 = arith.constant 96 : index
        %swap3A_1981 = tpu.vector_load %arg8[%swap3A_1979, %swap3A_1980] {strides = array<i32>} : memref<32x128xf32, #tpu.memory_space<vmem>>, vector<16xf32>,
        tpu.vector_store %arg8[%swap3A_1979, %swap3A_1980], %add3A_1977 {strides = array<i32>} : memref<32x128xf32, #tpu.memory_space<vmem>>, vector<16xf32>,
        %get3A_1982 = arith.constant 20 : i32
        %get3A_1983 = arith.index_cast %get3A_1982 : i32 to index
        %get3A_1984 = arith.constant 96 : index
        %get3A_1985 = tpu.vector_load %arg7[%get3A_1983, %get3A_1984] {strides = array<i32>} : memref<32x128xf32, #tpu.memory_space<vmem>>, vector<16xf32>,
        %add3A_1986 = arith.addf %get3A_1801, %get3A_1985 : vector<16xf32>
        %swap3A_1987 = arith.constant 20 : i32
        %swap3A_1988 = arith.index_cast %swap3A_1987 : i32 to index
        %swap3A_1989 = arith.constant 96 : index
        %swap3A_1990 = tpu.vector_load %arg8[%swap3A_1988, %swap3A_1989] {strides = array<i32>} : memref<32x128xf32, #tpu.memory_space<vmem>>, vector<16xf32>,
        tpu.vector_store %arg8[%swap3A_1988, %swap3A_1989], %add3A_1986 {strides = array<i32>} : memref<32x128xf32, #tpu.memory_space<vmem>>, vector<16xf32>,
        %get3A_1991 = arith.constant 21 : i32
        %get3A_1992 = arith.index_cast %get3A_1991 : i32 to index
        %get3A_1993 = arith.constant 96 : index
        %get3A_1994 = tpu.vector_load %arg7[%get3A_1992, %get3A_1993] {strides = array<i32>} : memref<32x128xf32, #tpu.memory_space<vmem>>, vector<16xf32>,
        %add3A_1995 = arith.addf %get3A_1801, %get3A_1994 : vector<16xf32>
        %swap3A_1996 = arith.constant 21 : i32
        %swap3A_1997 = arith.index_cast %swap3A_1996 : i32 to index
        %swap3A_1998 = arith.constant 96 : index
        %swap3A_1999 = tpu.vector_load %arg8[%swap3A_1997, %swap3A_1998] {strides = array<i32>} : memref<32x128xf32, #tpu.memory_space<vmem>>, vector<16xf32>,
        tpu.vector_store %arg8[%swap3A_1997, %swap3A_1998], %add3A_1995 {strides = array<i32>} : memref<32x128xf32, #tpu.memory_space<vmem>>, vector<16xf32>,
        %get3A_2000 = arith.constant 22 : i32
        %get3A_2001 = arith.index_cast %get3A_2000 : i32 to index
        %get3A_2002 = arith.constant 96 : index
        %get3A_2003 = tpu.vector_load %arg7[%get3A_2001, %get3A_2002] {strides = array<i32>} : memref<32x128xf32, #tpu.memory_space<vmem>>, vector<16xf32>,
        %add3A_2004 = arith.addf %get3A_1801, %get3A_2003 : vector<16xf32>
        %swap3A_2005 = arith.constant 22 : i32
        %swap3A_2006 = arith.index_cast %swap3A_2005 : i32 to index
        %swap3A_2007 = arith.constant 96 : index
        %swap3A_2008 = tpu.vector_load %arg8[%swap3A_2006, %swap3A_2007] {strides = array<i32>} : memref<32x128xf32, #tpu.memory_space<vmem>>, vector<16xf32>,
        tpu.vector_store %arg8[%swap3A_2006, %swap3A_2007], %add3A_2004 {strides = array<i32>} : memref<32x128xf32, #tpu.memory_space<vmem>>, vector<16xf32>,
        %get3A_2009 = arith.constant 23 : i32
        %get3A_2010 = arith.index_cast %get3A_2009 : i32 to index
        %get3A_2011 = arith.constant 96 : index
        %get3A_2012 = tpu.vector_load %arg7[%get3A_2010, %get3A_2011] {strides = array<i32>} : memref<32x128xf32, #tpu.memory_space<vmem>>, vector<16xf32>,
        %add3A_2013 = arith.addf %get3A_1801, %get3A_2012 : vector<16xf32>
        %swap3A_2014 = arith.constant 23 : i32
        %swap3A_2015 = arith.index_cast %swap3A_2014 : i32 to index
        %swap3A_2016 = arith.constant 96 : index
        %swap3A_2017 = tpu.vector_load %arg8[%swap3A_2015, %swap3A_2016] {strides = array<i32>} : memref<32x128xf32, #tpu.memory_space<vmem>>, vector<16xf32>,
        tpu.vector_store %arg8[%swap3A_2015, %swap3A_2016], %add3A_2013 {strides = array<i32>} : memref<32x128xf32, #tpu.memory_space<vmem>>, vector<16xf32>,
        %get3A_2018 = arith.constant 24 : i32
        %get3A_2019 = arith.index_cast %get3A_2018 : i32 to index
        %get3A_2020 = arith.constant 96 : index
        %get3A_2021 = tpu.vector_load %arg7[%get3A_2019, %get3A_2020] {strides = array<i32>} : memref<32x128xf32, #tpu.memory_space<vmem>>, vector<16xf32>,
        %add3A_2022 = arith.addf %get3A_1801, %get3A_2021 : vector<16xf32>
        %swap3A_2023 = arith.constant 24 : i32
        %swap3A_2024 = arith.index_cast %swap3A_2023 : i32 to index
        %swap3A_2025 = arith.constant 96 : index
        %swap3A_2026 = tpu.vector_load %arg8[%swap3A_2024, %swap3A_2025] {strides = array<i32>} : memref<32x128xf32, #tpu.memory_space<vmem>>, vector<16xf32>,
        tpu.vector_store %arg8[%swap3A_2024, %swap3A_2025], %add3A_2022 {strides = array<i32>} : memref<32x128xf32, #tpu.memory_space<vmem>>, vector<16xf32>,
        %get3A_2027 = arith.constant 25 : i32
        %get3A_2028 = arith.index_cast %get3A_2027 : i32 to index
        %get3A_2029 = arith.constant 96 : index
        %get3A_2030 = tpu.vector_load %arg7[%get3A_2028, %get3A_2029] {strides = array<i32>} : memref<32x128xf32, #tpu.memory_space<vmem>>, vector<16xf32>,
        %add3A_2031 = arith.addf %get3A_1801, %get3A_2030 : vector<16xf32>
        %swap3A_2032 = arith.constant 25 : i32
        %swap3A_2033 = arith.index_cast %swap3A_2032 : i32 to index
        %swap3A_2034 = arith.constant 96 : index
        %swap3A_2035 = tpu.vector_load %arg8[%swap3A_2033, %swap3A_2034] {strides = array<i32>} : memref<32x128xf32, #tpu.memory_space<vmem>>, vector<16xf32>,
        tpu.vector_store %arg8[%swap3A_2033, %swap3A_2034], %add3A_2031 {strides = array<i32>} : memref<32x128xf32, #tpu.memory_space<vmem>>, vector<16xf32>,
        %get3A_2036 = arith.constant 26 : i32
        %get3A_2037 = arith.index_cast %get3A_2036 : i32 to index
        %get3A_2038 = arith.constant 96 : index
        %get3A_2039 = tpu.vector_load %arg7[%get3A_2037, %get3A_2038] {strides = array<i32>} : memref<32x128xf32, #tpu.memory_space<vmem>>, vector<16xf32>,
        %add3A_2040 = arith.addf %get3A_1801, %get3A_2039 : vector<16xf32>
        %swap3A_2041 = arith.constant 26 : i32
        %swap3A_2042 = arith.index_cast %swap3A_2041 : i32 to index
        %swap3A_2043 = arith.constant 96 : index
        %swap3A_2044 = tpu.vector_load %arg8[%swap3A_2042, %swap3A_2043] {strides = array<i32>} : memref<32x128xf32, #tpu.memory_space<vmem>>, vector<16xf32>,
        tpu.vector_store %arg8[%swap3A_2042, %swap3A_2043], %add3A_2040 {strides = array<i32>} : memref<32x128xf32, #tpu.memory_space<vmem>>, vector<16xf32>,
        %get3A_2045 = arith.constant 27 : i32
        %get3A_2046 = arith.index_cast %get3A_2045 : i32 to index
        %get3A_2047 = arith.constant 96 : index
        %get3A_2048 = tpu.vector_load %arg7[%get3A_2046, %get3A_2047] {strides = array<i32>} : memref<32x128xf32, #tpu.memory_space<vmem>>, vector<16xf32>,
        %add3A_2049 = arith.addf %get3A_1801, %get3A_2048 : vector<16xf32>
        %swap3A_2050 = arith.constant 27 : i32
        %swap3A_2051 = arith.index_cast %swap3A_2050 : i32 to index
        %swap3A_2052 = arith.constant 96 : index
        %swap3A_2053 = tpu.vector_load %arg8[%swap3A_2051, %swap3A_2052] {strides = array<i32>} : memref<32x128xf32, #tpu.memory_space<vmem>>, vector<16xf32>,
        tpu.vector_store %arg8[%swap3A_2051, %swap3A_2052], %add3A_2049 {strides = array<i32>} : memref<32x128xf32, #tpu.memory_space<vmem>>, vector<16xf32>,
        %get3A_2054 = arith.constant 28 : i32
        %get3A_2055 = arith.index_cast %get3A_2054 : i32 to index
        %get3A_2056 = arith.constant 96 : index
        %get3A_2057 = tpu.vector_load %arg7[%get3A_2055, %get3A_2056] {strides = array<i32>} : memref<32x128xf32, #tpu.memory_space<vmem>>, vector<16xf32>,
        %add3A_2058 = arith.addf %get3A_1801, %get3A_2057 : vector<16xf32>
        %swap3A_2059 = arith.constant 28 : i32
        %swap3A_2060 = arith.index_cast %swap3A_2059 : i32 to index
        %swap3A_2061 = arith.constant 96 : index
        %swap3A_2062 = tpu.vector_load %arg8[%swap3A_2060, %swap3A_2061] {strides = array<i32>} : memref<32x128xf32, #tpu.memory_space<vmem>>, vector<16xf32>,
        tpu.vector_store %arg8[%swap3A_2060, %swap3A_2061], %add3A_2058 {strides = array<i32>} : memref<32x128xf32, #tpu.memory_space<vmem>>, vector<16xf32>,
        %get3A_2063 = arith.constant 29 : i32
        %get3A_2064 = arith.index_cast %get3A_2063 : i32 to index
        %get3A_2065 = arith.constant 96 : index
        %get3A_2066 = tpu.vector_load %arg7[%get3A_2064, %get3A_2065] {strides = array<i32>} : memref<32x128xf32, #tpu.memory_space<vmem>>, vector<16xf32>,
        %add3A_2067 = arith.addf %get3A_1801, %get3A_2066 : vector<16xf32>
        %swap3A_2068 = arith.constant 29 : i32
        %swap3A_2069 = arith.index_cast %swap3A_2068 : i32 to index
        %swap3A_2070 = arith.constant 96 : index
        %swap3A_2071 = tpu.vector_load %arg8[%swap3A_2069, %swap3A_2070] {strides = array<i32>} : memref<32x128xf32, #tpu.memory_space<vmem>>, vector<16xf32>,
        tpu.vector_store %arg8[%swap3A_2069, %swap3A_2070], %add3A_2067 {strides = array<i32>} : memref<32x128xf32, #tpu.memory_space<vmem>>, vector<16xf32>,
        %get3A_2072 = arith.constant 30 : i32
        %get3A_2073 = arith.index_cast %get3A_2072 : i32 to index
        %get3A_2074 = arith.constant 96 : index
        %get3A_2075 = tpu.vector_load %arg7[%get3A_2073, %get3A_2074] {strides = array<i32>} : memref<32x128xf32, #tpu.memory_space<vmem>>, vector<16xf32>,
        %add3A_2076 = arith.addf %get3A_1801, %get3A_2075 : vector<16xf32>
        %swap3A_2077 = arith.constant 30 : i32
        %swap3A_2078 = arith.index_cast %swap3A_2077 : i32 to index
        %swap3A_2079 = arith.constant 96 : index
        %swap3A_2080 = tpu.vector_load %arg8[%swap3A_2078, %swap3A_2079] {strides = array<i32>} : memref<32x128xf32, #tpu.memory_space<vmem>>, vector<16xf32>,
        tpu.vector_store %arg8[%swap3A_2078, %swap3A_2079], %add3A_2076 {strides = array<i32>} : memref<32x128xf32, #tpu.memory_space<vmem>>, vector<16xf32>,
        %get3A_2081 = arith.constant 31 : i32
        %get3A_2082 = arith.index_cast %get3A_2081 : i32 to index
        %get3A_2083 = arith.constant 96 : index
        %get3A_2084 = tpu.vector_load %arg7[%get3A_2082, %get3A_2083] {strides = array<i32>} : memref<32x128xf32, #tpu.memory_space<vmem>>, vector<16xf32>,
        %add3A_2085 = arith.addf %get3A_1801, %get3A_2084 : vector<16xf32>
        %swap3A_2086 = arith.constant 31 : i32
        %swap3A_2087 = arith.index_cast %swap3A_2086 : i32 to index
        %swap3A_2088 = arith.constant 96 : index
        %swap3A_2089 = tpu.vector_load %arg8[%swap3A_2087, %swap3A_2088] {strides = array<i32>} : memref<32x128xf32, #tpu.memory_space<vmem>>, vector<16xf32>,
        tpu.vector_store %arg8[%swap3A_2087, %swap3A_2088], %add3A_2085 {strides = array<i32>} : memref<32x128xf32, #tpu.memory_space<vmem>>, vector<16xf32>,
        %get3A_2090 = arith.index_cast %scan3A_54 : i32 to index
        %get3A_2091 = arith.constant 112 : index
        %get3A_2092 = tpu.vector_load %arg6[%get3A_2090, %get3A_2091] {strides = array<i32>} : memref<13x128xf32, #tpu.memory_space<vmem>>, vector<16xf32>,
        %get3A_2093 = arith.constant 0 : i32
        %get3A_2094 = arith.index_cast %get3A_2093 : i32 to index
        %get3A_2095 = arith.constant 112 : index
        %get3A_2096 = tpu.vector_load %arg7[%get3A_2094, %get3A_2095] {strides = array<i32>} : memref<32x128xf32, #tpu.memory_space<vmem>>, vector<16xf32>,
        %add3A_2097 = arith.addf %get3A_2092, %get3A_2096 : vector<16xf32>
        %swap3A_2098 = arith.constant 0 : i32
        %swap3A_2099 = arith.index_cast %swap3A_2098 : i32 to index
        %swap3A_2100 = arith.constant 112 : index
        %swap3A_2101 = tpu.vector_load %arg8[%swap3A_2099, %swap3A_2100] {strides = array<i32>} : memref<32x128xf32, #tpu.memory_space<vmem>>, vector<16xf32>,
        tpu.vector_store %arg8[%swap3A_2099, %swap3A_2100], %add3A_2097 {strides = array<i32>} : memref<32x128xf32, #tpu.memory_space<vmem>>, vector<16xf32>,
        %get3A_2102 = arith.constant 1 : i32
        %get3A_2103 = arith.index_cast %get3A_2102 : i32 to index
        %get3A_2104 = arith.constant 112 : index
        %get3A_2105 = tpu.vector_load %arg7[%get3A_2103, %get3A_2104] {strides = array<i32>} : memref<32x128xf32, #tpu.memory_space<vmem>>, vector<16xf32>,
        %add3A_2106 = arith.addf %get3A_2092, %get3A_2105 : vector<16xf32>
        %swap3A_2107 = arith.constant 1 : i32
        %swap3A_2108 = arith.index_cast %swap3A_2107 : i32 to index
        %swap3A_2109 = arith.constant 112 : index
        %swap3A_2110 = tpu.vector_load %arg8[%swap3A_2108, %swap3A_2109] {strides = array<i32>} : memref<32x128xf32, #tpu.memory_space<vmem>>, vector<16xf32>,
        tpu.vector_store %arg8[%swap3A_2108, %swap3A_2109], %add3A_2106 {strides = array<i32>} : memref<32x128xf32, #tpu.memory_space<vmem>>, vector<16xf32>,
        %get3A_2111 = arith.constant 2 : i32
        %get3A_2112 = arith.index_cast %get3A_2111 : i32 to index
        %get3A_2113 = arith.constant 112 : index
        %get3A_2114 = tpu.vector_load %arg7[%get3A_2112, %get3A_2113] {strides = array<i32>} : memref<32x128xf32, #tpu.memory_space<vmem>>, vector<16xf32>,
        %add3A_2115 = arith.addf %get3A_2092, %get3A_2114 : vector<16xf32>
        %swap3A_2116 = arith.constant 2 : i32
        %swap3A_2117 = arith.index_cast %swap3A_2116 : i32 to index
        %swap3A_2118 = arith.constant 112 : index
        %swap3A_2119 = tpu.vector_load %arg8[%swap3A_2117, %swap3A_2118] {strides = array<i32>} : memref<32x128xf32, #tpu.memory_space<vmem>>, vector<16xf32>,
        tpu.vector_store %arg8[%swap3A_2117, %swap3A_2118], %add3A_2115 {strides = array<i32>} : memref<32x128xf32, #tpu.memory_space<vmem>>, vector<16xf32>,
        %get3A_2120 = arith.constant 3 : i32
        %get3A_2121 = arith.index_cast %get3A_2120 : i32 to index
        %get3A_2122 = arith.constant 112 : index
        %get3A_2123 = tpu.vector_load %arg7[%get3A_2121, %get3A_2122] {strides = array<i32>} : memref<32x128xf32, #tpu.memory_space<vmem>>, vector<16xf32>,
        %add3A_2124 = arith.addf %get3A_2092, %get3A_2123 : vector<16xf32>
        %swap3A_2125 = arith.constant 3 : i32
        %swap3A_2126 = arith.index_cast %swap3A_2125 : i32 to index
        %swap3A_2127 = arith.constant 112 : index
        %swap3A_2128 = tpu.vector_load %arg8[%swap3A_2126, %swap3A_2127] {strides = array<i32>} : memref<32x128xf32, #tpu.memory_space<vmem>>, vector<16xf32>,
        tpu.vector_store %arg8[%swap3A_2126, %swap3A_2127], %add3A_2124 {strides = array<i32>} : memref<32x128xf32, #tpu.memory_space<vmem>>, vector<16xf32>,
        %get3A_2129 = arith.constant 4 : i32
        %get3A_2130 = arith.index_cast %get3A_2129 : i32 to index
        %get3A_2131 = arith.constant 112 : index
        %get3A_2132 = tpu.vector_load %arg7[%get3A_2130, %get3A_2131] {strides = array<i32>} : memref<32x128xf32, #tpu.memory_space<vmem>>, vector<16xf32>,
        %add3A_2133 = arith.addf %get3A_2092, %get3A_2132 : vector<16xf32>
        %swap3A_2134 = arith.constant 4 : i32
        %swap3A_2135 = arith.index_cast %swap3A_2134 : i32 to index
        %swap3A_2136 = arith.constant 112 : index
        %swap3A_2137 = tpu.vector_load %arg8[%swap3A_2135, %swap3A_2136] {strides = array<i32>} : memref<32x128xf32, #tpu.memory_space<vmem>>, vector<16xf32>,
        tpu.vector_store %arg8[%swap3A_2135, %swap3A_2136], %add3A_2133 {strides = array<i32>} : memref<32x128xf32, #tpu.memory_space<vmem>>, vector<16xf32>,
        %get3A_2138 = arith.constant 5 : i32
        %get3A_2139 = arith.index_cast %get3A_2138 : i32 to index
        %get3A_2140 = arith.constant 112 : index
        %get3A_2141 = tpu.vector_load %arg7[%get3A_2139, %get3A_2140] {strides = array<i32>} : memref<32x128xf32, #tpu.memory_space<vmem>>, vector<16xf32>,
        %add3A_2142 = arith.addf %get3A_2092, %get3A_2141 : vector<16xf32>
        %swap3A_2143 = arith.constant 5 : i32
        %swap3A_2144 = arith.index_cast %swap3A_2143 : i32 to index
        %swap3A_2145 = arith.constant 112 : index
        %swap3A_2146 = tpu.vector_load %arg8[%swap3A_2144, %swap3A_2145] {strides = array<i32>} : memref<32x128xf32, #tpu.memory_space<vmem>>, vector<16xf32>,
        tpu.vector_store %arg8[%swap3A_2144, %swap3A_2145], %add3A_2142 {strides = array<i32>} : memref<32x128xf32, #tpu.memory_space<vmem>>, vector<16xf32>,
        %get3A_2147 = arith.constant 6 : i32
        %get3A_2148 = arith.index_cast %get3A_2147 : i32 to index
        %get3A_2149 = arith.constant 112 : index
        %get3A_2150 = tpu.vector_load %arg7[%get3A_2148, %get3A_2149] {strides = array<i32>} : memref<32x128xf32, #tpu.memory_space<vmem>>, vector<16xf32>,
        %add3A_2151 = arith.addf %get3A_2092, %get3A_2150 : vector<16xf32>
        %swap3A_2152 = arith.constant 6 : i32
        %swap3A_2153 = arith.index_cast %swap3A_2152 : i32 to index
        %swap3A_2154 = arith.constant 112 : index
        %swap3A_2155 = tpu.vector_load %arg8[%swap3A_2153, %swap3A_2154] {strides = array<i32>} : memref<32x128xf32, #tpu.memory_space<vmem>>, vector<16xf32>,
        tpu.vector_store %arg8[%swap3A_2153, %swap3A_2154], %add3A_2151 {strides = array<i32>} : memref<32x128xf32, #tpu.memory_space<vmem>>, vector<16xf32>,
        %get3A_2156 = arith.constant 7 : i32
        %get3A_2157 = arith.index_cast %get3A_2156 : i32 to index
        %get3A_2158 = arith.constant 112 : index
        %get3A_2159 = tpu.vector_load %arg7[%get3A_2157, %get3A_2158] {strides = array<i32>} : memref<32x128xf32, #tpu.memory_space<vmem>>, vector<16xf32>,
        %add3A_2160 = arith.addf %get3A_2092, %get3A_2159 : vector<16xf32>
        %swap3A_2161 = arith.constant 7 : i32
        %swap3A_2162 = arith.index_cast %swap3A_2161 : i32 to index
        %swap3A_2163 = arith.constant 112 : index
        %swap3A_2164 = tpu.vector_load %arg8[%swap3A_2162, %swap3A_2163] {strides = array<i32>} : memref<32x128xf32, #tpu.memory_space<vmem>>, vector<16xf32>,
        tpu.vector_store %arg8[%swap3A_2162, %swap3A_2163], %add3A_2160 {strides = array<i32>} : memref<32x128xf32, #tpu.memory_space<vmem>>, vector<16xf32>,
        %get3A_2165 = arith.constant 8 : i32
        %get3A_2166 = arith.index_cast %get3A_2165 : i32 to index
        %get3A_2167 = arith.constant 112 : index
        %get3A_2168 = tpu.vector_load %arg7[%get3A_2166, %get3A_2167] {strides = array<i32>} : memref<32x128xf32, #tpu.memory_space<vmem>>, vector<16xf32>,
        %add3A_2169 = arith.addf %get3A_2092, %get3A_2168 : vector<16xf32>
        %swap3A_2170 = arith.constant 8 : i32
        %swap3A_2171 = arith.index_cast %swap3A_2170 : i32 to index
        %swap3A_2172 = arith.constant 112 : index
        %swap3A_2173 = tpu.vector_load %arg8[%swap3A_2171, %swap3A_2172] {strides = array<i32>} : memref<32x128xf32, #tpu.memory_space<vmem>>, vector<16xf32>,
        tpu.vector_store %arg8[%swap3A_2171, %swap3A_2172], %add3A_2169 {strides = array<i32>} : memref<32x128xf32, #tpu.memory_space<vmem>>, vector<16xf32>,
        %get3A_2174 = arith.constant 9 : i32
        %get3A_2175 = arith.index_cast %get3A_2174 : i32 to index
        %get3A_2176 = arith.constant 112 : index
        %get3A_2177 = tpu.vector_load %arg7[%get3A_2175, %get3A_2176] {strides = array<i32>} : memref<32x128xf32, #tpu.memory_space<vmem>>, vector<16xf32>,
        %add3A_2178 = arith.addf %get3A_2092, %get3A_2177 : vector<16xf32>
        %swap3A_2179 = arith.constant 9 : i32
        %swap3A_2180 = arith.index_cast %swap3A_2179 : i32 to index
        %swap3A_2181 = arith.constant 112 : index
        %swap3A_2182 = tpu.vector_load %arg8[%swap3A_2180, %swap3A_2181] {strides = array<i32>} : memref<32x128xf32, #tpu.memory_space<vmem>>, vector<16xf32>,
        tpu.vector_store %arg8[%swap3A_2180, %swap3A_2181], %add3A_2178 {strides = array<i32>} : memref<32x128xf32, #tpu.memory_space<vmem>>, vector<16xf32>,
        %get3A_2183 = arith.constant 10 : i32
        %get3A_2184 = arith.index_cast %get3A_2183 : i32 to index
        %get3A_2185 = arith.constant 112 : index
        %get3A_2186 = tpu.vector_load %arg7[%get3A_2184, %get3A_2185] {strides = array<i32>} : memref<32x128xf32, #tpu.memory_space<vmem>>, vector<16xf32>,
        %add3A_2187 = arith.addf %get3A_2092, %get3A_2186 : vector<16xf32>
        %swap3A_2188 = arith.constant 10 : i32
        %swap3A_2189 = arith.index_cast %swap3A_2188 : i32 to index
        %swap3A_2190 = arith.constant 112 : index
        %swap3A_2191 = tpu.vector_load %arg8[%swap3A_2189, %swap3A_2190] {strides = array<i32>} : memref<32x128xf32, #tpu.memory_space<vmem>>, vector<16xf32>,
        tpu.vector_store %arg8[%swap3A_2189, %swap3A_2190], %add3A_2187 {strides = array<i32>} : memref<32x128xf32, #tpu.memory_space<vmem>>, vector<16xf32>,
        %get3A_2192 = arith.constant 11 : i32
        %get3A_2193 = arith.index_cast %get3A_2192 : i32 to index
        %get3A_2194 = arith.constant 112 : index
        %get3A_2195 = tpu.vector_load %arg7[%get3A_2193, %get3A_2194] {strides = array<i32>} : memref<32x128xf32, #tpu.memory_space<vmem>>, vector<16xf32>,
        %add3A_2196 = arith.addf %get3A_2092, %get3A_2195 : vector<16xf32>
        %swap3A_2197 = arith.constant 11 : i32
        %swap3A_2198 = arith.index_cast %swap3A_2197 : i32 to index
        %swap3A_2199 = arith.constant 112 : index
        %swap3A_2200 = tpu.vector_load %arg8[%swap3A_2198, %swap3A_2199] {strides = array<i32>} : memref<32x128xf32, #tpu.memory_space<vmem>>, vector<16xf32>,
        tpu.vector_store %arg8[%swap3A_2198, %swap3A_2199], %add3A_2196 {strides = array<i32>} : memref<32x128xf32, #tpu.memory_space<vmem>>, vector<16xf32>,
        %get3A_2201 = arith.constant 12 : i32
        %get3A_2202 = arith.index_cast %get3A_2201 : i32 to index
        %get3A_2203 = arith.constant 112 : index
        %get3A_2204 = tpu.vector_load %arg7[%get3A_2202, %get3A_2203] {strides = array<i32>} : memref<32x128xf32, #tpu.memory_space<vmem>>, vector<16xf32>,
        %add3A_2205 = arith.addf %get3A_2092, %get3A_2204 : vector<16xf32>
        %swap3A_2206 = arith.constant 12 : i32
        %swap3A_2207 = arith.index_cast %swap3A_2206 : i32 to index
        %swap3A_2208 = arith.constant 112 : index
        %swap3A_2209 = tpu.vector_load %arg8[%swap3A_2207, %swap3A_2208] {strides = array<i32>} : memref<32x128xf32, #tpu.memory_space<vmem>>, vector<16xf32>,
        tpu.vector_store %arg8[%swap3A_2207, %swap3A_2208], %add3A_2205 {strides = array<i32>} : memref<32x128xf32, #tpu.memory_space<vmem>>, vector<16xf32>,
        %get3A_2210 = arith.constant 13 : i32
        %get3A_2211 = arith.index_cast %get3A_2210 : i32 to index
        %get3A_2212 = arith.constant 112 : index
        %get3A_2213 = tpu.vector_load %arg7[%get3A_2211, %get3A_2212] {strides = array<i32>} : memref<32x128xf32, #tpu.memory_space<vmem>>, vector<16xf32>,
        %add3A_2214 = arith.addf %get3A_2092, %get3A_2213 : vector<16xf32>
        %swap3A_2215 = arith.constant 13 : i32
        %swap3A_2216 = arith.index_cast %swap3A_2215 : i32 to index
        %swap3A_2217 = arith.constant 112 : index
        %swap3A_2218 = tpu.vector_load %arg8[%swap3A_2216, %swap3A_2217] {strides = array<i32>} : memref<32x128xf32, #tpu.memory_space<vmem>>, vector<16xf32>,
        tpu.vector_store %arg8[%swap3A_2216, %swap3A_2217], %add3A_2214 {strides = array<i32>} : memref<32x128xf32, #tpu.memory_space<vmem>>, vector<16xf32>,
        %get3A_2219 = arith.constant 14 : i32
        %get3A_2220 = arith.index_cast %get3A_2219 : i32 to index
        %get3A_2221 = arith.constant 112 : index
        %get3A_2222 = tpu.vector_load %arg7[%get3A_2220, %get3A_2221] {strides = array<i32>} : memref<32x128xf32, #tpu.memory_space<vmem>>, vector<16xf32>,
        %add3A_2223 = arith.addf %get3A_2092, %get3A_2222 : vector<16xf32>
        %swap3A_2224 = arith.constant 14 : i32
        %swap3A_2225 = arith.index_cast %swap3A_2224 : i32 to index
        %swap3A_2226 = arith.constant 112 : index
        %swap3A_2227 = tpu.vector_load %arg8[%swap3A_2225, %swap3A_2226] {strides = array<i32>} : memref<32x128xf32, #tpu.memory_space<vmem>>, vector<16xf32>,
        tpu.vector_store %arg8[%swap3A_2225, %swap3A_2226], %add3A_2223 {strides = array<i32>} : memref<32x128xf32, #tpu.memory_space<vmem>>, vector<16xf32>,
        %get3A_2228 = arith.constant 15 : i32
        %get3A_2229 = arith.index_cast %get3A_2228 : i32 to index
        %get3A_2230 = arith.constant 112 : index
        %get3A_2231 = tpu.vector_load %arg7[%get3A_2229, %get3A_2230] {strides = array<i32>} : memref<32x128xf32, #tpu.memory_space<vmem>>, vector<16xf32>,
        %add3A_2232 = arith.addf %get3A_2092, %get3A_2231 : vector<16xf32>
        %swap3A_2233 = arith.constant 15 : i32
        %swap3A_2234 = arith.index_cast %swap3A_2233 : i32 to index
        %swap3A_2235 = arith.constant 112 : index
        %swap3A_2236 = tpu.vector_load %arg8[%swap3A_2234, %swap3A_2235] {strides = array<i32>} : memref<32x128xf32, #tpu.memory_space<vmem>>, vector<16xf32>,
        tpu.vector_store %arg8[%swap3A_2234, %swap3A_2235], %add3A_2232 {strides = array<i32>} : memref<32x128xf32, #tpu.memory_space<vmem>>, vector<16xf32>,
        %get3A_2237 = arith.constant 16 : i32
        %get3A_2238 = arith.index_cast %get3A_2237 : i32 to index
        %get3A_2239 = arith.constant 112 : index
        %get3A_2240 = tpu.vector_load %arg7[%get3A_2238, %get3A_2239] {strides = array<i32>} : memref<32x128xf32, #tpu.memory_space<vmem>>, vector<16xf32>,
        %add3A_2241 = arith.addf %get3A_2092, %get3A_2240 : vector<16xf32>
        %swap3A_2242 = arith.constant 16 : i32
        %swap3A_2243 = arith.index_cast %swap3A_2242 : i32 to index
        %swap3A_2244 = arith.constant 112 : index
        %swap3A_2245 = tpu.vector_load %arg8[%swap3A_2243, %swap3A_2244] {strides = array<i32>} : memref<32x128xf32, #tpu.memory_space<vmem>>, vector<16xf32>,
        tpu.vector_store %arg8[%swap3A_2243, %swap3A_2244], %add3A_2241 {strides = array<i32>} : memref<32x128xf32, #tpu.memory_space<vmem>>, vector<16xf32>,
        %get3A_2246 = arith.constant 17 : i32
        %get3A_2247 = arith.index_cast %get3A_2246 : i32 to index
        %get3A_2248 = arith.constant 112 : index
        %get3A_2249 = tpu.vector_load %arg7[%get3A_2247, %get3A_2248] {strides = array<i32>} : memref<32x128xf32, #tpu.memory_space<vmem>>, vector<16xf32>,
        %add3A_2250 = arith.addf %get3A_2092, %get3A_2249 : vector<16xf32>
        %swap3A_2251 = arith.constant 17 : i32
        %swap3A_2252 = arith.index_cast %swap3A_2251 : i32 to index
        %swap3A_2253 = arith.constant 112 : index
        %swap3A_2254 = tpu.vector_load %arg8[%swap3A_2252, %swap3A_2253] {strides = array<i32>} : memref<32x128xf32, #tpu.memory_space<vmem>>, vector<16xf32>,
        tpu.vector_store %arg8[%swap3A_2252, %swap3A_2253], %add3A_2250 {strides = array<i32>} : memref<32x128xf32, #tpu.memory_space<vmem>>, vector<16xf32>,
        %get3A_2255 = arith.constant 18 : i32
        %get3A_2256 = arith.index_cast %get3A_2255 : i32 to index
        %get3A_2257 = arith.constant 112 : index
        %get3A_2258 = tpu.vector_load %arg7[%get3A_2256, %get3A_2257] {strides = array<i32>} : memref<32x128xf32, #tpu.memory_space<vmem>>, vector<16xf32>,
        %add3A_2259 = arith.addf %get3A_2092, %get3A_2258 : vector<16xf32>
        %swap3A_2260 = arith.constant 18 : i32
        %swap3A_2261 = arith.index_cast %swap3A_2260 : i32 to index
        %swap3A_2262 = arith.constant 112 : index
        %swap3A_2263 = tpu.vector_load %arg8[%swap3A_2261, %swap3A_2262] {strides = array<i32>} : memref<32x128xf32, #tpu.memory_space<vmem>>, vector<16xf32>,
        tpu.vector_store %arg8[%swap3A_2261, %swap3A_2262], %add3A_2259 {strides = array<i32>} : memref<32x128xf32, #tpu.memory_space<vmem>>, vector<16xf32>,
        %get3A_2264 = arith.constant 19 : i32
        %get3A_2265 = arith.index_cast %get3A_2264 : i32 to index
        %get3A_2266 = arith.constant 112 : index
        %get3A_2267 = tpu.vector_load %arg7[%get3A_2265, %get3A_2266] {strides = array<i32>} : memref<32x128xf32, #tpu.memory_space<vmem>>, vector<16xf32>,
        %add3A_2268 = arith.addf %get3A_2092, %get3A_2267 : vector<16xf32>
        %swap3A_2269 = arith.constant 19 : i32
        %swap3A_2270 = arith.index_cast %swap3A_2269 : i32 to index
        %swap3A_2271 = arith.constant 112 : index
        %swap3A_2272 = tpu.vector_load %arg8[%swap3A_2270, %swap3A_2271] {strides = array<i32>} : memref<32x128xf32, #tpu.memory_space<vmem>>, vector<16xf32>,
        tpu.vector_store %arg8[%swap3A_2270, %swap3A_2271], %add3A_2268 {strides = array<i32>} : memref<32x128xf32, #tpu.memory_space<vmem>>, vector<16xf32>,
        %get3A_2273 = arith.constant 20 : i32
        %get3A_2274 = arith.index_cast %get3A_2273 : i32 to index
        %get3A_2275 = arith.constant 112 : index
        %get3A_2276 = tpu.vector_load %arg7[%get3A_2274, %get3A_2275] {strides = array<i32>} : memref<32x128xf32, #tpu.memory_space<vmem>>, vector<16xf32>,
        %add3A_2277 = arith.addf %get3A_2092, %get3A_2276 : vector<16xf32>
        %swap3A_2278 = arith.constant 20 : i32
        %swap3A_2279 = arith.index_cast %swap3A_2278 : i32 to index
        %swap3A_2280 = arith.constant 112 : index
        %swap3A_2281 = tpu.vector_load %arg8[%swap3A_2279, %swap3A_2280] {strides = array<i32>} : memref<32x128xf32, #tpu.memory_space<vmem>>, vector<16xf32>,
        tpu.vector_store %arg8[%swap3A_2279, %swap3A_2280], %add3A_2277 {strides = array<i32>} : memref<32x128xf32, #tpu.memory_space<vmem>>, vector<16xf32>,
        %get3A_2282 = arith.constant 21 : i32
        %get3A_2283 = arith.index_cast %get3A_2282 : i32 to index
        %get3A_2284 = arith.constant 112 : index
        %get3A_2285 = tpu.vector_load %arg7[%get3A_2283, %get3A_2284] {strides = array<i32>} : memref<32x128xf32, #tpu.memory_space<vmem>>, vector<16xf32>,
        %add3A_2286 = arith.addf %get3A_2092, %get3A_2285 : vector<16xf32>
        %swap3A_2287 = arith.constant 21 : i32
        %swap3A_2288 = arith.index_cast %swap3A_2287 : i32 to index
        %swap3A_2289 = arith.constant 112 : index
        %swap3A_2290 = tpu.vector_load %arg8[%swap3A_2288, %swap3A_2289] {strides = array<i32>} : memref<32x128xf32, #tpu.memory_space<vmem>>, vector<16xf32>,
        tpu.vector_store %arg8[%swap3A_2288, %swap3A_2289], %add3A_2286 {strides = array<i32>} : memref<32x128xf32, #tpu.memory_space<vmem>>, vector<16xf32>,
        %get3A_2291 = arith.constant 22 : i32
        %get3A_2292 = arith.index_cast %get3A_2291 : i32 to index
        %get3A_2293 = arith.constant 112 : index
        %get3A_2294 = tpu.vector_load %arg7[%get3A_2292, %get3A_2293] {strides = array<i32>} : memref<32x128xf32, #tpu.memory_space<vmem>>, vector<16xf32>,
        %add3A_2295 = arith.addf %get3A_2092, %get3A_2294 : vector<16xf32>
        %swap3A_2296 = arith.constant 22 : i32
        %swap3A_2297 = arith.index_cast %swap3A_2296 : i32 to index
        %swap3A_2298 = arith.constant 112 : index
        %swap3A_2299 = tpu.vector_load %arg8[%swap3A_2297, %swap3A_2298] {strides = array<i32>} : memref<32x128xf32, #tpu.memory_space<vmem>>, vector<16xf32>,
        tpu.vector_store %arg8[%swap3A_2297, %swap3A_2298], %add3A_2295 {strides = array<i32>} : memref<32x128xf32, #tpu.memory_space<vmem>>, vector<16xf32>,
        %get3A_2300 = arith.constant 23 : i32
        %get3A_2301 = arith.index_cast %get3A_2300 : i32 to index
        %get3A_2302 = arith.constant 112 : index
        %get3A_2303 = tpu.vector_load %arg7[%get3A_2301, %get3A_2302] {strides = array<i32>} : memref<32x128xf32, #tpu.memory_space<vmem>>, vector<16xf32>,
        %add3A_2304 = arith.addf %get3A_2092, %get3A_2303 : vector<16xf32>
        %swap3A_2305 = arith.constant 23 : i32
        %swap3A_2306 = arith.index_cast %swap3A_2305 : i32 to index
        %swap3A_2307 = arith.constant 112 : index
        %swap3A_2308 = tpu.vector_load %arg8[%swap3A_2306, %swap3A_2307] {strides = array<i32>} : memref<32x128xf32, #tpu.memory_space<vmem>>, vector<16xf32>,
        tpu.vector_store %arg8[%swap3A_2306, %swap3A_2307], %add3A_2304 {strides = array<i32>} : memref<32x128xf32, #tpu.memory_space<vmem>>, vector<16xf32>,
        %get3A_2309 = arith.constant 24 : i32
        %get3A_2310 = arith.index_cast %get3A_2309 : i32 to index
        %get3A_2311 = arith.constant 112 : index
        %get3A_2312 = tpu.vector_load %arg7[%get3A_2310, %get3A_2311] {strides = array<i32>} : memref<32x128xf32, #tpu.memory_space<vmem>>, vector<16xf32>,
        %add3A_2313 = arith.addf %get3A_2092, %get3A_2312 : vector<16xf32>
        %swap3A_2314 = arith.constant 24 : i32
        %swap3A_2315 = arith.index_cast %swap3A_2314 : i32 to index
        %swap3A_2316 = arith.constant 112 : index
        %swap3A_2317 = tpu.vector_load %arg8[%swap3A_2315, %swap3A_2316] {strides = array<i32>} : memref<32x128xf32, #tpu.memory_space<vmem>>, vector<16xf32>,
        tpu.vector_store %arg8[%swap3A_2315, %swap3A_2316], %add3A_2313 {strides = array<i32>} : memref<32x128xf32, #tpu.memory_space<vmem>>, vector<16xf32>,
        %get3A_2318 = arith.constant 25 : i32
        %get3A_2319 = arith.index_cast %get3A_2318 : i32 to index
        %get3A_2320 = arith.constant 112 : index
        %get3A_2321 = tpu.vector_load %arg7[%get3A_2319, %get3A_2320] {strides = array<i32>} : memref<32x128xf32, #tpu.memory_space<vmem>>, vector<16xf32>,
        %add3A_2322 = arith.addf %get3A_2092, %get3A_2321 : vector<16xf32>
        %swap3A_2323 = arith.constant 25 : i32
        %swap3A_2324 = arith.index_cast %swap3A_2323 : i32 to index
        %swap3A_2325 = arith.constant 112 : index
        %swap3A_2326 = tpu.vector_load %arg8[%swap3A_2324, %swap3A_2325] {strides = array<i32>} : memref<32x128xf32, #tpu.memory_space<vmem>>, vector<16xf32>,
        tpu.vector_store %arg8[%swap3A_2324, %swap3A_2325], %add3A_2322 {strides = array<i32>} : memref<32x128xf32, #tpu.memory_space<vmem>>, vector<16xf32>,
        %get3A_2327 = arith.constant 26 : i32
        %get3A_2328 = arith.index_cast %get3A_2327 : i32 to index
        %get3A_2329 = arith.constant 112 : index
        %get3A_2330 = tpu.vector_load %arg7[%get3A_2328, %get3A_2329] {strides = array<i32>} : memref<32x128xf32, #tpu.memory_space<vmem>>, vector<16xf32>,
        %add3A_2331 = arith.addf %get3A_2092, %get3A_2330 : vector<16xf32>
        %swap3A_2332 = arith.constant 26 : i32
        %swap3A_2333 = arith.index_cast %swap3A_2332 : i32 to index
        %swap3A_2334 = arith.constant 112 : index
        %swap3A_2335 = tpu.vector_load %arg8[%swap3A_2333, %swap3A_2334] {strides = array<i32>} : memref<32x128xf32, #tpu.memory_space<vmem>>, vector<16xf32>,
        tpu.vector_store %arg8[%swap3A_2333, %swap3A_2334], %add3A_2331 {strides = array<i32>} : memref<32x128xf32, #tpu.memory_space<vmem>>, vector<16xf32>,
        %get3A_2336 = arith.constant 27 : i32
        %get3A_2337 = arith.index_cast %get3A_2336 : i32 to index
        %get3A_2338 = arith.constant 112 : index
        %get3A_2339 = tpu.vector_load %arg7[%get3A_2337, %get3A_2338] {strides = array<i32>} : memref<32x128xf32, #tpu.memory_space<vmem>>, vector<16xf32>,
        %add3A_2340 = arith.addf %get3A_2092, %get3A_2339 : vector<16xf32>
        %swap3A_2341 = arith.constant 27 : i32
        %swap3A_2342 = arith.index_cast %swap3A_2341 : i32 to index
        %swap3A_2343 = arith.constant 112 : index
        %swap3A_2344 = tpu.vector_load %arg8[%swap3A_2342, %swap3A_2343] {strides = array<i32>} : memref<32x128xf32, #tpu.memory_space<vmem>>, vector<16xf32>,
        tpu.vector_store %arg8[%swap3A_2342, %swap3A_2343], %add3A_2340 {strides = array<i32>} : memref<32x128xf32, #tpu.memory_space<vmem>>, vector<16xf32>,
        %get3A_2345 = arith.constant 28 : i32
        %get3A_2346 = arith.index_cast %get3A_2345 : i32 to index
        %get3A_2347 = arith.constant 112 : index
        %get3A_2348 = tpu.vector_load %arg7[%get3A_2346, %get3A_2347] {strides = array<i32>} : memref<32x128xf32, #tpu.memory_space<vmem>>, vector<16xf32>,
        %add3A_2349 = arith.addf %get3A_2092, %get3A_2348 : vector<16xf32>
        %swap3A_2350 = arith.constant 28 : i32
        %swap3A_2351 = arith.index_cast %swap3A_2350 : i32 to index
        %swap3A_2352 = arith.constant 112 : index
        %swap3A_2353 = tpu.vector_load %arg8[%swap3A_2351, %swap3A_2352] {strides = array<i32>} : memref<32x128xf32, #tpu.memory_space<vmem>>, vector<16xf32>,
        tpu.vector_store %arg8[%swap3A_2351, %swap3A_2352], %add3A_2349 {strides = array<i32>} : memref<32x128xf32, #tpu.memory_space<vmem>>, vector<16xf32>,
        %get3A_2354 = arith.constant 29 : i32
        %get3A_2355 = arith.index_cast %get3A_2354 : i32 to index
        %get3A_2356 = arith.constant 112 : index
        %get3A_2357 = tpu.vector_load %arg7[%get3A_2355, %get3A_2356] {strides = array<i32>} : memref<32x128xf32, #tpu.memory_space<vmem>>, vector<16xf32>,
        %add3A_2358 = arith.addf %get3A_2092, %get3A_2357 : vector<16xf32>
        %swap3A_2359 = arith.constant 29 : i32
        %swap3A_2360 = arith.index_cast %swap3A_2359 : i32 to index
        %swap3A_2361 = arith.constant 112 : index
        %swap3A_2362 = tpu.vector_load %arg8[%swap3A_2360, %swap3A_2361] {strides = array<i32>} : memref<32x128xf32, #tpu.memory_space<vmem>>, vector<16xf32>,
        tpu.vector_store %arg8[%swap3A_2360, %swap3A_2361], %add3A_2358 {strides = array<i32>} : memref<32x128xf32, #tpu.memory_space<vmem>>, vector<16xf32>,
        %get3A_2363 = arith.constant 30 : i32
        %get3A_2364 = arith.index_cast %get3A_2363 : i32 to index
        %get3A_2365 = arith.constant 112 : index
        %get3A_2366 = tpu.vector_load %arg7[%get3A_2364, %get3A_2365] {strides = array<i32>} : memref<32x128xf32, #tpu.memory_space<vmem>>, vector<16xf32>,
        %add3A_2367 = arith.addf %get3A_2092, %get3A_2366 : vector<16xf32>
        %swap3A_2368 = arith.constant 30 : i32
        %swap3A_2369 = arith.index_cast %swap3A_2368 : i32 to index
        %swap3A_2370 = arith.constant 112 : index
        %swap3A_2371 = tpu.vector_load %arg8[%swap3A_2369, %swap3A_2370] {strides = array<i32>} : memref<32x128xf32, #tpu.memory_space<vmem>>, vector<16xf32>,
        tpu.vector_store %arg8[%swap3A_2369, %swap3A_2370], %add3A_2367 {strides = array<i32>} : memref<32x128xf32, #tpu.memory_space<vmem>>, vector<16xf32>,
        %get3A_2372 = arith.constant 31 : i32
        %get3A_2373 = arith.index_cast %get3A_2372 : i32 to index
        %get3A_2374 = arith.constant 112 : index
        %get3A_2375 = tpu.vector_load %arg7[%get3A_2373, %get3A_2374] {strides = array<i32>} : memref<32x128xf32, #tpu.memory_space<vmem>>, vector<16xf32>,
        %add3A_2376 = arith.addf %get3A_2092, %get3A_2375 : vector<16xf32>
        %swap3A_2377 = arith.constant 31 : i32
        %swap3A_2378 = arith.index_cast %swap3A_2377 : i32 to index
        %swap3A_2379 = arith.constant 112 : index
        %swap3A_2380 = tpu.vector_load %arg8[%swap3A_2378, %swap3A_2379] {strides = array<i32>} : memref<32x128xf32, #tpu.memory_space<vmem>>, vector<16xf32>,
        tpu.vector_store %arg8[%swap3A_2378, %swap3A_2379], %add3A_2376 {strides = array<i32>} : memref<32x128xf32, #tpu.memory_space<vmem>>, vector<16xf32>,
        %mul3A_2381 = arith.constant 32 : i32
        %mul3A_2382 = arith.muli %scan3A_54, %mul3A_2381 : i32
        "tpu.region"() ({
          %run_scoped3A = tpu.sem_alloc : memref<!tpu.dma_semaphore, #tpu.memory_space<semaphore_mem>>
          %dma_start3A_2383 = arith.constant 0 : i32
          %dma_start3A_2384 = tpu.memref_slice %arg9[%mul3A_2382, %dma_start3A_2383] : memref<416x128xf32, #tpu.memory_space<vmem_shared>> -> memref<32x128xf32, #tpu.memory_space<vmem_shared>>
          %dma_start3A_2385 = arith.constant 0 : i32
          %dma_start3A_2386 = tpu.memref_slice %arg9[%mul3A_2382, %dma_start3A_2385] : memref<416x128xf32, #tpu.memory_space<vmem_shared>> -> memref<32x128xf32, #tpu.memory_space<vmem_shared>>
          tpu.enqueue_dma source(%arg8 : memref<32x128xf32, #tpu.memory_space<vmem>>) target(%dma_start3A_2386 : memref<32x128xf32, #tpu.memory_space<vmem_shared>>) target_semaphore(%run_scoped3A : memref<!tpu.dma_semaphore, #tpu.memory_space<semaphore_mem>>)
          %dma_wait3A_2387 = arith.constant 0 : i32
          %dma_wait3A_2388 = tpu.memref_slice %arg9[%mul3A_2382, %dma_wait3A_2387] : memref<416x128xf32, #tpu.memory_space<vmem_shared>> -> memref<32x128xf32, #tpu.memory_space<vmem_shared>>
          %dma_wait3A_2389 = arith.constant 0 : i32
          %dma_wait3A_2390 = tpu.memref_slice %arg9[%mul3A_2382, %dma_wait3A_2389] : memref<416x128xf32, #tpu.memory_space<vmem_shared>> -> memref<32x128xf32, #tpu.memory_space<vmem_shared>>
          tpu.wait_dma2 semaphore(%run_scoped3A : memref<!tpu.dma_semaphore, #tpu.memory_space<semaphore_mem>>) src(%arg8 : memref<32x128xf32, #tpu.memory_space<vmem>>) dst(%dma_wait3A_2390 : memref<32x128xf32, #tpu.memory_space<vmem_shared>>)
          tpu.yield
        }) : () -> ()
      }
      %scan3A_53 = arith.constant 13 : i32
    } else {
    }
    %barrier3A = arith.constant 0 : index
    tpu.barrier barrier_id(%barrier3A)
    %iota3A = tpu.iota {dimensions = array<i32: 0>} : vector<16xi32>
    %scan3A = arith.constant 0 : i32
    %scan3A_5 = arith.constant 0 : i32
    %scan3A_6 = arith.constant 4 : i32
    %scan3A_7 = arith.addi %scan3A_5, %scan3A_6 : i32
    %scan3A_8 = arith.constant 1 : i32
    scf.for %scan3A_48 = %scan3A_5 to %scan3A_7 step %scan3A_8  : i32 {
      %mul3A_49 = arith.constant 6400 : i32
      %mul3A_50 = arith.muli %scan3A_48, %mul3A_49 : i32
      %add3A_51 = arith.addi %mul3A_2, %mul3A_50 : i32
      %mul3A_52 = arith.constant 3 : i32
      %mul3A_53 = arith.muli %add3A_51, %mul3A_52 : i32
      "tpu.region"() ({
        %run_scoped3A = tpu.sem_alloc : memref<!tpu.dma_semaphore, #tpu.memory_space<semaphore_mem>>
        %dma_start3A_59 = tpu.memref_slice %arg2[%mul3A_53] : memref<2457600xi32, #tpu.memory_space<hbm>> -> memref<19200xi32, #tpu.memory_space<hbm>>
        %dma_start3A_60 = tpu.memref_slice %arg2[%mul3A_53] : memref<2457600xi32, #tpu.memory_space<hbm>> -> memref<19200xi32, #tpu.memory_space<hbm>>
        tpu.enqueue_dma source(%dma_start3A_60 : memref<19200xi32, #tpu.memory_space<hbm>>) target(%arg10 : memref<19200xi32, #tpu.memory_space<vmem>>) target_semaphore(%run_scoped3A : memref<!tpu.dma_semaphore, #tpu.memory_space<semaphore_mem>>)
        %dma_wait3A_61 = tpu.memref_slice %arg2[%mul3A_53] : memref<2457600xi32, #tpu.memory_space<hbm>> -> memref<19200xi32, #tpu.memory_space<hbm>>
        %dma_wait3A_62 = tpu.memref_slice %arg2[%mul3A_53] : memref<2457600xi32, #tpu.memory_space<hbm>> -> memref<19200xi32, #tpu.memory_space<hbm>>
        tpu.wait_dma2 semaphore(%run_scoped3A : memref<!tpu.dma_semaphore, #tpu.memory_space<semaphore_mem>>) src(%dma_wait3A_62 : memref<19200xi32, #tpu.memory_space<hbm>>) dst(%arg10 : memref<19200xi32, #tpu.memory_space<vmem>>)
        tpu.yield
      }) : () -> ()
      %scan3A_54 = arith.constant 0 : i32
      %scan3A_55 = arith.constant 400 : i32
      %scan3A_56 = arith.addi %scan3A_54, %scan3A_55 : i32
      %scan3A_57 = arith.constant 1 : i32
      scf.for %scan3A_59 = %scan3A_54 to %scan3A_56 step %scan3A_57  : i32 {
        %mul3A_60 = arith.constant 3 : i32
        %mul3A_61 = vector.broadcast %mul3A_60 : i32 to vector<16xi32>
        %mul3A_62 = arith.muli %iota3A, %mul3A_61 : vector<16xi32>
        %mul3A_63 = arith.constant 48 : i32
        %mul3A_64 = arith.muli %scan3A_59, %mul3A_63 : i32
        %add3A_65 = vector.broadcast %mul3A_64 : i32 to vector<16xi32>
        %add3A_66 = arith.addi %mul3A_62, %add3A_65 : vector<16xi32>
        %gather3A = tpu.vector_load_idx %arg10[%add3A_66] : memref<19200xi32, #tpu.memory_space<vmem>>[vector<16xi32>], vector<16xi32>,
        %add3A_67 = arith.constant 1 : i32
        %add3A_68 = vector.broadcast %add3A_67 : i32 to vector<16xi32>
        %add3A_69 = arith.addi %add3A_66, %add3A_68 : vector<16xi32>
        %gather3A_70 = tpu.vector_load_idx %arg10[%add3A_69] : memref<19200xi32, #tpu.memory_space<vmem>>[vector<16xi32>], vector<16xi32>,
        %mul3A_71 = arith.constant 32 : i32
        %mul3A_72 = vector.broadcast %mul3A_71 : i32 to vector<16xi32>
        %mul3A_73 = arith.muli %gather3A, %mul3A_72 : vector<16xi32>
        %add3A_74 = arith.addi %mul3A_73, %gather3A_70 : vector<16xi32>
        %mul3A_75 = arith.constant 6400 : i32
        %mul3A_76 = arith.muli %scan3A_48, %mul3A_75 : i32
        %mul3A_77 = arith.constant 16 : i32
        %mul3A_78 = arith.muli %scan3A_59, %mul3A_77 : i32
        %add3A_79 = arith.addi %mul3A_76, %mul3A_78 : i32
        %swap3A = arith.index_cast %add3A_79 : i32 to index
        %swap3A_80 = tpu.vector_load %arg11[%swap3A] {strides = array<i32>} : memref<25600xi32, #tpu.memory_space<vmem>>, vector<16xi32>,
        tpu.vector_store %arg11[%swap3A], %add3A_74 {strides = array<i32>} : memref<25600xi32, #tpu.memory_space<vmem>>, vector<16xi32>,
      }
      %scan3A_58 = arith.constant 400 : i32
    }
    %scan3A_9 = arith.constant 4 : i32
    %dma_start3A = arith.constant 0 : i32
    %dma_start3A_10 = tpu.memref_slice %arg11[%dma_start3A] : memref<25600xi32, #tpu.memory_space<vmem>> -> memref<128xi32, #tpu.memory_space<vmem>>
    %dma_start3A_11 = arith.constant 0 : i32
    %dma_start3A_12 = arith.constant 0 : i32
    %dma_start3A_13 = tpu.memref_slice %arg9[%dma_start3A_11, %dma_start3A_12] : memref<416x128xf32, #tpu.memory_space<vmem_shared>> -> memref<416x128xf32, #tpu.memory_space<vmem_shared>>
    tpu.enqueue_indirect_dma source(%dma_start3A_13 : memref<416x128xf32, #tpu.memory_space<vmem_shared>>) target(%arg12 : memref<128x128xf32, #tpu.memory_space<vmem>>) offsets(%dma_start3A_10 : memref<128xi32, #tpu.memory_space<vmem>>) semaphore(%arg16 : memref<!tpu.dma_semaphore, #tpu.memory_space<semaphore_mem>>)
    %dma_start3A_14 = arith.constant 128 : i32
    %dma_start3A_15 = tpu.memref_slice %arg11[%dma_start3A_14] : memref<25600xi32, #tpu.memory_space<vmem>> -> memref<128xi32, #tpu.memory_space<vmem>>
    %dma_start3A_16 = arith.constant 0 : i32
    %dma_start3A_17 = arith.constant 0 : i32
    %dma_start3A_18 = tpu.memref_slice %arg9[%dma_start3A_16, %dma_start3A_17] : memref<416x128xf32, #tpu.memory_space<vmem_shared>> -> memref<416x128xf32, #tpu.memory_space<vmem_shared>>
    tpu.enqueue_indirect_dma source(%dma_start3A_18 : memref<416x128xf32, #tpu.memory_space<vmem_shared>>) target(%arg13 : memref<128x128xf32, #tpu.memory_space<vmem>>) offsets(%dma_start3A_15 : memref<128xi32, #tpu.memory_space<vmem>>) semaphore(%arg17 : memref<!tpu.dma_semaphore, #tpu.memory_space<semaphore_mem>>)
    %scan3A_19 = arith.constant 0 : i32
    %scan3A_20 = arith.constant 0 : i32
    %scan3A_21 = arith.constant 50 : i32
    %scan3A_22 = arith.addi %scan3A_20, %scan3A_21 : i32
    %scan3A_23 = arith.constant 1 : i32
    scf.for %scan3A_48 = %scan3A_20 to %scan3A_22 step %scan3A_23  : i32 {
      %mul3A_49 = arith.constant 4 : i32
      %mul3A_50 = arith.muli %scan3A_48, %mul3A_49 : i32
      %add3A_51 = arith.constant 0 : i32
      %add3A_52 = arith.addi %mul3A_50, %add3A_51 : i32
      %mul3A_53 = arith.constant 128 : i32
      %mul3A_54 = arith.muli %add3A_52, %mul3A_53 : i32
      %dma_wait3A_55 = tpu.memref_slice %arg11[%mul3A_54] : memref<25600xi32, #tpu.memory_space<vmem>> -> memref<128xi32, #tpu.memory_space<vmem>>
      %dma_wait3A_56 = arith.constant 0 : i32
      %dma_wait3A_57 = arith.constant 0 : i32
      %dma_wait3A_58 = tpu.memref_slice %arg9[%dma_wait3A_56, %dma_wait3A_57] : memref<416x128xf32, #tpu.memory_space<vmem_shared>> -> memref<416x128xf32, #tpu.memory_space<vmem_shared>>
      tpu.wait_indirect_dma semaphore(%arg16 : memref<!tpu.dma_semaphore, #tpu.memory_space<semaphore_mem>>) src(%dma_wait3A_58 : memref<416x128xf32, #tpu.memory_space<vmem_shared>>) dst(%arg12 : memref<128x128xf32, #tpu.memory_space<vmem>>)
      %mul3A_59 = arith.constant 128 : i32
      %mul3A_60 = arith.muli %add3A_52, %mul3A_59 : i32
      %add3A_61 = arith.addi %mul3A_2, %mul3A_60 : i32
      %dma_start3A_62 = arith.constant 0 : i32
      %dma_start3A_63 = tpu.memref_slice %arg5[%add3A_61, %dma_start3A_62] : memref<819200x128xf32, #tpu.memory_space<hbm>> -> memref<128x128xf32, #tpu.memory_space<hbm>>
      %dma_start3A_64 = arith.constant 0 : i32
      %dma_start3A_65 = tpu.memref_slice %arg5[%add3A_61, %dma_start3A_64] : memref<819200x128xf32, #tpu.memory_space<hbm>> -> memref<128x128xf32, #tpu.memory_space<hbm>>
      tpu.enqueue_dma source(%arg12 : memref<128x128xf32, #tpu.memory_space<vmem>>) target(%dma_start3A_65 : memref<128x128xf32, #tpu.memory_space<hbm>>) target_semaphore(%arg20 : memref<!tpu.dma_semaphore, #tpu.memory_space<semaphore_mem>>)
      %add3A_66 = arith.constant 2 : i32
      %add3A_67 = arith.addi %add3A_52, %add3A_66 : i32
      %le3A = arith.constant 199 : i32
      %le3A_68 = arith.cmpi sle, %add3A_67, %le3A : i32
      %convert_element_type3A_69 = arith.extui %le3A_68 : i1 to i32
      %cond3A_70 = arith.constant 0 : i32
      %cond3A_71 = arith.cmpi ne, %convert_element_type3A_69, %cond3A_70 : i32
      scf.if %cond3A_71 {
        %ge3A = arith.constant 2 : i32
        %ge3A_144 = arith.cmpi sge, %add3A_52, %ge3A : i32
        %convert_element_type3A_145 = arith.extui %ge3A_144 : i1 to i32
        %cond3A_146 = arith.constant 0 : i32
        %cond3A_147 = arith.cmpi ne, %convert_element_type3A_145, %cond3A_146 : i32
        scf.if %cond3A_147 {
          %sub3A = arith.constant 2 : i32
          %sub3A_156 = arith.subi %add3A_52, %sub3A : i32
          %mul3A_157 = arith.constant 128 : i32
          %mul3A_158 = arith.muli %sub3A_156, %mul3A_157 : i32
          %add3A_159 = arith.addi %mul3A_2, %mul3A_158 : i32
          %dma_wait3A_160 = arith.constant 0 : i32
          %dma_wait3A_161 = tpu.memref_slice %arg5[%add3A_159, %dma_wait3A_160] : memref<819200x128xf32, #tpu.memory_space<hbm>> -> memref<128x128xf32, #tpu.memory_space<hbm>>
          %dma_wait3A_162 = arith.constant 0 : i32
          %dma_wait3A_163 = tpu.memref_slice %arg5[%add3A_159, %dma_wait3A_162] : memref<819200x128xf32, #tpu.memory_space<hbm>> -> memref<128x128xf32, #tpu.memory_space<hbm>>
          tpu.wait_dma2 semaphore(%arg22 : memref<!tpu.dma_semaphore, #tpu.memory_space<semaphore_mem>>) src(%arg14 : memref<128x128xf32, #tpu.memory_space<vmem>>) dst(%dma_wait3A_163 : memref<128x128xf32, #tpu.memory_space<hbm>>)
        } else {
        }
        %add3A_148 = arith.constant 2 : i32
        %add3A_149 = arith.addi %add3A_52, %add3A_148 : i32
        %mul3A_150 = arith.constant 128 : i32
        %mul3A_151 = arith.muli %add3A_149, %mul3A_150 : i32
        %dma_start3A_152 = tpu.memref_slice %arg11[%mul3A_151] : memref<25600xi32, #tpu.memory_space<vmem>> -> memref<128xi32, #tpu.memory_space<vmem>>
        %dma_start3A_153 = arith.constant 0 : i32
        %dma_start3A_154 = arith.constant 0 : i32
        %dma_start3A_155 = tpu.memref_slice %arg9[%dma_start3A_153, %dma_start3A_154] : memref<416x128xf32, #tpu.memory_space<vmem_shared>> -> memref<416x128xf32, #tpu.memory_space<vmem_shared>>
        tpu.enqueue_indirect_dma source(%dma_start3A_155 : memref<416x128xf32, #tpu.memory_space<vmem_shared>>) target(%arg14 : memref<128x128xf32, #tpu.memory_space<vmem>>) offsets(%dma_start3A_152 : memref<128xi32, #tpu.memory_space<vmem>>) semaphore(%arg18 : memref<!tpu.dma_semaphore, #tpu.memory_space<semaphore_mem>>)
      } else {
      }
      %mul3A_72 = arith.constant 4 : i32
      %mul3A_73 = arith.muli %scan3A_48, %mul3A_72 : i32
      %add3A_74 = arith.constant 1 : i32
      %add3A_75 = arith.addi %mul3A_73, %add3A_74 : i32
      %mul3A_76 = arith.constant 128 : i32
      %mul3A_77 = arith.muli %add3A_75, %mul3A_76 : i32
      %dma_wait3A_78 = tpu.memref_slice %arg11[%mul3A_77] : memref<25600xi32, #tpu.memory_space<vmem>> -> memref<128xi32, #tpu.memory_space<vmem>>
      %dma_wait3A_79 = arith.constant 0 : i32
      %dma_wait3A_80 = arith.constant 0 : i32
      %dma_wait3A_81 = tpu.memref_slice %arg9[%dma_wait3A_79, %dma_wait3A_80] : memref<416x128xf32, #tpu.memory_space<vmem_shared>> -> memref<416x128xf32, #tpu.memory_space<vmem_shared>>
      tpu.wait_indirect_dma semaphore(%arg17 : memref<!tpu.dma_semaphore, #tpu.memory_space<semaphore_mem>>) src(%dma_wait3A_81 : memref<416x128xf32, #tpu.memory_space<vmem_shared>>) dst(%arg13 : memref<128x128xf32, #tpu.memory_space<vmem>>)
      %mul3A_82 = arith.constant 128 : i32
      %mul3A_83 = arith.muli %add3A_75, %mul3A_82 : i32
      %add3A_84 = arith.addi %mul3A_2, %mul3A_83 : i32
      %dma_start3A_85 = arith.constant 0 : i32
      %dma_start3A_86 = tpu.memref_slice %arg5[%add3A_84, %dma_start3A_85] : memref<819200x128xf32, #tpu.memory_space<hbm>> -> memref<128x128xf32, #tpu.memory_space<hbm>>
      %dma_start3A_87 = arith.constant 0 : i32
      %dma_start3A_88 = tpu.memref_slice %arg5[%add3A_84, %dma_start3A_87] : memref<819200x128xf32, #tpu.memory_space<hbm>> -> memref<128x128xf32, #tpu.memory_space<hbm>>
      tpu.enqueue_dma source(%arg13 : memref<128x128xf32, #tpu.memory_space<vmem>>) target(%dma_start3A_88 : memref<128x128xf32, #tpu.memory_space<hbm>>) target_semaphore(%arg21 : memref<!tpu.dma_semaphore, #tpu.memory_space<semaphore_mem>>)
      %add3A_89 = arith.constant 2 : i32
      %add3A_90 = arith.addi %add3A_75, %add3A_89 : i32
      %le3A_91 = arith.constant 199 : i32
      %le3A_92 = arith.cmpi sle, %add3A_90, %le3A_91 : i32
      %convert_element_type3A_93 = arith.extui %le3A_92 : i1 to i32
      %cond3A_94 = arith.constant 0 : i32
      %cond3A_95 = arith.cmpi ne, %convert_element_type3A_93, %cond3A_94 : i32
      scf.if %cond3A_95 {
        %ge3A = arith.constant 2 : i32
        %ge3A_144 = arith.cmpi sge, %add3A_75, %ge3A : i32
        %convert_element_type3A_145 = arith.extui %ge3A_144 : i1 to i32
        %cond3A_146 = arith.constant 0 : i32
        %cond3A_147 = arith.cmpi ne, %convert_element_type3A_145, %cond3A_146 : i32
        scf.if %cond3A_147 {
          %sub3A = arith.constant 2 : i32
          %sub3A_156 = arith.subi %add3A_75, %sub3A : i32
          %mul3A_157 = arith.constant 128 : i32
          %mul3A_158 = arith.muli %sub3A_156, %mul3A_157 : i32
          %add3A_159 = arith.addi %mul3A_2, %mul3A_158 : i32
          %dma_wait3A_160 = arith.constant 0 : i32
          %dma_wait3A_161 = tpu.memref_slice %arg5[%add3A_159, %dma_wait3A_160] : memref<819200x128xf32, #tpu.memory_space<hbm>> -> memref<128x128xf32, #tpu.memory_space<hbm>>
          %dma_wait3A_162 = arith.constant 0 : i32
          %dma_wait3A_163 = tpu.memref_slice %arg5[%add3A_159, %dma_wait3A_162] : memref<819200x128xf32, #tpu.memory_space<hbm>> -> memref<128x128xf32, #tpu.memory_space<hbm>>
          tpu.wait_dma2 semaphore(%arg23 : memref<!tpu.dma_semaphore, #tpu.memory_space<semaphore_mem>>) src(%arg15 : memref<128x128xf32, #tpu.memory_space<vmem>>) dst(%dma_wait3A_163 : memref<128x128xf32, #tpu.memory_space<hbm>>)
        } else {
        }
        %add3A_148 = arith.constant 2 : i32
        %add3A_149 = arith.addi %add3A_75, %add3A_148 : i32
        %mul3A_150 = arith.constant 128 : i32
        %mul3A_151 = arith.muli %add3A_149, %mul3A_150 : i32
        %dma_start3A_152 = tpu.memref_slice %arg11[%mul3A_151] : memref<25600xi32, #tpu.memory_space<vmem>> -> memref<128xi32, #tpu.memory_space<vmem>>
        %dma_start3A_153 = arith.constant 0 : i32
        %dma_start3A_154 = arith.constant 0 : i32
        %dma_start3A_155 = tpu.memref_slice %arg9[%dma_start3A_153, %dma_start3A_154] : memref<416x128xf32, #tpu.memory_space<vmem_shared>> -> memref<416x128xf32, #tpu.memory_space<vmem_shared>>
        tpu.enqueue_indirect_dma source(%dma_start3A_155 : memref<416x128xf32, #tpu.memory_space<vmem_shared>>) target(%arg15 : memref<128x128xf32, #tpu.memory_space<vmem>>) offsets(%dma_start3A_152 : memref<128xi32, #tpu.memory_space<vmem>>) semaphore(%arg19 : memref<!tpu.dma_semaphore, #tpu.memory_space<semaphore_mem>>)
      } else {
      }
      %mul3A_96 = arith.constant 4 : i32
      %mul3A_97 = arith.muli %scan3A_48, %mul3A_96 : i32
      %add3A_98 = arith.constant 2 : i32
      %add3A_99 = arith.addi %mul3A_97, %add3A_98 : i32
      %mul3A_100 = arith.constant 128 : i32
      %mul3A_101 = arith.muli %add3A_99, %mul3A_100 : i32
      %dma_wait3A_102 = tpu.memref_slice %arg11[%mul3A_101] : memref<25600xi32, #tpu.memory_space<vmem>> -> memref<128xi32, #tpu.memory_space<vmem>>
      %dma_wait3A_103 = arith.constant 0 : i32
      %dma_wait3A_104 = arith.constant 0 : i32
      %dma_wait3A_105 = tpu.memref_slice %arg9[%dma_wait3A_103, %dma_wait3A_104] : memref<416x128xf32, #tpu.memory_space<vmem_shared>> -> memref<416x128xf32, #tpu.memory_space<vmem_shared>>
      tpu.wait_indirect_dma semaphore(%arg18 : memref<!tpu.dma_semaphore, #tpu.memory_space<semaphore_mem>>) src(%dma_wait3A_105 : memref<416x128xf32, #tpu.memory_space<vmem_shared>>) dst(%arg14 : memref<128x128xf32, #tpu.memory_space<vmem>>)
      %mul3A_106 = arith.constant 128 : i32
      %mul3A_107 = arith.muli %add3A_99, %mul3A_106 : i32
      %add3A_108 = arith.addi %mul3A_2, %mul3A_107 : i32
      %dma_start3A_109 = arith.constant 0 : i32
      %dma_start3A_110 = tpu.memref_slice %arg5[%add3A_108, %dma_start3A_109] : memref<819200x128xf32, #tpu.memory_space<hbm>> -> memref<128x128xf32, #tpu.memory_space<hbm>>
      %dma_start3A_111 = arith.constant 0 : i32
      %dma_start3A_112 = tpu.memref_slice %arg5[%add3A_108, %dma_start3A_111] : memref<819200x128xf32, #tpu.memory_space<hbm>> -> memref<128x128xf32, #tpu.memory_space<hbm>>
      tpu.enqueue_dma source(%arg14 : memref<128x128xf32, #tpu.memory_space<vmem>>) target(%dma_start3A_112 : memref<128x128xf32, #tpu.memory_space<hbm>>) target_semaphore(%arg22 : memref<!tpu.dma_semaphore, #tpu.memory_space<semaphore_mem>>)
      %add3A_113 = arith.constant 2 : i32
      %add3A_114 = arith.addi %add3A_99, %add3A_113 : i32
      %le3A_115 = arith.constant 199 : i32
      %le3A_116 = arith.cmpi sle, %add3A_114, %le3A_115 : i32
      %convert_element_type3A_117 = arith.extui %le3A_116 : i1 to i32
      %cond3A_118 = arith.constant 0 : i32
      %cond3A_119 = arith.cmpi ne, %convert_element_type3A_117, %cond3A_118 : i32
      scf.if %cond3A_119 {
        %ge3A = arith.constant 2 : i32
        %ge3A_144 = arith.cmpi sge, %add3A_99, %ge3A : i32
        %convert_element_type3A_145 = arith.extui %ge3A_144 : i1 to i32
        %cond3A_146 = arith.constant 0 : i32
        %cond3A_147 = arith.cmpi ne, %convert_element_type3A_145, %cond3A_146 : i32
        scf.if %cond3A_147 {
          %sub3A = arith.constant 2 : i32
          %sub3A_156 = arith.subi %add3A_99, %sub3A : i32
          %mul3A_157 = arith.constant 128 : i32
          %mul3A_158 = arith.muli %sub3A_156, %mul3A_157 : i32
          %add3A_159 = arith.addi %mul3A_2, %mul3A_158 : i32
          %dma_wait3A_160 = arith.constant 0 : i32
          %dma_wait3A_161 = tpu.memref_slice %arg5[%add3A_159, %dma_wait3A_160] : memref<819200x128xf32, #tpu.memory_space<hbm>> -> memref<128x128xf32, #tpu.memory_space<hbm>>
          %dma_wait3A_162 = arith.constant 0 : i32
          %dma_wait3A_163 = tpu.memref_slice %arg5[%add3A_159, %dma_wait3A_162] : memref<819200x128xf32, #tpu.memory_space<hbm>> -> memref<128x128xf32, #tpu.memory_space<hbm>>
          tpu.wait_dma2 semaphore(%arg20 : memref<!tpu.dma_semaphore, #tpu.memory_space<semaphore_mem>>) src(%arg12 : memref<128x128xf32, #tpu.memory_space<vmem>>) dst(%dma_wait3A_163 : memref<128x128xf32, #tpu.memory_space<hbm>>)
        } else {
        }
        %add3A_148 = arith.constant 2 : i32
        %add3A_149 = arith.addi %add3A_99, %add3A_148 : i32
        %mul3A_150 = arith.constant 128 : i32
        %mul3A_151 = arith.muli %add3A_149, %mul3A_150 : i32
        %dma_start3A_152 = tpu.memref_slice %arg11[%mul3A_151] : memref<25600xi32, #tpu.memory_space<vmem>> -> memref<128xi32, #tpu.memory_space<vmem>>
        %dma_start3A_153 = arith.constant 0 : i32
        %dma_start3A_154 = arith.constant 0 : i32
        %dma_start3A_155 = tpu.memref_slice %arg9[%dma_start3A_153, %dma_start3A_154] : memref<416x128xf32, #tpu.memory_space<vmem_shared>> -> memref<416x128xf32, #tpu.memory_space<vmem_shared>>
        tpu.enqueue_indirect_dma source(%dma_start3A_155 : memref<416x128xf32, #tpu.memory_space<vmem_shared>>) target(%arg12 : memref<128x128xf32, #tpu.memory_space<vmem>>) offsets(%dma_start3A_152 : memref<128xi32, #tpu.memory_space<vmem>>) semaphore(%arg16 : memref<!tpu.dma_semaphore, #tpu.memory_space<semaphore_mem>>)
      } else {
      }
      %mul3A_120 = arith.constant 4 : i32
      %mul3A_121 = arith.muli %scan3A_48, %mul3A_120 : i32
      %add3A_122 = arith.constant 3 : i32
      %add3A_123 = arith.addi %mul3A_121, %add3A_122 : i32
      %mul3A_124 = arith.constant 128 : i32
      %mul3A_125 = arith.muli %add3A_123, %mul3A_124 : i32
      %dma_wait3A_126 = tpu.memref_slice %arg11[%mul3A_125] : memref<25600xi32, #tpu.memory_space<vmem>> -> memref<128xi32, #tpu.memory_space<vmem>>
      %dma_wait3A_127 = arith.constant 0 : i32
      %dma_wait3A_128 = arith.constant 0 : i32
      %dma_wait3A_129 = tpu.memref_slice %arg9[%dma_wait3A_127, %dma_wait3A_128] : memref<416x128xf32, #tpu.memory_space<vmem_shared>> -> memref<416x128xf32, #tpu.memory_space<vmem_shared>>
      tpu.wait_indirect_dma semaphore(%arg19 : memref<!tpu.dma_semaphore, #tpu.memory_space<semaphore_mem>>) src(%dma_wait3A_129 : memref<416x128xf32, #tpu.memory_space<vmem_shared>>) dst(%arg15 : memref<128x128xf32, #tpu.memory_space<vmem>>)
      %mul3A_130 = arith.constant 128 : i32
      %mul3A_131 = arith.muli %add3A_123, %mul3A_130 : i32
      %add3A_132 = arith.addi %mul3A_2, %mul3A_131 : i32
      %dma_start3A_133 = arith.constant 0 : i32
      %dma_start3A_134 = tpu.memref_slice %arg5[%add3A_132, %dma_start3A_133] : memref<819200x128xf32, #tpu.memory_space<hbm>> -> memref<128x128xf32, #tpu.memory_space<hbm>>
      %dma_start3A_135 = arith.constant 0 : i32
      %dma_start3A_136 = tpu.memref_slice %arg5[%add3A_132, %dma_start3A_135] : memref<819200x128xf32, #tpu.memory_space<hbm>> -> memref<128x128xf32, #tpu.memory_space<hbm>>
      tpu.enqueue_dma source(%arg15 : memref<128x128xf32, #tpu.memory_space<vmem>>) target(%dma_start3A_136 : memref<128x128xf32, #tpu.memory_space<hbm>>) target_semaphore(%arg23 : memref<!tpu.dma_semaphore, #tpu.memory_space<semaphore_mem>>)
      %add3A_137 = arith.constant 2 : i32
      %add3A_138 = arith.addi %add3A_123, %add3A_137 : i32
      %le3A_139 = arith.constant 199 : i32
      %le3A_140 = arith.cmpi sle, %add3A_138, %le3A_139 : i32
      %convert_element_type3A_141 = arith.extui %le3A_140 : i1 to i32
      %cond3A_142 = arith.constant 0 : i32
      %cond3A_143 = arith.cmpi ne, %convert_element_type3A_141, %cond3A_142 : i32
      scf.if %cond3A_143 {
        %ge3A = arith.constant 2 : i32
        %ge3A_144 = arith.cmpi sge, %add3A_123, %ge3A : i32
        %convert_element_type3A_145 = arith.extui %ge3A_144 : i1 to i32
        %cond3A_146 = arith.constant 0 : i32
        %cond3A_147 = arith.cmpi ne, %convert_element_type3A_145, %cond3A_146 : i32
        scf.if %cond3A_147 {
          %sub3A = arith.constant 2 : i32
          %sub3A_156 = arith.subi %add3A_123, %sub3A : i32
          %mul3A_157 = arith.constant 128 : i32
          %mul3A_158 = arith.muli %sub3A_156, %mul3A_157 : i32
          %add3A_159 = arith.addi %mul3A_2, %mul3A_158 : i32
          %dma_wait3A_160 = arith.constant 0 : i32
          %dma_wait3A_161 = tpu.memref_slice %arg5[%add3A_159, %dma_wait3A_160] : memref<819200x128xf32, #tpu.memory_space<hbm>> -> memref<128x128xf32, #tpu.memory_space<hbm>>
          %dma_wait3A_162 = arith.constant 0 : i32
          %dma_wait3A_163 = tpu.memref_slice %arg5[%add3A_159, %dma_wait3A_162] : memref<819200x128xf32, #tpu.memory_space<hbm>> -> memref<128x128xf32, #tpu.memory_space<hbm>>
          tpu.wait_dma2 semaphore(%arg21 : memref<!tpu.dma_semaphore, #tpu.memory_space<semaphore_mem>>) src(%arg13 : memref<128x128xf32, #tpu.memory_space<vmem>>) dst(%dma_wait3A_163 : memref<128x128xf32, #tpu.memory_space<hbm>>)
        } else {
        }
        %add3A_148 = arith.constant 2 : i32
        %add3A_149 = arith.addi %add3A_123, %add3A_148 : i32
        %mul3A_150 = arith.constant 128 : i32
        %mul3A_151 = arith.muli %add3A_149, %mul3A_150 : i32
        %dma_start3A_152 = tpu.memref_slice %arg11[%mul3A_151] : memref<25600xi32, #tpu.memory_space<vmem>> -> memref<128xi32, #tpu.memory_space<vmem>>
        %dma_start3A_153 = arith.constant 0 : i32
        %dma_start3A_154 = arith.constant 0 : i32
        %dma_start3A_155 = tpu.memref_slice %arg9[%dma_start3A_153, %dma_start3A_154] : memref<416x128xf32, #tpu.memory_space<vmem_shared>> -> memref<416x128xf32, #tpu.memory_space<vmem_shared>>
        tpu.enqueue_indirect_dma source(%dma_start3A_155 : memref<416x128xf32, #tpu.memory_space<vmem_shared>>) target(%arg13 : memref<128x128xf32, #tpu.memory_space<vmem>>) offsets(%dma_start3A_152 : memref<128xi32, #tpu.memory_space<vmem>>) semaphore(%arg17 : memref<!tpu.dma_semaphore, #tpu.memory_space<semaphore_mem>>)
      } else {
      }
    }
    %scan3A_24 = arith.constant 50 : i32
    %add3A_25 = arith.constant 25088 : i32
    %add3A_26 = arith.addi %mul3A_2, %add3A_25 : i32
    %dma_wait3A = arith.constant 0 : i32
    %dma_wait3A_27 = tpu.memref_slice %arg5[%add3A_26, %dma_wait3A] : memref<819200x128xf32, #tpu.memory_space<hbm>> -> memref<128x128xf32, #tpu.memory_space<hbm>>
    %dma_wait3A_28 = arith.constant 0 : i32
    %dma_wait3A_29 = tpu.memref_slice %arg5[%add3A_26, %dma_wait3A_28] : memref<819200x128xf32, #tpu.memory_space<hbm>> -> memref<128x128xf32, #tpu.memory_space<hbm>>
    tpu.wait_dma2 semaphore(%arg20 : memref<!tpu.dma_semaphore, #tpu.memory_space<semaphore_mem>>) src(%arg12 : memref<128x128xf32, #tpu.memory_space<vmem>>) dst(%dma_wait3A_29 : memref<128x128xf32, #tpu.memory_space<hbm>>)
    %add3A_30 = arith.constant 25216 : i32
    %add3A_31 = arith.addi %mul3A_2, %add3A_30 : i32
    %dma_wait3A_32 = arith.constant 0 : i32
    %dma_wait3A_33 = tpu.memref_slice %arg5[%add3A_31, %dma_wait3A_32] : memref<819200x128xf32, #tpu.memory_space<hbm>> -> memref<128x128xf32, #tpu.memory_space<hbm>>
    %dma_wait3A_34 = arith.constant 0 : i32
    %dma_wait3A_35 = tpu.memref_slice %arg5[%add3A_31, %dma_wait3A_34] : memref<819200x128xf32, #tpu.memory_space<hbm>> -> memref<128x128xf32, #tpu.memory_space<hbm>>
    tpu.wait_dma2 semaphore(%arg21 : memref<!tpu.dma_semaphore, #tpu.memory_space<semaphore_mem>>) src(%arg13 : memref<128x128xf32, #tpu.memory_space<vmem>>) dst(%dma_wait3A_35 : memref<128x128xf32, #tpu.memory_space<hbm>>)
    %add3A_36 = arith.constant 25344 : i32
    %add3A_37 = arith.addi %mul3A_2, %add3A_36 : i32
    %dma_wait3A_38 = arith.constant 0 : i32
    %dma_wait3A_39 = tpu.memref_slice %arg5[%add3A_37, %dma_wait3A_38] : memref<819200x128xf32, #tpu.memory_space<hbm>> -> memref<128x128xf32, #tpu.memory_space<hbm>>
    %dma_wait3A_40 = arith.constant 0 : i32
    %dma_wait3A_41 = tpu.memref_slice %arg5[%add3A_37, %dma_wait3A_40] : memref<819200x128xf32, #tpu.memory_space<hbm>> -> memref<128x128xf32, #tpu.memory_space<hbm>>
    tpu.wait_dma2 semaphore(%arg22 : memref<!tpu.dma_semaphore, #tpu.memory_space<semaphore_mem>>) src(%arg14 : memref<128x128xf32, #tpu.memory_space<vmem>>) dst(%dma_wait3A_41 : memref<128x128xf32, #tpu.memory_space<hbm>>)
    %add3A_42 = arith.constant 25472 : i32
    %add3A_43 = arith.addi %mul3A_2, %add3A_42 : i32
    %dma_wait3A_44 = arith.constant 0 : i32
    %dma_wait3A_45 = tpu.memref_slice %arg5[%add3A_43, %dma_wait3A_44] : memref<819200x128xf32, #tpu.memory_space<hbm>> -> memref<128x128xf32, #tpu.memory_space<hbm>>
    %dma_wait3A_46 = arith.constant 0 : i32
    %dma_wait3A_47 = tpu.memref_slice %arg5[%add3A_43, %dma_wait3A_46] : memref<819200x128xf32, #tpu.memory_space<hbm>> -> memref<128x128xf32, #tpu.memory_space<hbm>>
    tpu.wait_dma2 semaphore(%arg23 : memref<!tpu.dma_semaphore, #tpu.memory_space<semaphore_mem>>) src(%arg15 : memref<128x128xf32, #tpu.memory_space<vmem>>) dst(%dma_wait3A_47 : memref<128x128xf32, #tpu.memory_space<hbm>>)
    return
  }
}

</mosaic_0001>

<sc_bundles>
// kernel: kernel.3.cloned.1.call-start
scs
__scs_entry_jumppad:
0x0: {  	(pc) =	sbr.rel $0x88, $3  }
0x1: {  	(tag) =	ssettag $0x0;
	lr =	simm.s32 $0x1  }
0x2: {  	[smem:$0x3F9E] =	sst lr;
	_ =	strace $0xD0000000  }
0x3: {  	_ = 	snop  }
0x4: {  	_ = 	snop  }
0x5: {  	_ = 	snop  }
0x6: {  	_ = 	snop  }
0x7: {  	_ = 	snop  }
__scs_overlays_trampoline_lowered:
0x8: {  	[smem:$0x3FAD] =	sst s0  }
0x9: {  	[smem:$0x3FAE] =	sst s1  }
0xa: {  	[smem:$0x3FAF] =	sst s2  }
0xb: {  	[smem:$0x3FB0] =	sst s3  }
0xc: {  	[smem:$0x3FB1] =	sst s4  }
0xd: {  	[smem:$0x3FB2] =	sst s5  }
0xe: {  	[smem:$0x3FB3] =	sst s6  }
0xf: {  	[smem:$0x3FB4] =	sst s7  }
0x10: {  	[smem:$0x3FB5] =	sst s8  }
0x11: {  	[smem:$0x3FB6] =	sst s9;
	s0 =	simm.s32 @!p0 $0x0  }
0x12: {  	s1 =	sld [smem:$0x3F9C];
	s0 =	simm.s32 @p0 $0x1  }
0x13: {  	[smem:$0x3FB7] =	sst s0;
	s0 =	simm.s32 @!p1 $0x0  }
0x14: {  	s2 =	sld [smem:$0x3F9B];
	s0 =	simm.s32 @p1 $0x1  }
0x15: {  	[smem:$0x3FB8] =	sst s0;
	s0 =	simm.s32 @!p2 $0x0  }
0x16: {  	s3 =	sld [smem:$0x3FDB];
	s0 =	simm.s32 @p2 $0x1  }
0x17: {  	s4 =	simm.s32 $0x1BF5;
	[smem:$0x3FBA] =	sst s0  }
0x18: {  	s0 =	sld [smem:$0x3F9D];
	_ =	swait.ge [sflag:s4], $0x0  }
0x19: {  	s7 =	sld [smem:$0x3F9E]  }
0x1a: {  	s8 =	sadd.s32 $0xFFFFE003, lr  }
0x1b: {  	s9 =	sadd.s32 $0xFFFFFEF7, lr;
	s5 =	simm.s32 $0xFFFFFFFF;
	p2 =	slt.u32 s8, $0xFFFFF086  }
0x1c: {  	p1 =	slt.u32 s9, $0xF7A;
	s5 =	simm.s32 @!p2 $0x0  }
0x1d: {  	s5 =	simm.s32 @p1 $0x1;
	p0 =	seq.s32 s7, s2  }
0x1e: {  	s7 =	smul.u32 @!p0 $0xF7A, s2;
	p2 =	seq.s32 @!p0 s5, $0x0  }
0x1f: {  	s9 =	smul.u32 $0xF7A, s1;
	s8 =	simm.s32 @!p0 $0x1BF5;
	p2 =	por !p2, p0  }
0x20: {  	[sflag:s8] =	ssyncset.s32 @!p0 $0xFFFFF086;
	s6 =	sadd.s32 @!p0 s3, s7;
	s7 =	simm.s32 @!p0 $0x108  }
0x21: {  	s3 =	sadd.s32 s3, s9;
	s6 =	sadd.s32 @!p0 $0x88, s6;
	s7 =	simm.s32 @p2 $0x1082  }
0x22: {  	[simem:s7], [sflag:s8] =	dma.local @!p0 [hbm:s6], $0xF7A  }
0x23: {  	s9 =	sor.u32 $0xD0000000, s2;
	s6 =	simm.s32 $0x108;
	_ =	swait.ge @!p0 [sflag:s8], $0x0  }
0x24: {  	s3 =	sadd.s32 $0x88, s3;
	s6 =	simm.s32 @!p1 $0x1082;
	[sflag:s4] =	ssyncset.s32 $0xFFFFF086  }
0x25: {  	[simem:s6], [sflag:s4] =	dma.local [hbm:s3], $0xF7A  }
0x26: {  	[smem:$0x3F9E] =	sst s1;
	(tag) =	ssettag s2;
	_ =	strace s9  }
0x27: {  	s1 =	sld [smem:$0x3FAE]  }
0x28: {  	s2 =	sld [smem:$0x3FAF]  }
0x29: {  	s4 =	sld [smem:$0x3FB1]  }
0x2a: {  	p0 =	seq.s32 s5, $0x0;
	s5 =	sld [smem:$0x3FB2]  }
0x2b: {  	s6 =	sld [smem:$0x3FB3]  }
0x2c: {  	s7 =	sld [smem:$0x3FB4]  }
0x2d: {  	s3 =	simm.s32 $0x108;
	s8 =	sld [smem:$0x3FB5]  }
0x2e: {  	s3 =	simm.s32 @!p0 $0x1082;
	s9 =	sld [smem:$0x3FB6]  }
0x2f: {  	lr =	sadd.s32 s0, s3;
	s0 =	sld [smem:$0x3FAD]  }
0x30: {  	s3 =	sld [smem:$0x3FB0]  }
0x31: {  	[smem:$0x3FB9] =	sst s10  }
0x32: {  	s10 =	sld [smem:$0x3FB7];
	_ =	sdelay $0x3  }
0x33: {  	p0 =	seq.s32 s10, $0x1;
	s10 =	sld [smem:$0x3FB9];
	_ =	sdelay $0x3  }
0x34: {  	[smem:$0x3FB9] =	sst s10  }
0x35: {  	s10 =	sld [smem:$0x3FB8];
	_ =	sdelay $0x3  }
0x36: {  	p1 =	seq.s32 s10, $0x1;
	s10 =	sld [smem:$0x3FB9];
	_ =	sdelay $0x3  }
0x37: {  	[smem:$0x3FB9] =	sst s10  }
0x38: {  	s10 =	sld [smem:$0x3FBA]  }
0x39: {  	_ = 	snop;
	(pc) =	sbr.ind lr, $3  }
0x3a: {  	_ = 	snop  }
0x3b: {  	_ = 	snop  }
0x3c: {  	p2 =	seq.s32 s10, $0x1;
	s10 =	sld [smem:$0x3FB9]  }
0x3d: {  	_ =	shalt  }
0x3e: {  	_ =	shalt  }
0x3f: {  	_ =	shalt  }
0x40: {  	_ =	shalt  }
0x41: {  	_ =	shalt  }
0x42: {  	_ =	shalt  }
0x43: {  	_ =	shalt  }
0x44: {  	_ =	shalt  }
0x45: {  	_ =	shalt  }
0x46: {  	_ =	shalt  }
0x47: {  	_ =	shalt  }
0x48: {  	_ =	shalt  }
0x49: {  	_ =	shalt  }
0x4a: {  	_ =	shalt  }
0x4b: {  	_ =	shalt  }
0x4c: {  	_ =	shalt  }
0x4d: {  	_ =	shalt  }
0x4e: {  	_ =	shalt  }
0x4f: {  	_ =	shalt  }
0x50: {  	_ =	shalt  }
0x51: {  	_ =	shalt  }
0x52: {  	_ =	shalt  }
0x53: {  	_ =	shalt  }
0x54: {  	_ =	shalt  }
0x55: {  	_ =	shalt  }
0x56: {  	_ =	shalt  }
0x57: {  	_ =	shalt  }
0x58: {  	_ =	shalt  }
0x59: {  	_ =	shalt  }
0x5a: {  	_ =	shalt  }
0x5b: {  	_ =	shalt  }
0x5c: {  	_ =	shalt  }
0x5d: {  	_ =	shalt  }
0x5e: {  	_ =	shalt  }
0x5f: {  	_ =	shalt  }
0x60: {  	_ =	shalt  }
0x61: {  	_ =	shalt  }
0x62: {  	_ =	shalt  }
0x63: {  	_ =	shalt  }
0x64: {  	_ =	shalt  }
0x65: {  	_ =	shalt  }
0x66: {  	_ =	shalt  }
0x67: {  	_ =	shalt  }
0x68: {  	_ =	shalt  }
0x69: {  	_ =	shalt  }
0x6a: {  	_ =	shalt  }
0x6b: {  	_ =	shalt  }
0x6c: {  	_ =	shalt  }
0x6d: {  	_ =	shalt  }
0x6e: {  	_ =	shalt  }
0x6f: {  	_ =	shalt  }
0x70: {  	_ =	shalt  }
0x71: {  	_ =	shalt  }
0x72: {  	_ =	shalt  }
0x73: {  	_ =	shalt  }
0x74: {  	_ =	shalt  }
0x75: {  	_ =	shalt  }
0x76: {  	_ =	shalt  }
0x77: {  	_ =	shalt  }
0x78: {  	_ =	shalt  }
0x79: {  	_ =	shalt  }
0x7a: {  	_ =	shalt  }
0x7b: {  	_ =	shalt  }
0x7c: {  	_ =	shalt  }
0x7d: {  	_ =	shalt  }
0x7e: {  	_ =	shalt  }
0x7f: {  	_ =	shalt  }
0x80: {  	_ =	shalt  }
0x81: {  	_ =	shalt  }
0x82: {  	_ =	shalt  }
0x83: {  	_ =	shalt  }
0x84: {  	_ =	shalt  }
0x85: {  	_ =	shalt  }
0x86: {  	_ =	shalt  }
0x87: {  	_ =	shalt  }
.Lfunc_end0:
.L_simem_size_0:
called_computation_lowered:
.L_overlay_start_0:
0x88: {  	s2 =	sld [smem:$0x3FD9]  }
0x89: {  	s3 =	sld [smem:$0x3FFE];
	_ =	sdelay $0x1  }
0x8a: {  	s1 =	srdreg.scid  }
0x8b: {  	s0 =	sand.u32 $0x1, s1  }
0x8c: {  	s17 =	sshll.u32 s0, $0xA;
	s2 =	sadd.s32 s3, s2  }
0x8d: {  	s2 =	sadd.s32 s2, s17  }
0x8e: {  	[smem:$0x3FC5] =	sst s2  }
0x8f: {  	_ = 	snop  }
0x90: {  	s2 =	sld [smem:$0x3FC8]  }
0x91: {  	s18 =	sld [smem:$0x3FC7]  }
0x92: {  	s4 =	sld [smem:$0x3FD0];
	(tm) =	ssettm $0x1  }
0x93: {  	s5 =	sld [smem:$0x3FFB];
	_ =	sdelay $0x3  }
0x94: {  	_ =	strace s5  }
0x95: {  	s5 =	sld [smem:$0x3FFC];
	_ =	sdelay $0x3  }
0x96: {  	_ =	strace s5  }
0x97: {  	s5 =	sld [smem:$0x3FFD];
	_ =	sdelay $0x3  }
0x98: {  	_ =	strace s5  }
0x99: {  	_ =	strace $0x8FFFFFFF  }
0x9a: {  	s19 =	sld [smem:$0x3FDB];
	_ =	sdelay $0x1  }
0x9b: {  	s6 =	simm.s32 $_scs_section_size  }
0x9c: {  	s7 =	simm.s32 $_size__tile_overlayer_lowered;
	s8 =	simm.s32 $_tile_overlayer_lowered  }
0x9d: {  	s22 =	simm.s32 $0x1BFF;
	s21 =	sshll.u32 s8, $0x1;
	s5 =	sadd.s32 s6, s19  }
0x9e: {  	s9 =	simm.s32 $0x0;
	s20 =	sshll.u32 s7, $0x1;
	s7 =	sadd.s32 s21, s5  }
0x9f: {  	[timem:s9], [sflag:s22] =	dma.local [hbm:s7], s20  }
0xa0: {  	_ =	swait.ge [sflag:s22], s20  }
0xa1: {  	s6 =	ssub.s32 $0x0, s20;
	[sflag:s22] =	ssyncset.done $0x0  }
0xa2: {  	[sflag:s22] =	ssyncadd.s32 s6;
	_ =	sdelay $0x1  }
0xa3: {  	s23 =	simm.s32 $0x1B8B  }
0xa4: {  	_ =	swait.ge [sflag:s23], $0x1  }
0xa5: {  	[sflag:s23] =	ssyncset.done $0x0  }
0xa6: {  	s25 =	simm.s32 $0x1B8E;
	s24 =	sld [smem:$0x3FFE];
	[sflag:s23] =	ssyncadd.s32 $0xFFFFFFFF  }
0xa7: {  	s26 =	simm.s32 $execute0_lowered;
	[smem:$0x3FD2] =	sst s25  }
0xa8: {  	s7 =	sshll.u32 s26, $0x1;
	_ =	strace $0x80000046;
	[dreg:$0x1] =	wrdreg $0xFFFFFFFF  }
0xa9: {  	s28 =	simm.s32 $_size_execute0_lowered;
	s5 =	sadd.s32 s5, s7;
	[dreg:$0x0] =	wrdreg $0x0  }
0xaa: {  	s7 =	sshll.u32 s28, $0x1;
	[dreg:$0x2] =	wrdreg s5  }
0xab: {  	[dreg:$0x3] =	wrdreg s7  }
0xac: {  	[dreg:$0x4] =	wrdreg $0xC0  }
0xad: {  	_ =	task [dreg:s9], $0x5FFFF  }
0xae: {  	[dreg:$0x1] =	wrdreg $0xFFFFFFFF  }
0xaf: {  	[dreg:$0x0] =	wrdreg $0x60  }
0xb0: {  	[dreg:$0x2] =	wrdreg s24  }
0xb1: {  	[dreg:$0x3] =	wrdreg s2  }
0xb2: {  	[dreg:$0x4] =	wrdreg s18  }
0xb3: {  	[dreg:$0x5] =	wrdreg s4  }
0xb4: {  	[dreg:$0x6] =	wrdreg $0x28000  }
0xb5: {  	[dreg:$0x7] =	wrdreg $0x9  }
0xb6: {  	_ =	task.clear_ibuf [dreg:s9], $0x8FFFF;
	_ =	strace $0x90000046  }
0xb7: {  	s29 =	simm.s32 $0x9;
	_ =	strace $0x80000048  }
0xb8: {  	_ =	swait.ge [sflag:s29], $0x1  }
0xb9: {  	[sflag:s29] =	ssyncadd.s32 $0xFFFFFFFF  }
0xba: {  	_ =	strace $0x90000048  }
0xbb: {  	_ =	sfence  }
0xbc: {  	s30 =	sld [smem:$0x0];
	_ =	sdelay $0x2  }
0xbd: {  	s31 =	sshll.u32 s1, $0xD;
	s1 =	sshrl.u32 s1, $0x2  }
0xbe: {  	s3 =	sand.u32 $0x4000, s31;
	s1 =	sadd.s32 s1, s30  }
0xbf: {  	s0 =	sor.u32 s3, s0;
	s1 =	sshll.u32 s1, $0x11  }
0xc0: {  	s0 =	sor.u32 s1, s0  }
0xc1: {  	s0 =	sadd.s32 $0x8F2B, s0  }
0xc2: {  	[sflag:s0] =	ssyncadd.remote.s32 $0x1  }
0xc3: {  	_ =	sfence.sel $0xFFFF  }
0xc4: {  	[dreg:$0x0] =	wrdreg $0xFFFFFFFF;
	(pc) =	sbr.abs _section_cstart, $3  }
0xc5: {  	[dreg:$0x1] =	wrdreg $0xFFFFFFFF  }
0xc6: {  	_ =	task.clear_ibuf [dreg:s9], $0x2FFFF;
	_ =	strace $0x9FFFFFFF  }
0xc7: {  	(tm) =	ssettm $0x7FFFFFFF  }
tec
execute0_lowered:
.L_overlay_start_1:
0x0: {  	(tag) =	ssettag $0x1  }
0x1: {  	s0 =	rddreg [dreg:$0x0]  }
0x2: {  	s1 =	rddreg [dreg:$0x3]  }
0x3: {  	s3 =	rddreg [dreg:$0x4]  }
0x4: {  	s2 =	srdreg.scid;
	s7 =	stileid.u32;
	s4 =	simm.s32 $0x0  }
0x5: {  	s12 =	simm.s32 $0x9;
	s14 =	simm.s32 $0x1800;
	s15 =	simm.s32 $0x3500  }
0x6: {  	s16 =	simm.s32 $0x80;
	s18 =	simm.s32 $0xE400;
	s20 =	simm.s32 $0x12400  }
0x7: {  	s21 =	simm.s32 $0x1;
	s28 =	simm.s32 $0x5;
	s29 =	simm.s32 $0x6  }
0x8: {  	s30 =	simm.s32 $0x7;
	s31 =	simm.s32 $0x8;
	s2 =	sand.u32 $0x1, s2  }
0x9: {  	s6 =	smul.u32 $0x640000, s7;
	[smem:$0x7FF] =	sst s4;
	s5 =	sadd.s32 $0x400, s0  }
0xa: {  	s10 =	sshll.u32 s7, $0x1;
	s8 =	smul.u32 $0x320000, s2;
	s22 =	ssub.s32 $0x2, s2  }
0xb: {  	p0 =	sne.s32 s7, $0x0;
	_ =	strace $0x80000047;
	s9 =	sshrl.u32 s22, $0x1  }
0xc: {  	s2 =	sor.u32 s2, s10;
	s8 =	sadd.s32 s8, s6;
	s0 =	ssub.s32 s22, s9  }
0xd: {  	s6 =	smul.u32 $0x6400, s2;
	s22 =	simm.s32 $0x16400;
	s23 =	sor.u32 $0x4000, s8  }
0xe: {  	s0 =	smax.u32 s0, $0x1;
	s25 =	sor.u32 $0xC000, s8;
	s26 =	sor.u32 $0x8000, s8  }
0xf: {  	s8 =	sshrl.u32 s8, $0x3;
	[dreg:$0x6] =	wrdreg s0;
	s24 =	sshrl.u32 s23, $0x3  }
.Ltmp0:
0x10: {  	s2 =	sshrl.u32 s26, $0x3;
	s8 =	sadd.s32 s8, s1;
	(pc) =	sbr.rel .LBB2_1-.Ltmp0, $4  }
0x11: {  	v0 =	vlaneseq.u32;
	s23 =	simm.s32 $0x2;
	s0 =	sadd.s32 s24, s1;
	[dreg:$0x8] =	wrdreg s8  }
0x12: {  	v0 =	vmul.u32 $0x3, v0;
	s26 =	simm.s32 $0x4;
	[dreg:$0x7] =	wrdreg s0;
	s0 =	sshrl.u32 s25, $0x3  }
0x13: {  	s11 =	sadd.s32 s2, s1;
	s24 =	simm.s32 $0x1A400;
	s0 =	sadd.s32 s0, s1  }
0x14: {  	v1 =	vadd.s32 $0x1, v0;
	s25 =	simm.s32 $0x3;
	[dreg:$0x9] =	wrdreg s0;
	s0 =	simm.s32 $0x0  }
.LBB2_11:
0x15: {  	_ =	swait.ge [sflag:s28], $0x4000  }
0x16: {  	[sflag:s28] =	ssyncset.done $0x0  }
0x17: {  	[sflag:s28] =	ssyncadd.s32 $0xFFFFC000  }
0x18: {  	_ =	swait.ge [sflag:s29], $0x4000  }
0x19: {  	[sflag:s29] =	ssyncset.done $0x0  }
0x1a: {  	[sflag:s29] =	ssyncadd.s32 $0xFFFFC000  }
0x1b: {  	_ =	swait.ge [sflag:s30], $0x4000  }
0x1c: {  	[sflag:s30] =	ssyncset.done $0x0  }
0x1d: {  	[sflag:s30] =	ssyncadd.s32 $0xFFFFC000  }
0x1e: {  	_ =	swait.ge [sflag:s31], $0x4000  }
0x1f: {  	s0 =	sadd.s32 $0x1, s0;
	s1 =	rddreg [dreg:$0x6]  }
0x20: {  	p1 =	sne.s32 s0, s1  }
.Ltmp1:
0x21: {  	_ = 	snop;
	(pc) =	sbr.rel @!p1 .LBB2_12-.Ltmp1, $3  }
0x22: {  	_ =	sdelay $0x1  }
0x23: {  	[sflag:s31] =	ssyncset.done $0x0  }
0x24: {  	[sflag:s31] =	ssyncadd.s32 $0xFFFFC000  }
.LBB2_1:
.Ltmp2:
0x25: {  	(pc) =	sbr.rel @p0 .LBB2_4-.Ltmp2, $1  }
0x26: {  	_ =	sdelay $0x3  }
0x27: {  	s1 =	simm.s32 $0x0;
	s2 =	rddreg [dreg:$0x1]  }
0x28: {  	[tilespmem:s1], [sflag:$0x9] =	stream.linear.gather [hbm4b:s2+s1], $0x680, $0x38;
	[tilespmem:$0x1E400] =	vst v63  }
0x29: {  	_ =	swait.ge [sflag:s12], $0x680  }
0x2a: {  	[sflag:s12] =	ssyncset.done $0x0  }
0x2b: {  	[sflag:s12] =	ssyncadd.s32 $0xFFFFF980  }
0x2c: {  	s7 =	simm.s32 $0x800;
	s19 =	rddreg [dreg:$0x2]  }
0x2d: {  	[tilespmem:s7], [sflag:$0x9] =	stream.linear.gather [hbm4b:s19+s1], $0x1000, $0x38;
	[tilespmem:$0x1E400] =	vst v63  }
0x2e: {  	_ =	swait.ge [sflag:s12], $0x1000  }
0x2f: {  	[sflag:s12] =	ssyncset.done $0x0  }
0x30: {  	s2 =	simm.s32 $0x40;
	[sflag:s12] =	ssyncadd.s32 $0xFFFFF000  }
.LBB2_3:
0x31: {  	v2 =	vld [tilespmem:s2+$0xFFFFFFC0]  }
0x32: {  	v3 =	vld [tilespmem:$0x800]  }
0x33: {  	v4 =	vld [tilespmem:$0x880]  }
0x34: {  	v5 =	vld [tilespmem:$0x900]  }
0x35: {  	v6 =	vld [tilespmem:$0x980]  }
0x36: {  	v7 =	vld [tilespmem:$0xA00]  }
0x37: {  	v8 =	vld [tilespmem:$0xA80];
	v3 =	vadd.f32 v3, v2  }
0x38: {  	v9 =	vld [tilespmem:$0xB00];
	v4 =	vadd.f32 v4, v2  }
0x39: {  	v29 =	vld [tilespmem:$0xB80];
	[tilespmem:$0x1800] =	vst v3;
	v3 =	vadd.f32 v5, v2  }
0x3a: {  	v31 =	vld [tilespmem:$0xC00];
	v30 =	vadd.f32 v6, v2;
	[tilespmem:$0x1880] =	vst v4  }
0x3b: {  	v32 =	vld [tilespmem:$0xC80];
	[tilespmem:$0x1900] =	vst v3;
	v3 =	vadd.f32 v7, v2  }
0x3c: {  	v34 =	vld [tilespmem:$0xD00];
	v33 =	vadd.f32 v8, v2;
	[tilespmem:$0x1980] =	vst v30  }
0x3d: {  	[tilespmem:$0x1A00] =	vst v3;
	v3 =	vadd.f32 v9, v2  }
0x3e: {  	v35 =	vadd.f32 v29, v2;
	[tilespmem:$0x1A80] =	vst v33  }
0x3f: {  	[tilespmem:$0x1B00] =	vst v3;
	v3 =	vadd.f32 v31, v2  }
0x40: {  	v36 =	vadd.f32 v32, v2;
	[tilespmem:$0x1B80] =	vst v35  }
0x41: {  	[tilespmem:$0x1C00] =	vst v3;
	v3 =	vadd.f32 v34, v2  }
0x42: {  	[tilespmem:$0x1C80] =	vst v36  }
0x43: {  	[tilespmem:$0x1D00] =	vst v3  }
0x44: {  	v3 =	vld [tilespmem:$0xD80]  }
0x45: {  	v37 =	vld [tilespmem:$0xE00]  }
0x46: {  	v39 =	vld [tilespmem:$0xF00]  }
0x47: {  	v38 =	vld [tilespmem:$0xE80]  }
0x48: {  	v41 =	vld [tilespmem:$0x1000]  }
0x49: {  	v40 =	vld [tilespmem:$0xF80];
	v3 =	vadd.f32 v3, v2  }
0x4a: {  	v43 =	vld [tilespmem:$0x1100];
	v4 =	vadd.f32 v37, v2  }
0x4b: {  	v42 =	vld [tilespmem:$0x1080];
	v44 =	vadd.f32 v39, v2;
	[tilespmem:$0x1D80] =	vst v3  }
0x4c: {  	v46 =	vld [tilespmem:$0x1200];
	v3 =	vadd.f32 v38, v2;
	[tilespmem:$0x1E00] =	vst v4  }
0x4d: {  	v45 =	vld [tilespmem:$0x1180];
	v47 =	vadd.f32 v41, v2;
	[tilespmem:$0x1F00] =	vst v44  }
0x4e: {  	v49 =	vld [tilespmem:$0x1300];
	[tilespmem:$0x1E80] =	vst v3;
	v3 =	vadd.f32 v40, v2  }
0x4f: {  	v48 =	vld [tilespmem:$0x1280];
	v50 =	vadd.f32 v43, v2;
	[tilespmem:$0x2000] =	vst v47  }
0x50: {  	v52 =	vld [tilespmem:$0x1400];
	[tilespmem:$0x1F80] =	vst v3;
	v3 =	vadd.f32 v42, v2  }
0x51: {  	v51 =	vld [tilespmem:$0x1380];
	v53 =	vadd.f32 v46, v2;
	[tilespmem:$0x2100] =	vst v50  }
0x52: {  	v55 =	vld [tilespmem:$0x1500];
	[tilespmem:$0x2080] =	vst v3;
	v3 =	vadd.f32 v45, v2  }
0x53: {  	v54 =	vld [tilespmem:$0x1480];
	v56 =	vadd.f32 v49, v2;
	[tilespmem:$0x2200] =	vst v53  }
0x54: {  	v58 =	vld [tilespmem:$0x1600];
	[tilespmem:$0x2180] =	vst v3;
	v3 =	vadd.f32 v48, v2  }
0x55: {  	v57 =	vld [tilespmem:$0x1580];
	v59 =	vadd.f32 v52, v2;
	[tilespmem:$0x2300] =	vst v56  }
0x56: {  	v61 =	vld [tilespmem:$0x1700];
	[tilespmem:$0x2280] =	vst v3;
	v3 =	vadd.f32 v51, v2  }
0x57: {  	v60 =	vld [tilespmem:$0x1680];
	v62 =	vadd.f32 v55, v2;
	[tilespmem:$0x2400] =	vst v59  }
0x58: {  	v63 =	vld [tilespmem:$0x1780];
	[tilespmem:$0x2380] =	vst v3;
	v3 =	vadd.f32 v54, v2  }
0x59: {  	v10 =	vadd.f32 v58, v2;
	[tilespmem:$0x2500] =	vst v62  }
0x5a: {  	[tilespmem:$0x2480] =	vst v3;
	v3 =	vadd.f32 v57, v2  }
0x5b: {  	v11 =	vadd.f32 v61, v2;
	[tilespmem:$0x2600] =	vst v10  }
0x5c: {  	[tilespmem:$0x2580] =	vst v3;
	v3 =	vadd.f32 v60, v2  }
0x5d: {  	[tilespmem:$0x2700] =	vst v11;
	v2 =	vadd.f32 v63, v2  }
0x5e: {  	[tilespmem:$0x2680] =	vst v3  }
0x5f: {  	[tilespmem:$0x2780] =	vst v2;
	v3 =	vld [tilespmem:$0x810]  }
0x60: {  	v2 =	vld [tilespmem:s2+$0xFFFFFFD0]  }
0x61: {  	v12 =	vld [tilespmem:$0x890]  }
0x62: {  	v13 =	vld [tilespmem:$0x910]  }
0x63: {  	v14 =	vld [tilespmem:$0x990]  }
0x64: {  	v15 =	vld [tilespmem:$0xA10]  }
0x65: {  	v16 =	vld [tilespmem:$0xA90];
	v3 =	vadd.f32 v3, v2  }
0x66: {  	v17 =	vld [tilespmem:$0xB10];
	v4 =	vadd.f32 v12, v2  }
0x67: {  	v18 =	vld [tilespmem:$0xB90];
	[tilespmem:$0x1810] =	vst v3;
	v3 =	vadd.f32 v13, v2  }
0x68: {  	v20 =	vld [tilespmem:$0xC10];
	v19 =	vadd.f32 v14, v2;
	[tilespmem:$0x1890] =	vst v4  }
0x69: {  	v21 =	vld [tilespmem:$0xC90];
	[tilespmem:$0x1910] =	vst v3;
	v3 =	vadd.f32 v15, v2  }
0x6a: {  	v23 =	vld [tilespmem:$0xD10];
	v22 =	vadd.f32 v16, v2;
	[tilespmem:$0x1990] =	vst v19  }
0x6b: {  	v24 =	vld [tilespmem:$0xD90];
	[tilespmem:$0x1A10] =	vst v3;
	v3 =	vadd.f32 v17, v2  }
0x6c: {  	v26 =	vld [tilespmem:$0xE10];
	v25 =	vadd.f32 v18, v2;
	[tilespmem:$0x1A90] =	vst v22  }
0x6d: {  	v27 =	vld [tilespmem:$0xE90];
	[tilespmem:$0x1B10] =	vst v3;
	v3 =	vadd.f32 v20, v2  }
0x6e: {  	v29 =	vld [tilespmem:$0xF10];
	v28 =	vadd.f32 v21, v2;
	[tilespmem:$0x1B90] =	vst v25  }
0x6f: {  	v30 =	vld [tilespmem:$0xF90];
	[tilespmem:$0x1C10] =	vst v3;
	v3 =	vadd.f32 v23, v2  }
0x70: {  	v32 =	vld [tilespmem:$0x1010];
	v31 =	vadd.f32 v24, v2;
	[tilespmem:$0x1C90] =	vst v28  }
0x71: {  	v33 =	vld [tilespmem:$0x1090];
	[tilespmem:$0x1D10] =	vst v3;
	v3 =	vadd.f32 v26, v2  }
0x72: {  	v35 =	vld [tilespmem:$0x1110];
	v34 =	vadd.f32 v27, v2;
	[tilespmem:$0x1D90] =	vst v31  }
0x73: {  	v36 =	vld [tilespmem:$0x1190];
	[tilespmem:$0x1E10] =	vst v3;
	v3 =	vadd.f32 v29, v2  }
0x74: {  	v38 =	vld [tilespmem:$0x1210];
	v37 =	vadd.f32 v30, v2;
	[tilespmem:$0x1E90] =	vst v34  }
0x75: {  	v39 =	vld [tilespmem:$0x1290];
	[tilespmem:$0x1F10] =	vst v3;
	v3 =	vadd.f32 v32, v2  }
0x76: {  	v41 =	vld [tilespmem:$0x1310];
	v40 =	vadd.f32 v33, v2;
	[tilespmem:$0x1F90] =	vst v37  }
0x77: {  	v42 =	vld [tilespmem:$0x1390];
	[tilespmem:$0x2010] =	vst v3;
	v3 =	vadd.f32 v35, v2  }
0x78: {  	v44 =	vld [tilespmem:$0x1410];
	v43 =	vadd.f32 v36, v2;
	[tilespmem:$0x2090] =	vst v40  }
0x79: {  	v45 =	vld [tilespmem:$0x1490];
	[tilespmem:$0x2110] =	vst v3;
	v3 =	vadd.f32 v38, v2  }
0x7a: {  	v47 =	vld [tilespmem:$0x1510];
	v46 =	vadd.f32 v39, v2;
	[tilespmem:$0x2190] =	vst v43  }
0x7b: {  	v48 =	vld [tilespmem:$0x1590];
	[tilespmem:$0x2210] =	vst v3;
	v3 =	vadd.f32 v41, v2  }
0x7c: {  	v50 =	vld [tilespmem:$0x1610];
	v49 =	vadd.f32 v42, v2;
	[tilespmem:$0x2290] =	vst v46  }
0x7d: {  	v51 =	vld [tilespmem:$0x1690];
	[tilespmem:$0x2310] =	vst v3;
	v3 =	vadd.f32 v44, v2  }
0x7e: {  	v53 =	vld [tilespmem:$0x1710];
	v52 =	vadd.f32 v45, v2;
	[tilespmem:$0x2390] =	vst v49  }
0x7f: {  	v54 =	vld [tilespmem:$0x1790];
	[tilespmem:$0x2410] =	vst v3;
	v3 =	vadd.f32 v47, v2  }
0x80: {  	v55 =	vadd.f32 v48, v2;
	[tilespmem:$0x2490] =	vst v52  }
0x81: {  	[tilespmem:$0x2510] =	vst v3;
	v3 =	vadd.f32 v50, v2  }
0x82: {  	v56 =	vadd.f32 v51, v2;
	[tilespmem:$0x2590] =	vst v55  }
0x83: {  	[tilespmem:$0x2610] =	vst v3;
	v3 =	vadd.f32 v53, v2  }
0x84: {  	[tilespmem:$0x2690] =	vst v56;
	v2 =	vadd.f32 v54, v2  }
0x85: {  	[tilespmem:$0x2710] =	vst v3  }
0x86: {  	[tilespmem:$0x2790] =	vst v2;
	v3 =	vld [tilespmem:$0x820]  }
0x87: {  	v2 =	vld [tilespmem:s2+$0xFFFFFFE0]  }
0x88: {  	v57 =	vld [tilespmem:$0x8A0]  }
0x89: {  	v58 =	vld [tilespmem:$0x920]  }
0x8a: {  	v59 =	vld [tilespmem:$0x9A0]  }
0x8b: {  	v60 =	vld [tilespmem:$0xA20]  }
0x8c: {  	v61 =	vld [tilespmem:$0xAA0];
	v3 =	vadd.f32 v3, v2  }
0x8d: {  	v62 =	vld [tilespmem:$0xB20];
	v4 =	vadd.f32 v57, v2  }
0x8e: {  	v63 =	vld [tilespmem:$0xBA0];
	[tilespmem:$0x1820] =	vst v3;
	v3 =	vadd.f32 v58, v2  }
0x8f: {  	v12 =	vld [tilespmem:$0xC20];
	v11 =	vadd.f32 v59, v2;
	[tilespmem:$0x18A0] =	vst v4  }
0x90: {  	v13 =	vld [tilespmem:$0xCA0];
	[tilespmem:$0x1920] =	vst v3;
	v3 =	vadd.f32 v60, v2  }
0x91: {  	v15 =	vld [tilespmem:$0xD20];
	v14 =	vadd.f32 v61, v2;
	[tilespmem:$0x19A0] =	vst v11  }
0x92: {  	v16 =	vld [tilespmem:$0xDA0];
	[tilespmem:$0x1A20] =	vst v3;
	v3 =	vadd.f32 v62, v2  }
0x93: {  	v18 =	vld [tilespmem:$0xE20];
	v17 =	vadd.f32 v63, v2;
	[tilespmem:$0x1AA0] =	vst v14  }
0x94: {  	v19 =	vld [tilespmem:$0xEA0];
	[tilespmem:$0x1B20] =	vst v3;
	v3 =	vadd.f32 v12, v2  }
0x95: {  	v21 =	vld [tilespmem:$0xF20];
	v20 =	vadd.f32 v13, v2;
	[tilespmem:$0x1BA0] =	vst v17  }
0x96: {  	v22 =	vld [tilespmem:$0xFA0];
	[tilespmem:$0x1C20] =	vst v3;
	v3 =	vadd.f32 v15, v2  }
0x97: {  	v24 =	vld [tilespmem:$0x1020];
	v23 =	vadd.f32 v16, v2;
	[tilespmem:$0x1CA0] =	vst v20  }
0x98: {  	v25 =	vld [tilespmem:$0x10A0];
	[tilespmem:$0x1D20] =	vst v3;
	v3 =	vadd.f32 v18, v2  }
0x99: {  	v27 =	vld [tilespmem:$0x1120];
	v26 =	vadd.f32 v19, v2;
	[tilespmem:$0x1DA0] =	vst v23  }
0x9a: {  	v28 =	vld [tilespmem:$0x11A0];
	[tilespmem:$0x1E20] =	vst v3;
	v3 =	vadd.f32 v21, v2  }
0x9b: {  	v30 =	vld [tilespmem:$0x1220];
	v29 =	vadd.f32 v22, v2;
	[tilespmem:$0x1EA0] =	vst v26  }
0x9c: {  	v31 =	vld [tilespmem:$0x12A0];
	[tilespmem:$0x1F20] =	vst v3;
	v3 =	vadd.f32 v24, v2  }
0x9d: {  	v33 =	vld [tilespmem:$0x1320];
	v32 =	vadd.f32 v25, v2;
	[tilespmem:$0x1FA0] =	vst v29  }
0x9e: {  	v34 =	vld [tilespmem:$0x13A0];
	[tilespmem:$0x2020] =	vst v3;
	v3 =	vadd.f32 v27, v2  }
0x9f: {  	v36 =	vld [tilespmem:$0x1420];
	v35 =	vadd.f32 v28, v2;
	[tilespmem:$0x20A0] =	vst v32  }
0xa0: {  	v37 =	vld [tilespmem:$0x14A0];
	[tilespmem:$0x2120] =	vst v3;
	v3 =	vadd.f32 v30, v2  }
0xa1: {  	v39 =	vld [tilespmem:$0x1520];
	v38 =	vadd.f32 v31, v2;
	[tilespmem:$0x21A0] =	vst v35  }
0xa2: {  	v40 =	vld [tilespmem:$0x15A0];
	[tilespmem:$0x2220] =	vst v3;
	v3 =	vadd.f32 v33, v2  }
0xa3: {  	v42 =	vld [tilespmem:$0x1620];
	v41 =	vadd.f32 v34, v2;
	[tilespmem:$0x22A0] =	vst v38  }
0xa4: {  	v43 =	vld [tilespmem:$0x16A0];
	[tilespmem:$0x2320] =	vst v3;
	v3 =	vadd.f32 v36, v2  }
0xa5: {  	v45 =	vld [tilespmem:$0x1720];
	v44 =	vadd.f32 v37, v2;
	[tilespmem:$0x23A0] =	vst v41  }
0xa6: {  	v46 =	vld [tilespmem:$0x17A0];
	[tilespmem:$0x2420] =	vst v3;
	v3 =	vadd.f32 v39, v2  }
0xa7: {  	v47 =	vadd.f32 v40, v2;
	[tilespmem:$0x24A0] =	vst v44  }
0xa8: {  	[tilespmem:$0x2520] =	vst v3;
	v3 =	vadd.f32 v42, v2  }
0xa9: {  	v48 =	vadd.f32 v43, v2;
	[tilespmem:$0x25A0] =	vst v47  }
0xaa: {  	[tilespmem:$0x2620] =	vst v3;
	v3 =	vadd.f32 v45, v2  }
0xab: {  	[tilespmem:$0x26A0] =	vst v48;
	v2 =	vadd.f32 v46, v2  }
0xac: {  	[tilespmem:$0x2720] =	vst v3  }
0xad: {  	[tilespmem:$0x27A0] =	vst v2;
	v3 =	vld [tilespmem:$0x830]  }
0xae: {  	v2 =	vld [tilespmem:s2+$0xFFFFFFF0]  }
0xaf: {  	v49 =	vld [tilespmem:$0x8B0]  }
0xb0: {  	v50 =	vld [tilespmem:$0x930]  }
0xb1: {  	v51 =	vld [tilespmem:$0x9B0]  }
0xb2: {  	v52 =	vld [tilespmem:$0xA30]  }
0xb3: {  	v53 =	vld [tilespmem:$0xAB0];
	v3 =	vadd.f32 v3, v2  }
0xb4: {  	v54 =	vld [tilespmem:$0xB30];
	v4 =	vadd.f32 v49, v2  }
0xb5: {  	v55 =	vld [tilespmem:$0xBB0];
	[tilespmem:$0x1830] =	vst v3;
	v3 =	vadd.f32 v50, v2  }
0xb6: {  	v57 =	vld [tilespmem:$0xC30];
	v56 =	vadd.f32 v51, v2;
	[tilespmem:$0x18B0] =	vst v4  }
0xb7: {  	v58 =	vld [tilespmem:$0xCB0];
	[tilespmem:$0x1930] =	vst v3;
	v3 =	vadd.f32 v52, v2  }
0xb8: {  	v60 =	vld [tilespmem:$0xD30];
	v59 =	vadd.f32 v53, v2;
	[tilespmem:$0x19B0] =	vst v56  }
0xb9: {  	v61 =	vld [tilespmem:$0xDB0];
	[tilespmem:$0x1A30] =	vst v3;
	v3 =	vadd.f32 v54, v2  }
0xba: {  	v63 =	vld [tilespmem:$0xE30];
	v62 =	vadd.f32 v55, v2;
	[tilespmem:$0x1AB0] =	vst v59  }
0xbb: {  	v12 =	vld [tilespmem:$0xEB0];
	[tilespmem:$0x1B30] =	vst v3;
	v3 =	vadd.f32 v57, v2  }
0xbc: {  	v14 =	vld [tilespmem:$0xF30];
	v13 =	vadd.f32 v58, v2;
	[tilespmem:$0x1BB0] =	vst v62  }
0xbd: {  	v15 =	vld [tilespmem:$0xFB0];
	[tilespmem:$0x1C30] =	vst v3;
	v3 =	vadd.f32 v60, v2  }
0xbe: {  	v17 =	vld [tilespmem:$0x1030];
	v16 =	vadd.f32 v61, v2;
	[tilespmem:$0x1CB0] =	vst v13  }
0xbf: {  	v18 =	vld [tilespmem:$0x10B0];
	[tilespmem:$0x1D30] =	vst v3;
	v3 =	vadd.f32 v63, v2  }
0xc0: {  	v20 =	vld [tilespmem:$0x1130];
	v19 =	vadd.f32 v12, v2;
	[tilespmem:$0x1DB0] =	vst v16  }
0xc1: {  	v21 =	vld [tilespmem:$0x11B0];
	[tilespmem:$0x1E30] =	vst v3;
	v3 =	vadd.f32 v14, v2  }
0xc2: {  	v23 =	vld [tilespmem:$0x1230];
	v22 =	vadd.f32 v15, v2;
	[tilespmem:$0x1EB0] =	vst v19  }
0xc3: {  	v24 =	vld [tilespmem:$0x12B0];
	[tilespmem:$0x1F30] =	vst v3;
	v3 =	vadd.f32 v17, v2  }
0xc4: {  	v26 =	vld [tilespmem:$0x1330];
	v25 =	vadd.f32 v18, v2;
	[tilespmem:$0x1FB0] =	vst v22  }
0xc5: {  	v27 =	vld [tilespmem:$0x13B0];
	[tilespmem:$0x2030] =	vst v3;
	v3 =	vadd.f32 v20, v2  }
0xc6: {  	v29 =	vld [tilespmem:$0x1430];
	v28 =	vadd.f32 v21, v2;
	[tilespmem:$0x20B0] =	vst v25  }
0xc7: {  	v30 =	vld [tilespmem:$0x14B0];
	[tilespmem:$0x2130] =	vst v3;
	v3 =	vadd.f32 v23, v2  }
0xc8: {  	v32 =	vld [tilespmem:$0x1530];
	v31 =	vadd.f32 v24, v2;
	[tilespmem:$0x21B0] =	vst v28  }
0xc9: {  	v33 =	vld [tilespmem:$0x15B0];
	[tilespmem:$0x2230] =	vst v3;
	v3 =	vadd.f32 v26, v2  }
0xca: {  	v35 =	vld [tilespmem:$0x1630];
	v34 =	vadd.f32 v27, v2;
	[tilespmem:$0x22B0] =	vst v31  }
0xcb: {  	v36 =	vld [tilespmem:$0x16B0];
	[tilespmem:$0x2330] =	vst v3;
	v3 =	vadd.f32 v29, v2  }
0xcc: {  	v38 =	vld [tilespmem:$0x1730];
	v37 =	vadd.f32 v30, v2;
	[tilespmem:$0x23B0] =	vst v34  }
0xcd: {  	v39 =	vld [tilespmem:$0x17B0];
	[tilespmem:$0x2430] =	vst v3;
	v3 =	vadd.f32 v32, v2  }
0xce: {  	v40 =	vadd.f32 v33, v2;
	[tilespmem:$0x24B0] =	vst v37  }
0xcf: {  	[tilespmem:$0x2530] =	vst v3;
	v3 =	vadd.f32 v35, v2  }
0xd0: {  	v41 =	vadd.f32 v36, v2;
	[tilespmem:$0x25B0] =	vst v40  }
0xd1: {  	[tilespmem:$0x2630] =	vst v3;
	v3 =	vadd.f32 v38, v2  }
0xd2: {  	[tilespmem:$0x26B0] =	vst v41;
	v2 =	vadd.f32 v39, v2  }
0xd3: {  	[tilespmem:$0x2730] =	vst v3  }
0xd4: {  	[tilespmem:$0x27B0] =	vst v2;
	v3 =	vld [tilespmem:$0x840]  }
0xd5: {  	v2 =	vld [tilespmem:s2+$0x0]  }
0xd6: {  	v42 =	vld [tilespmem:$0x8C0]  }
0xd7: {  	v43 =	vld [tilespmem:$0x940]  }
0xd8: {  	v44 =	vld [tilespmem:$0x9C0]  }
0xd9: {  	v45 =	vld [tilespmem:$0xA40]  }
0xda: {  	v46 =	vld [tilespmem:$0xAC0];
	v3 =	vadd.f32 v3, v2  }
0xdb: {  	v47 =	vld [tilespmem:$0xB40];
	v4 =	vadd.f32 v42, v2  }
0xdc: {  	v48 =	vld [tilespmem:$0xBC0];
	[tilespmem:$0x1840] =	vst v3;
	v3 =	vadd.f32 v43, v2  }
0xdd: {  	v50 =	vld [tilespmem:$0xC40];
	v49 =	vadd.f32 v44, v2;
	[tilespmem:$0x18C0] =	vst v4  }
0xde: {  	v51 =	vld [tilespmem:$0xCC0];
	[tilespmem:$0x1940] =	vst v3;
	v3 =	vadd.f32 v45, v2  }
0xdf: {  	v53 =	vld [tilespmem:$0xD40];
	v52 =	vadd.f32 v46, v2;
	[tilespmem:$0x19C0] =	vst v49  }
0xe0: {  	v54 =	vld [tilespmem:$0xDC0];
	[tilespmem:$0x1A40] =	vst v3;
	v3 =	vadd.f32 v47, v2  }
0xe1: {  	v56 =	vld [tilespmem:$0xE40];
	v55 =	vadd.f32 v48, v2;
	[tilespmem:$0x1AC0] =	vst v52  }
0xe2: {  	v57 =	vld [tilespmem:$0xEC0];
	[tilespmem:$0x1B40] =	vst v3;
	v3 =	vadd.f32 v50, v2  }
0xe3: {  	v59 =	vld [tilespmem:$0xF40];
	v58 =	vadd.f32 v51, v2;
	[tilespmem:$0x1BC0] =	vst v55  }
0xe4: {  	v60 =	vld [tilespmem:$0xFC0];
	[tilespmem:$0x1C40] =	vst v3;
	v3 =	vadd.f32 v53, v2  }
0xe5: {  	v62 =	vld [tilespmem:$0x1040];
	v61 =	vadd.f32 v54, v2;
	[tilespmem:$0x1CC0] =	vst v58  }
0xe6: {  	v63 =	vld [tilespmem:$0x10C0];
	[tilespmem:$0x1D40] =	vst v3;
	v3 =	vadd.f32 v56, v2  }
0xe7: {  	v12 =	vld [tilespmem:$0x1140];
	v11 =	vadd.f32 v57, v2;
	[tilespmem:$0x1DC0] =	vst v61  }
0xe8: {  	v13 =	vld [tilespmem:$0x11C0];
	[tilespmem:$0x1E40] =	vst v3;
	v3 =	vadd.f32 v59, v2  }
0xe9: {  	v15 =	vld [tilespmem:$0x1240];
	v14 =	vadd.f32 v60, v2;
	[tilespmem:$0x1EC0] =	vst v11  }
0xea: {  	v16 =	vld [tilespmem:$0x12C0];
	[tilespmem:$0x1F40] =	vst v3;
	v3 =	vadd.f32 v62, v2  }
0xeb: {  	v18 =	vld [tilespmem:$0x1340];
	v17 =	vadd.f32 v63, v2;
	[tilespmem:$0x1FC0] =	vst v14  }
0xec: {  	v19 =	vld [tilespmem:$0x13C0];
	[tilespmem:$0x2040] =	vst v3;
	v3 =	vadd.f32 v12, v2  }
0xed: {  	v21 =	vld [tilespmem:$0x1440];
	v20 =	vadd.f32 v13, v2;
	[tilespmem:$0x20C0] =	vst v17  }
0xee: {  	v22 =	vld [tilespmem:$0x14C0];
	[tilespmem:$0x2140] =	vst v3;
	v3 =	vadd.f32 v15, v2  }
0xef: {  	v24 =	vld [tilespmem:$0x1540];
	v23 =	vadd.f32 v16, v2;
	[tilespmem:$0x21C0] =	vst v20  }
0xf0: {  	v25 =	vld [tilespmem:$0x15C0];
	[tilespmem:$0x2240] =	vst v3;
	v3 =	vadd.f32 v18, v2  }
0xf1: {  	v27 =	vld [tilespmem:$0x1640];
	v26 =	vadd.f32 v19, v2;
	[tilespmem:$0x22C0] =	vst v23  }
0xf2: {  	v28 =	vld [tilespmem:$0x16C0];
	[tilespmem:$0x2340] =	vst v3;
	v3 =	vadd.f32 v21, v2  }
0xf3: {  	v30 =	vld [tilespmem:$0x1740];
	v29 =	vadd.f32 v22, v2;
	[tilespmem:$0x23C0] =	vst v26  }
0xf4: {  	v31 =	vld [tilespmem:$0x17C0];
	[tilespmem:$0x2440] =	vst v3;
	v3 =	vadd.f32 v24, v2  }
0xf5: {  	v32 =	vadd.f32 v25, v2;
	[tilespmem:$0x24C0] =	vst v29  }
0xf6: {  	[tilespmem:$0x2540] =	vst v3;
	v3 =	vadd.f32 v27, v2  }
0xf7: {  	v33 =	vadd.f32 v28, v2;
	[tilespmem:$0x25C0] =	vst v32  }
0xf8: {  	[tilespmem:$0x2640] =	vst v3;
	v3 =	vadd.f32 v30, v2  }
0xf9: {  	[tilespmem:$0x26C0] =	vst v33;
	v2 =	vadd.f32 v31, v2  }
0xfa: {  	[tilespmem:$0x2740] =	vst v3  }
0xfb: {  	[tilespmem:$0x27C0] =	vst v2;
	v3 =	vld [tilespmem:$0x850]  }
0xfc: {  	v2 =	vld [tilespmem:s2+$0x10]  }
0xfd: {  	v34 =	vld [tilespmem:$0x8D0]  }
0xfe: {  	v35 =	vld [tilespmem:$0x950]  }
0xff: {  	v36 =	vld [tilespmem:$0x9D0]  }
0x100: {  	v37 =	vld [tilespmem:$0xA50]  }
0x101: {  	v38 =	vld [tilespmem:$0xAD0];
	v3 =	vadd.f32 v3, v2  }
0x102: {  	v39 =	vld [tilespmem:$0xB50];
	v4 =	vadd.f32 v34, v2  }
0x103: {  	v40 =	vld [tilespmem:$0xBD0];
	[tilespmem:$0x1850] =	vst v3;
	v3 =	vadd.f32 v35, v2  }
0x104: {  	v42 =	vld [tilespmem:$0xC50];
	v41 =	vadd.f32 v36, v2;
	[tilespmem:$0x18D0] =	vst v4  }
0x105: {  	v43 =	vld [tilespmem:$0xCD0];
	[tilespmem:$0x1950] =	vst v3;
	v3 =	vadd.f32 v37, v2  }
0x106: {  	v45 =	vld [tilespmem:$0xD50];
	v44 =	vadd.f32 v38, v2;
	[tilespmem:$0x19D0] =	vst v41  }
0x107: {  	v46 =	vld [tilespmem:$0xDD0];
	[tilespmem:$0x1A50] =	vst v3;
	v3 =	vadd.f32 v39, v2  }
0x108: {  	v48 =	vld [tilespmem:$0xE50];
	v47 =	vadd.f32 v40, v2;
	[tilespmem:$0x1AD0] =	vst v44  }
0x109: {  	v49 =	vld [tilespmem:$0xED0];
	[tilespmem:$0x1B50] =	vst v3;
	v3 =	vadd.f32 v42, v2  }
0x10a: {  	v51 =	vld [tilespmem:$0xF50];
	v50 =	vadd.f32 v43, v2;
	[tilespmem:$0x1BD0] =	vst v47  }
0x10b: {  	v52 =	vld [tilespmem:$0xFD0];
	[tilespmem:$0x1C50] =	vst v3;
	v3 =	vadd.f32 v45, v2  }
0x10c: {  	v54 =	vld [tilespmem:$0x1050];
	v53 =	vadd.f32 v46, v2;
	[tilespmem:$0x1CD0] =	vst v50  }
0x10d: {  	v55 =	vld [tilespmem:$0x10D0];
	[tilespmem:$0x1D50] =	vst v3;
	v3 =	vadd.f32 v48, v2  }
0x10e: {  	v57 =	vld [tilespmem:$0x1150];
	v56 =	vadd.f32 v49, v2;
	[tilespmem:$0x1DD0] =	vst v53  }
0x10f: {  	v58 =	vld [tilespmem:$0x11D0];
	[tilespmem:$0x1E50] =	vst v3;
	v3 =	vadd.f32 v51, v2  }
0x110: {  	v60 =	vld [tilespmem:$0x1250];
	v59 =	vadd.f32 v52, v2;
	[tilespmem:$0x1ED0] =	vst v56  }
0x111: {  	v61 =	vld [tilespmem:$0x12D0];
	[tilespmem:$0x1F50] =	vst v3;
	v3 =	vadd.f32 v54, v2  }
0x112: {  	v63 =	vld [tilespmem:$0x1350];
	v62 =	vadd.f32 v55, v2;
	[tilespmem:$0x1FD0] =	vst v59  }
0x113: {  	v12 =	vld [tilespmem:$0x13D0];
	[tilespmem:$0x2050] =	vst v3;
	v3 =	vadd.f32 v57, v2  }
0x114: {  	v14 =	vld [tilespmem:$0x1450];
	v13 =	vadd.f32 v58, v2;
	[tilespmem:$0x20D0] =	vst v62  }
0x115: {  	v15 =	vld [tilespmem:$0x14D0];
	[tilespmem:$0x2150] =	vst v3;
	v3 =	vadd.f32 v60, v2  }
0x116: {  	v17 =	vld [tilespmem:$0x1550];
	v16 =	vadd.f32 v61, v2;
	[tilespmem:$0x21D0] =	vst v13  }
0x117: {  	v18 =	vld [tilespmem:$0x15D0];
	[tilespmem:$0x2250] =	vst v3;
	v3 =	vadd.f32 v63, v2  }
0x118: {  	v20 =	vld [tilespmem:$0x1650];
	v19 =	vadd.f32 v12, v2;
	[tilespmem:$0x22D0] =	vst v16  }
0x119: {  	v21 =	vld [tilespmem:$0x16D0];
	[tilespmem:$0x2350] =	vst v3;
	v3 =	vadd.f32 v14, v2  }
0x11a: {  	v23 =	vld [tilespmem:$0x1750];
	v22 =	vadd.f32 v15, v2;
	[tilespmem:$0x23D0] =	vst v19  }
0x11b: {  	v24 =	vld [tilespmem:$0x17D0];
	[tilespmem:$0x2450] =	vst v3;
	v3 =	vadd.f32 v17, v2  }
0x11c: {  	v25 =	vadd.f32 v18, v2;
	[tilespmem:$0x24D0] =	vst v22  }
0x11d: {  	[tilespmem:$0x2550] =	vst v3;
	v3 =	vadd.f32 v20, v2  }
0x11e: {  	v26 =	vadd.f32 v21, v2;
	[tilespmem:$0x25D0] =	vst v25  }
0x11f: {  	[tilespmem:$0x2650] =	vst v3;
	v3 =	vadd.f32 v23, v2  }
0x120: {  	[tilespmem:$0x26D0] =	vst v26;
	v2 =	vadd.f32 v24, v2  }
0x121: {  	[tilespmem:$0x2750] =	vst v3  }
0x122: {  	[tilespmem:$0x27D0] =	vst v2;
	v3 =	vld [tilespmem:$0x860]  }
0x123: {  	v2 =	vld [tilespmem:s2+$0x20]  }
0x124: {  	v27 =	vld [tilespmem:$0x8E0]  }
0x125: {  	v28 =	vld [tilespmem:$0x960]  }
0x126: {  	v29 =	vld [tilespmem:$0x9E0]  }
0x127: {  	v30 =	vld [tilespmem:$0xA60]  }
0x128: {  	v31 =	vld [tilespmem:$0xAE0];
	v3 =	vadd.f32 v3, v2  }
0x129: {  	v32 =	vld [tilespmem:$0xB60];
	v4 =	vadd.f32 v27, v2  }
0x12a: {  	v33 =	vld [tilespmem:$0xBE0];
	[tilespmem:$0x1860] =	vst v3;
	v3 =	vadd.f32 v28, v2  }
0x12b: {  	v35 =	vld [tilespmem:$0xC60];
	v34 =	vadd.f32 v29, v2;
	[tilespmem:$0x18E0] =	vst v4  }
0x12c: {  	v36 =	vld [tilespmem:$0xCE0];
	[tilespmem:$0x1960] =	vst v3;
	v3 =	vadd.f32 v30, v2  }
0x12d: {  	v38 =	vld [tilespmem:$0xD60];
	v37 =	vadd.f32 v31, v2;
	[tilespmem:$0x19E0] =	vst v34  }
0x12e: {  	v39 =	vld [tilespmem:$0xDE0];
	[tilespmem:$0x1A60] =	vst v3;
	v3 =	vadd.f32 v32, v2  }
0x12f: {  	v41 =	vld [tilespmem:$0xE60];
	v40 =	vadd.f32 v33, v2;
	[tilespmem:$0x1AE0] =	vst v37  }
0x130: {  	v42 =	vld [tilespmem:$0xEE0];
	[tilespmem:$0x1B60] =	vst v3;
	v3 =	vadd.f32 v35, v2  }
0x131: {  	v44 =	vld [tilespmem:$0xF60];
	v43 =	vadd.f32 v36, v2;
	[tilespmem:$0x1BE0] =	vst v40  }
0x132: {  	v45 =	vld [tilespmem:$0xFE0];
	[tilespmem:$0x1C60] =	vst v3;
	v3 =	vadd.f32 v38, v2  }
0x133: {  	v47 =	vld [tilespmem:$0x1060];
	v46 =	vadd.f32 v39, v2;
	[tilespmem:$0x1CE0] =	vst v43  }
0x134: {  	v48 =	vld [tilespmem:$0x10E0];
	[tilespmem:$0x1D60] =	vst v3;
	v3 =	vadd.f32 v41, v2  }
0x135: {  	v50 =	vld [tilespmem:$0x1160];
	v49 =	vadd.f32 v42, v2;
	[tilespmem:$0x1DE0] =	vst v46  }
0x136: {  	v51 =	vld [tilespmem:$0x11E0];
	[tilespmem:$0x1E60] =	vst v3;
	v3 =	vadd.f32 v44, v2  }
0x137: {  	v53 =	vld [tilespmem:$0x1260];
	v52 =	vadd.f32 v45, v2;
	[tilespmem:$0x1EE0] =	vst v49  }
0x138: {  	v54 =	vld [tilespmem:$0x12E0];
	[tilespmem:$0x1F60] =	vst v3;
	v3 =	vadd.f32 v47, v2  }
0x139: {  	v56 =	vld [tilespmem:$0x1360];
	v55 =	vadd.f32 v48, v2;
	[tilespmem:$0x1FE0] =	vst v52  }
0x13a: {  	v57 =	vld [tilespmem:$0x13E0];
	[tilespmem:$0x2060] =	vst v3;
	v3 =	vadd.f32 v50, v2  }
0x13b: {  	v59 =	vld [tilespmem:$0x1460];
	v58 =	vadd.f32 v51, v2;
	[tilespmem:$0x20E0] =	vst v55  }
0x13c: {  	v60 =	vld [tilespmem:$0x14E0];
	[tilespmem:$0x2160] =	vst v3;
	v3 =	vadd.f32 v53, v2  }
0x13d: {  	v62 =	vld [tilespmem:$0x1560];
	v61 =	vadd.f32 v54, v2;
	[tilespmem:$0x21E0] =	vst v58  }
0x13e: {  	v63 =	vld [tilespmem:$0x15E0];
	[tilespmem:$0x2260] =	vst v3;
	v3 =	vadd.f32 v56, v2  }
0x13f: {  	v12 =	vld [tilespmem:$0x1660];
	v11 =	vadd.f32 v57, v2;
	[tilespmem:$0x22E0] =	vst v61  }
0x140: {  	v13 =	vld [tilespmem:$0x16E0];
	[tilespmem:$0x2360] =	vst v3;
	v3 =	vadd.f32 v59, v2  }
0x141: {  	v15 =	vld [tilespmem:$0x1760];
	v14 =	vadd.f32 v60, v2;
	[tilespmem:$0x23E0] =	vst v11  }
0x142: {  	v16 =	vld [tilespmem:$0x17E0];
	[tilespmem:$0x2460] =	vst v3;
	v3 =	vadd.f32 v62, v2  }
0x143: {  	v17 =	vadd.f32 v63, v2;
	[tilespmem:$0x24E0] =	vst v14  }
0x144: {  	[tilespmem:$0x2560] =	vst v3;
	v3 =	vadd.f32 v12, v2  }
0x145: {  	v18 =	vadd.f32 v13, v2;
	[tilespmem:$0x25E0] =	vst v17  }
0x146: {  	[tilespmem:$0x2660] =	vst v3;
	v3 =	vadd.f32 v15, v2  }
0x147: {  	[tilespmem:$0x26E0] =	vst v18;
	v2 =	vadd.f32 v16, v2  }
0x148: {  	[tilespmem:$0x2760] =	vst v3  }
0x149: {  	[tilespmem:$0x27E0] =	vst v2;
	v3 =	vld [tilespmem:$0x870]  }
0x14a: {  	v2 =	vld [tilespmem:s2+$0x30]  }
0x14b: {  	v19 =	vld [tilespmem:$0x8F0]  }
0x14c: {  	v20 =	vld [tilespmem:$0x970]  }
0x14d: {  	v21 =	vld [tilespmem:$0x9F0]  }
0x14e: {  	v22 =	vld [tilespmem:$0xA70]  }
0x14f: {  	v23 =	vld [tilespmem:$0xAF0];
	v3 =	vadd.f32 v3, v2  }
0x150: {  	v24 =	vld [tilespmem:$0xB70];
	v4 =	vadd.f32 v19, v2  }
0x151: {  	v25 =	vld [tilespmem:$0xBF0];
	[tilespmem:$0x1870] =	vst v3;
	v3 =	vadd.f32 v20, v2  }
0x152: {  	v27 =	vld [tilespmem:$0xC70];
	v26 =	vadd.f32 v21, v2;
	[tilespmem:$0x18F0] =	vst v4  }
0x153: {  	v28 =	vld [tilespmem:$0xCF0];
	[tilespmem:$0x1970] =	vst v3;
	v3 =	vadd.f32 v22, v2  }
0x154: {  	v30 =	vld [tilespmem:$0xD70];
	v29 =	vadd.f32 v23, v2;
	[tilespmem:$0x19F0] =	vst v26  }
0x155: {  	v31 =	vld [tilespmem:$0xDF0];
	[tilespmem:$0x1A70] =	vst v3;
	v3 =	vadd.f32 v24, v2  }
0x156: {  	v33 =	vld [tilespmem:$0xE70];
	v32 =	vadd.f32 v25, v2;
	[tilespmem:$0x1AF0] =	vst v29  }
0x157: {  	v34 =	vld [tilespmem:$0xEF0];
	[tilespmem:$0x1B70] =	vst v3;
	v3 =	vadd.f32 v27, v2  }
0x158: {  	v36 =	vld [tilespmem:$0xF70];
	v35 =	vadd.f32 v28, v2;
	[tilespmem:$0x1BF0] =	vst v32  }
0x159: {  	v37 =	vld [tilespmem:$0xFF0];
	[tilespmem:$0x1C70] =	vst v3;
	v3 =	vadd.f32 v30, v2  }
0x15a: {  	v39 =	vld [tilespmem:$0x1070];
	v38 =	vadd.f32 v31, v2;
	[tilespmem:$0x1CF0] =	vst v35  }
0x15b: {  	v40 =	vld [tilespmem:$0x10F0];
	[tilespmem:$0x1D70] =	vst v3;
	v3 =	vadd.f32 v33, v2  }
0x15c: {  	v42 =	vld [tilespmem:$0x1170];
	v41 =	vadd.f32 v34, v2;
	[tilespmem:$0x1DF0] =	vst v38  }
0x15d: {  	v43 =	vld [tilespmem:$0x11F0];
	[tilespmem:$0x1E70] =	vst v3;
	v3 =	vadd.f32 v36, v2  }
0x15e: {  	v45 =	vld [tilespmem:$0x1270];
	v44 =	vadd.f32 v37, v2;
	[tilespmem:$0x1EF0] =	vst v41  }
0x15f: {  	v46 =	vld [tilespmem:$0x12F0];
	[tilespmem:$0x1F70] =	vst v3;
	v3 =	vadd.f32 v39, v2  }
0x160: {  	v48 =	vld [tilespmem:$0x1370];
	v47 =	vadd.f32 v40, v2;
	[tilespmem:$0x1FF0] =	vst v44  }
0x161: {  	v49 =	vld [tilespmem:$0x13F0];
	[tilespmem:$0x2070] =	vst v3;
	v3 =	vadd.f32 v42, v2  }
0x162: {  	v51 =	vld [tilespmem:$0x1470];
	v50 =	vadd.f32 v43, v2;
	[tilespmem:$0x20F0] =	vst v47  }
0x163: {  	v52 =	vld [tilespmem:$0x14F0];
	[tilespmem:$0x2170] =	vst v3;
	v3 =	vadd.f32 v45, v2  }
0x164: {  	v54 =	vld [tilespmem:$0x1570];
	v53 =	vadd.f32 v46, v2;
	[tilespmem:$0x21F0] =	vst v50  }
0x165: {  	v55 =	vld [tilespmem:$0x15F0];
	[tilespmem:$0x2270] =	vst v3;
	v3 =	vadd.f32 v48, v2  }
0x166: {  	v57 =	vld [tilespmem:$0x1670];
	v56 =	vadd.f32 v49, v2;
	[tilespmem:$0x22F0] =	vst v53  }
0x167: {  	v58 =	vld [tilespmem:$0x16F0];
	[tilespmem:$0x2370] =	vst v3;
	v3 =	vadd.f32 v51, v2  }
0x168: {  	v60 =	vld [tilespmem:$0x1770];
	v59 =	vadd.f32 v52, v2;
	[tilespmem:$0x23F0] =	vst v56  }
0x169: {  	v61 =	vld [tilespmem:$0x17F0];
	[tilespmem:$0x2470] =	vst v3;
	v3 =	vadd.f32 v54, v2  }
0x16a: {  	v62 =	vadd.f32 v55, v2;
	[tilespmem:$0x24F0] =	vst v59  }
0x16b: {  	[tilespmem:$0x2570] =	vst v3;
	v3 =	vadd.f32 v57, v2  }
0x16c: {  	v63 =	vadd.f32 v58, v2;
	[tilespmem:$0x25F0] =	vst v62  }
0x16d: {  	[tilespmem:$0x2670] =	vst v3;
	v3 =	vadd.f32 v60, v2  }
0x16e: {  	[tilespmem:$0x26F0] =	vst v63;
	v2 =	vadd.f32 v61, v2  }
0x16f: {  	s7 =	sshra.s32 s1, $0x2;
	p1 =	sne.s32 s1, $0x30000;
	[tilespmem:$0x2770] =	vst v3  }
.Ltmp3:
0x170: {  	s7 =	sadd.s32 s7, s3;
	[tilespmem:$0x27F0] =	vst v2;
	(pc) =	sbr.rel @p1 .LBB2_3-.Ltmp3, $4  }
0x171: {  	[spmem:s7] =	stream.linear.scatter [tilespmem:s14], [sflag:$0x9], $0x1000, $0x38;
	[tilespmem:$0x1E400] =	vst v63  }
0x172: {  	_ =	swait.ge [sflag:s12], $0x1000  }
0x173: {  	[sflag:s12] =	ssyncset.done $0x0  }
0x174: {  	s1 =	sadd.s32 $0x4000, s1;
	s2 =	sadd.s32 $0x80, s2;
	[sflag:s12] =	ssyncadd.s32 $0xFFFFF000  }
.LBB2_4:
0x175: {  	[bflag:$0x0] =	sbarrier.arrive $0xFFFF  }
0x176: {  	s1 =	simm.s32 $0x0;
	s2 =	simm.s32 $0x0;
	s13 =	simm.s32 $0x0  }
.LBB2_5:
0x177: {  	s7 =	smul.u32 $0x1900, s13;
	_ =	sdelay $0x1  }
0x178: {  	s7 =	sadd.s32 s6, s7  }
0x179: {  	s7 =	smul.u32 $0x3, s7;
	_ =	sdelay $0x1  }
0x17a: {  	s7 =	sshrl.u32 s7, $0x3  }
0x17b: {  	v2 =	vadd.s32 s1, v0;
	s7 =	sadd.s32 s5, s7  }
0x17c: {  	v3 =	vadd.s32 s1, v1;
	[tilespmem:s15], [sflag:$0x9] =	stream.linear.gather [hbm4b:s7+s1], $0x4B00, $0x38;
	[tilespmem:$0x1E400] =	vst v63  }
0x17d: {  	_ =	swait.ge [sflag:s12], $0x4B00  }
0x17e: {  	[sflag:s12] =	ssyncset.done $0x0  }
0x17f: {  	[sflag:s12] =	ssyncadd.s32 $0xFFFFB500  }
0x180: {  	v4 =	vld.idx.msk [tilespmem:v2+s15+$0x0], $0xffff  }
0x181: {  	v3 =	vld.idx.msk [tilespmem:v3+s15+$0x0], $0xffff  }
0x182: {  	s7 =	simm.s32 $0x30  }
0x183: {  	s9 =	simm.s32 $0x60;
	s8 =	simm.s32 $0x0;
	v2 =	vadd.s32 s7, v0  }
.LBB2_6:
0x184: {  	p1 =	sne.s32 s9, $0x4AD0;
	v5 =	vadd.s32 s7, v1;
	s19 =	sadd.s32 s8, s2;
	s7 =	smov.u32 s9  }
0x185: {  	v4 =	vshll.u32 v4, $0x5;
	s17 =	sand.u32 $0x70, s8;
	s19 =	sand.u32 $0xFF80, s19  }
0x186: {  	v3 =	vadd.s32 v3, v4;
	s17 =	sor.u32 s17, s19  }
0x187: {  	[tilespmem:s17+$0x8000] =	vst v3  }
.Ltmp4:
0x188: {  	v4 =	vld.idx.msk [tilespmem:v2+s15+$0x0], $0xffff;
	(pc) =	sbr.rel @p1 .LBB2_6-.Ltmp4, $2  }
0x189: {  	v3 =	vld.idx.msk [tilespmem:v5+s15+$0x0], $0xffff;
	_ =	sdelay $0x2  }
0x18a: {  	s9 =	sadd.s32 $0x30, s9;
	s8 =	sadd.s32 $0x10, s8;
	v2 =	vadd.s32 s7, v0  }
0x18b: {  	v5 =	vadd.s32 s7, v1;
	s17 =	sadd.s32 s8, s2  }
0x18c: {  	v4 =	vshll.u32 v4, $0x5;
	s9 =	sand.u32 $0x70, s8;
	s7 =	sand.u32 $0xFF80, s17  }
0x18d: {  	v3 =	vadd.s32 v3, v4;
	s7 =	sor.u32 s9, s7  }
0x18e: {  	[tilespmem:s7+$0x8000] =	vst v3  }
0x18f: {  	v2 =	vld.idx.msk [tilespmem:v2+s15+$0x0], $0xffff  }
0x190: {  	s13 =	sadd.s32 $0x1, s13;
	v3 =	vld.idx.msk [tilespmem:v5+s15+$0x0], $0xffff  }
0x191: {  	p1 =	sne.s32 s13, $0x4  }
.Ltmp5:
0x192: {  	s19 =	sadd.s32 $0x10, s8;
	(pc) =	sbr.rel @p1 .LBB2_5-.Ltmp5, $4  }
0x193: {  	s8 =	sadd.s32 s19, s2  }
0x194: {  	s8 =	sand.u32 $0xFF80, s8;
	s7 =	sand.u32 $0x70, s19;
	v2 =	vshll.u32 v2, $0x5  }
0x195: {  	s7 =	sor.u32 s7, s8;
	v2 =	vadd.s32 v3, v2  }
0x196: {  	s2 =	sadd.s32 $0x1900, s2;
	[tilespmem:s7+$0x8000] =	vst v2  }
0x197: {  	s13 =	rddreg [dreg:$0x9]  }
0x198: {  	s1 =	simm.s32 $0x8000;
	s19 =	simm.s32 $0x8080;
	s9 =	rddreg [dreg:$0x8]  }
0x199: {  	[tilespmem:s18], [sflag:$0x1] =	stream.indirect.gather [spmem:s3], $0x80, s1, s16, $0xb8;
	[tilespmem:$0x1E400] =	vst v63  }
0x19a: {  	s2 =	smov.u32 s11;
	s8 =	rddreg [dreg:$0x7];
	s1 =	simm.s32 $0x0  }
0x19b: {  	[tilespmem:s20], [sflag:$0x2] =	stream.indirect.gather [spmem:s3], $0x80, s19, s16, $0xb8;
	[tilespmem:$0x1E400] =	vst v63  }
.LBB2_9:
0x19c: {  	_ =	swait.ge [sflag:s21], $0x4000  }
0x19d: {  	p1 =	seq.s32 s1, $0x0;
	[sflag:s21] =	ssyncset.done $0x0  }
0x19e: {  	s17 =	simm.s32 @!p1 $0x7;
	[sflag:s21] =	ssyncadd.s32 $0xFFFFC000  }
0x19f: {  	[hbm4b:s9+s4] =	stream.linear.scatter [tilespmem:s18], [sflag:$0x5], $0x4000, $0x38;
	[tilespmem:$0x1E400] =	vst v63  }
0x1a0: {  	_ =	swait.ge @!p1 [sflag:s17], $0x4000  }
0x1a1: {  	s7 =	sshra.s32 s1, $0x2;
	[sflag:s17] =	ssyncset.done @!p1 $0x0  }
0x1a2: {  	s10 =	sadd.s32 $0x8100, s7;
	[sflag:s17] =	ssyncadd.s32 @!p1 $0xFFFFC000  }
0x1a3: {  	[tilespmem:s22], [sflag:$0x3] =	stream.indirect.gather [spmem:s3], $0x80, s10, s16, $0xb8;
	[tilespmem:$0x1E400] =	vst v63  }
0x1a4: {  	_ =	swait.ge [sflag:s23], $0x4000  }
0x1a5: {  	[sflag:s23] =	ssyncset.done $0x0  }
0x1a6: {  	s17 =	simm.s32 @!p1 $0x8;
	[sflag:s23] =	ssyncadd.s32 $0xFFFFC000  }
0x1a7: {  	[hbm4b:s8+s4] =	stream.linear.scatter [tilespmem:s20], [sflag:$0x6], $0x4000, $0x38;
	[tilespmem:$0x1E400] =	vst v63  }
0x1a8: {  	_ =	swait.ge @!p1 [sflag:s17], $0x4000  }
0x1a9: {  	[sflag:s17] =	ssyncset.done @!p1 $0x0  }
0x1aa: {  	s19 =	sadd.s32 $0x8180, s7;
	[sflag:s17] =	ssyncadd.s32 @!p1 $0xFFFFC000  }
0x1ab: {  	[tilespmem:s24], [sflag:$0x4] =	stream.indirect.gather [spmem:s3], $0x80, s19, s16, $0xb8;
	[tilespmem:$0x1E400] =	vst v63  }
0x1ac: {  	_ =	swait.ge [sflag:s25], $0x4000  }
0x1ad: {  	p1 =	seq.s32 s1, $0x18800;
	[sflag:s25] =	ssyncset.done $0x0  }
0x1ae: {  	s17 =	simm.s32 @!p1 $0x5;
	[sflag:s25] =	ssyncadd.s32 $0xFFFFC000  }
0x1af: {  	[hbm4b:s2+s4] =	stream.linear.scatter [tilespmem:s22], [sflag:$0x7], $0x4000, $0x38;
	[tilespmem:$0x1E400] =	vst v63  }
0x1b0: {  	_ =	swait.ge @!p1 [sflag:s17], $0x4000  }
0x1b1: {  	[sflag:s17] =	ssyncset.done @!p1 $0x0  }
0x1b2: {  	[sflag:s17] =	ssyncadd.s32 @!p1 $0xFFFFC000;
	s17 =	sshra.s32 @!p1 s1, $0x2  }
0x1b3: {  	s19 =	simm.s32 @!p1 $0x80;
	s10 =	simm.s32 @!p1 $0xE400;
	s17 =	sadd.s32 @!p1 $0x8200, s17  }
0x1b4: {  	[tilespmem:s10], [sflag:$0x1] =	stream.indirect.gather @!p1 [spmem:s3], $0x80, s17, s19, $0xb8;
	[tilespmem:$0x1E400] =	vst v63  }
.Ltmp6:
0x1b5: {  	_ = 	snop;
	(pc) =	sbr.rel @p1 .LBB2_11-.Ltmp6, $4  }
0x1b6: {  	_ =	swait.ge [sflag:s26], $0x4000  }
0x1b7: {  	[sflag:s26] =	ssyncset.done $0x0  }
0x1b8: {  	[sflag:s26] =	ssyncadd.s32 $0xFFFFC000  }
0x1b9: {  	[hbm4b:s13+s4] =	stream.linear.scatter [tilespmem:s24], [sflag:$0x8], $0x4000, $0x38;
	[tilespmem:$0x1E400] =	vst v63  }
.Ltmp7:
0x1ba: {  	(pc) =	sbr.rel .LBB2_9-.Ltmp7, $4  }
0x1bb: {  	_ =	swait.ge [sflag:s29], $0x4000;
	s7 =	sadd.s32 $0x8280, s7;
	s1 =	sadd.s32 $0x800, s1  }
0x1bc: {  	s8 =	sadd.s32 $0x2000, s8;
	s9 =	sadd.s32 $0x2000, s9;
	[sflag:s29] =	ssyncset.done $0x0  }
0x1bd: {  	s13 =	sadd.s32 $0x2000, s13;
	s2 =	sadd.s32 $0x2000, s2;
	[sflag:s29] =	ssyncadd.s32 $0xFFFFC000  }
0x1be: {  	[tilespmem:s20], [sflag:$0x2] =	stream.indirect.gather [spmem:s3], $0x80, s7, s16, $0xb8;
	[tilespmem:$0x1E400] =	vst v63  }
.LBB2_12:
0x1bf: {  	_ =	sfence.sel $0x180000  }
0x1c0: {  	[bflag:$0x0] =	sbarrier.arrive $0xFFFF  }
0x1c1: {  	_ =	strace $0x90000047  }
0x1c2: {  	[bflag:$0x2] =	sbarrier.arrive $0xFFFF  }
0x1c3: {  	s0 =	rddreg [dreg:$0x5]  }
0x1c4: {  	s0 =	sadd.s32 @!p0 $0x100000, s0  }
0x1c5: {  	[sflag:s0] =	ssyncadd.tile.s32 @!p0 $0x1;
	_ =	shalt  }
.Lfunc_end2:
_tile_overlayer_lowered:
.L_overlay_start_2:
0x1c6: {  	(tag) =	ssettag $0x2  }
0x1c7: {  	s0 =	rddreg [dreg:$0x0];
	s2 =	stileid.u32  }
0x1c8: {  	s1 =	rddreg [dreg:$0x1];
	p0 =	sne.s32 s2, $0x0  }
0x1c9: {  	s3 =	rddreg [dreg:$0x2];
	[bflag:$0x3] =	sbarrier.arrive $0xFFFF;
	s2 =	simm.s32 @!p0 $0x1C09  }
0x1ca: {  	[timem:s3], [sflag:s2] =	dma.local @!p0 [hbm:s0], s1  }
0x1cb: {  	s0 =	simm.s32 @!p0 $0x9  }
0x1cc: {  	_ =	swait.ge @!p0 [sflag:s0], s1  }
0x1cd: {  	s1 =	ssub.s32 @!p0 $0x0, s1;
	[sflag:s0] =	ssyncset.done @!p0 $0x0  }
0x1ce: {  	[sflag:s0] =	ssyncadd.s32 @!p0 s1  }
0x1cf: {  	[bflag:$0x3] =	sbarrier.arrive $0xFFFF  }
0x1d0: {  	_ =	shalt  }

</sc_bundles>
